<compile_context>
chip_gen: v7x
topology: tpu7x:2x2x1
jax: 0.10.2.dev20260603
libtpu: 0.0.44.dev20260713+nightly
codegen_flags: <defaults>
</compile_context>

<pallas_src>
import jax
import jax.numpy as jnp
from jax import lax
from jax.experimental import pallas as pl
from jax.experimental.pallas import tpu as pltpu
from jax.experimental.pallas import tpu_sc as plsc

_B, _H, _W = 256, 512, 512
_K = 33
_KH = 16
_NW = 32
_BPW = _B // _NW
_T = _K * _K
_NC = 66
_NBUF = 3



def _body(img_hbm, coords_hbm, kw_hbm, out_hbm,
          coords_v, idx0_v, idx1_v, idx2_v, rows0_v, rows1_v, rows2_v,
          last0_v, last1_v, last2_v, kw_v, res_v,
          sem0, sem1, sem2):
    wid = lax.axis_index("c") * 16 + lax.axis_index("s")
    base = wid * _BPW
    iota = lax.iota(jnp.int32, 16)
    idx_bufs = (idx0_v, idx1_v, idx2_v)
    row_bufs = (rows0_v, rows1_v, rows2_v)
    last_bufs = (last0_v, last1_v, last2_v)
    sems = (sem0, sem1, sem2)

    pltpu.sync_copy(coords_hbm.at[pl.ds(base * 2, 16)], coords_v)
    cv = coords_v[...]

    def start_gather(i):
        y0 = cv[2 * i + 1]
        rowbase = (base + i) * _W
        idx_v = idx_bufs[i % _NBUF]
        for off in (0, 16, 17):
            tv = iota + off
            idx_v[pl.ds(off, 16)] = ((y0 - _KH + tv) & (_H - 1)) + rowbase
        d0 = pltpu.async_copy(img_hbm.at[idx_v.at[pl.ds(0, 32)]],
                              row_bufs[i % _NBUF], sems[i % _NBUF])
        d1 = pltpu.async_copy(img_hbm.at[idx_v.at[pl.ds(32, 1)]],
                              last_bufs[i % _NBUF], sems[i % _NBUF])
        return d0, d1

    pend = {0: start_gather(0), 1: start_gather(1)}
    pltpu.sync_copy(kw_hbm, kw_v)
    res = lax.full((16,), 0.0, jnp.float32)

    for i in range(_BPW):
        if i + 2 < _BPW:
            pend[i + 2] = start_gather(i + 2)
        d0, d1 = pend.pop(i)
        d0.wait()
        d1.wait()
        x0 = cv[2 * i]
        rows_v = row_bufs[i % _NBUF]
        last_v = last_bufs[i % _NBUF]
        @pl.loop(0, _NC, init_carry=lax.full((16,), 0.0, jnp.float32))
        def acc_loop(c, acc):
            t = iota + c * 16
            w = kw_v[pl.ds(c * 16, 16)]
            tk = (t * 1986) >> 16
            col = (x0 + t - tk * 33 - _KH) & (_W - 1)
            return acc + plsc.load_gather(rows_v, [tk, col]) * w

        acc = acc_loop
        for c in range(_NC, _NC + 3):
            off = c * 16 if c < _NC + 2 else _T - 16
            w = kw_v[pl.ds(off, 16)]
            if c == _NC + 2:
                w = w * (iota == 15).astype(jnp.float32)
            col = (x0 + (iota + off) - 32 * 33 - _KH) & (_W - 1)
            acc = acc + plsc.load_gather(last_v, [iota * 0, col]) * w
        tot = jnp.sum(acc)
        res = jnp.where(iota == i, jnp.full((16,), tot, jnp.float32), res)

    res_v[...] = res
    pltpu.sync_copy(res_v, out_hbm.at[wid])


@jax.jit
def _run(img, coords_flat, kw):
    mesh = plsc.VectorSubcoreMesh(core_axis_name="c", subcore_axis_name="s")
    f = pl.kernel(
        _body,
        out_type=jax.ShapeDtypeStruct((_NW, 16), jnp.float32),
        mesh=mesh,
        compiler_params=pltpu.CompilerParams(needs_layout_passes=False,
                                             use_tc_tiling_on_sc=True),
        scratch_types=[
            pltpu.VMEM((16,), jnp.int32),
            pltpu.VMEM((_K,), jnp.int32),
            pltpu.VMEM((_K,), jnp.int32),
            pltpu.VMEM((_K,), jnp.int32),
            pltpu.VMEM((32, _W), jnp.float32),
            pltpu.VMEM((32, _W), jnp.float32),
            pltpu.VMEM((32, _W), jnp.float32),
            pltpu.VMEM((1, _W), jnp.float32),
            pltpu.VMEM((1, _W), jnp.float32),
            pltpu.VMEM((1, _W), jnp.float32),
            pltpu.VMEM((_T,), jnp.float32),
            pltpu.VMEM((16,), jnp.float32),
            pltpu.SemaphoreType.DMA,
            pltpu.SemaphoreType.DMA,
            pltpu.SemaphoreType.DMA,
        ],
    )
    return f(img, coords_flat, kw)


def kernel(m, coords_pix, kernel):
    img = m.reshape(_B * _H, _W)
    coords_flat = coords_pix.reshape(-1).astype(jnp.int32)
    kw = kernel.reshape(-1)
    buf = _run(img, coords_flat, kw)
    return buf[:, :_BPW].reshape(_B, 1)

# --- scband reference (transcript-rebuilt; emitter-appended) ---
"""Pipeline reference for scband-local-kernel-point-eval-periodic-26817775796359 (READ-ONLY COPY).

The authoritative reference and input builder live on the scoring server;
editing this copy changes nothing except your own understanding.
"""

import jax, jax.numpy as jnp
import numpy as np

K = 33
K_HALF = (K - 1) // 2
B, H, W = 256, 512, 512


def setup_inputs(seed: int = 0) -> dict:
    key = jax.random.key(seed)
    k1, k2, k3 = jax.random.split(key, 3)
    m = jax.random.normal(k1, (B, 1, H, W), dtype=jnp.float32)
    coords_pix = jax.random.randint(k2, (B, 2), 0, 512)
    # learned parameter of kernel_module: kernel(device, dtype) -> [K, K] tensor
    kernel = jax.random.normal(k3, (K, K), dtype=jnp.float32) * 0.1
    return {"m": m, "coords_pix": coords_pix, "kernel": kernel}


def _grid_sample_bilinear_border(img4, gx, gy):
    # img4: [B, 1, Hp, Wp]; gx, gy: [B, K, K] normalized coords in [-1, 1]
    # replicates F.grid_sample(mode='bilinear', align_corners=True, padding_mode='border')
    Bn, C, Hp, Wp = img4.shape
    ix = (gx + 1.0) * 0.5 * (Wp - 1)
    iy = (gy + 1.0) * 0.5 * (Hp - 1)
    ix0f = jnp.floor(ix)
    iy0f = jnp.floor(iy)
    wx = ix - ix0f
    wy = iy - iy0f
    ix0 = ix0f.astype(jnp.int32)
    iy0 = iy0f.astype(jnp.int32)
    ix1 = ix0 + 1
    iy1 = iy0 + 1
    ix0c = jnp.clip(ix0, 0, Wp - 1)
    ix1c = jnp.clip(ix1, 0, Wp - 1)
    iy0c = jnp.clip(iy0, 0, Hp - 1)
    iy1c = jnp.clip(iy1, 0, Hp - 1)
    img = img4[:, 0]  # [B, Hp, Wp]
    bidx = jnp.arange(Bn)[:, None, None]
    v00 = img[bidx, iy0c, ix0c]
    v01 = img[bidx, iy0c, ix1c]
    v10 = img[bidx, iy1c, ix0c]
    v11 = img[bidx, iy1c, ix1c]
    patch = (v00 * (1.0 - wy) * (1.0 - wx)
             + v01 * (1.0 - wy) * wx
             + v10 * wy * (1.0 - wx)
             + v11 * wy * wx)
    return patch[:, None, :, :]  # [B, 1, K, K]


def reference(m, coords_pix, kernel):
    if m.ndim == 3:
        m = m[:, None]
    Bn, C, Hn, Wn = m.shape
    # circular (periodic) padding by k on both spatial dims
    m_eff = jnp.pad(m, ((0, 0), (0, 0), (K_HALF, K_HALF), (K_HALF, K_HALF)), mode='wrap')
    Hp, Wp = Hn + 2 * K_HALF, Wn + 2 * K_HALF
    dy, dx = jnp.meshgrid(jnp.arange(-K_HALF, K_HALF + 1),
                          jnp.arange(-K_HALF, K_HALF + 1), indexing='ij')
    dx = dx.astype(jnp.float32)
    dy = dy.astype(jnp.float32)
    x0 = coords_pix[:, 0].reshape(Bn, 1, 1).astype(jnp.float32) + K_HALF
    y0 = coords_pix[:, 1].reshape(Bn, 1, 1).astype(jnp.float32) + K_HALF
    xs = x0 + dx
    ys = y0 + dy
    gx = 2.0 * xs / max(Wp - 1, 1) - 1.0
    gy = 2.0 * ys / max(Hp - 1, 1) - 1.0
    patch = _grid_sample_bilinear_border(m_eff, gx, gy)  # [B, 1, K, K]
    out = (patch * kernel).sum(axis=(2, 3))  # [B, 1]
    return out

if __name__ == "__main__":
    import jax
    _d = setup_inputs()
    print(jax.jit(kernel)(*tuple(_d.values())))

</pallas_src>

<mosaic_0001>
#map = affine_map<(d0, d1) -> (0, 0)>
#map1 = affine_map<(d0, d1) -> (0)>
module attributes {stable_mosaic.version = 14 : i64} {
  func.func @_body(%arg0: i32, %arg1: i32, %arg2: memref<131072x512xf32, #tpu.memory_space<hbm>>, %arg3: memref<512xi32, #tpu.memory_space<hbm>>, %arg4: memref<1089xf32, #tpu.memory_space<hbm>>, %arg5: memref<32x16xf32, #tpu.memory_space<hbm>>, %arg6: memref<16xi32, #tpu.memory_space<vmem>>, %arg7: memref<33xi32, #tpu.memory_space<vmem>>, %arg8: memref<33xi32, #tpu.memory_space<vmem>>, %arg9: memref<33xi32, #tpu.memory_space<vmem>>, %arg10: memref<32x512xf32, #tpu.memory_space<vmem>>, %arg11: memref<32x512xf32, #tpu.memory_space<vmem>>, %arg12: memref<32x512xf32, #tpu.memory_space<vmem>>, %arg13: memref<1x512xf32, #tpu.memory_space<vmem>>, %arg14: memref<1x512xf32, #tpu.memory_space<vmem>>, %arg15: memref<1x512xf32, #tpu.memory_space<vmem>>, %arg16: memref<1089xf32, #tpu.memory_space<vmem>>, %arg17: memref<16xf32, #tpu.memory_space<vmem>>, %arg18: memref<!tpu.dma_semaphore, #tpu.memory_space<semaphore_mem>>, %arg19: memref<!tpu.dma_semaphore, #tpu.memory_space<semaphore_mem>>, %arg20: memref<!tpu.dma_semaphore, #tpu.memory_space<semaphore_mem>>) attributes {dimension_semantics = [#tpu.dimension_semantics<core_parallel>, #tpu.dimension_semantics<subcore_parallel>], iteration_bounds = array<i64: 2, 16>, scalar_prefetch = 0 : i64, scratch_operands = 15 : i64, tpu.core_type = #tpu.core_type<sc_vector_subcore>, window_params = [{transform_indices = #map}, {transform_indices = #map1}, {transform_indices = #map1}, {transform_indices = #map}]} {
    %mul3A = arith.constant 16 : i32
    %mul3A_0 = arith.muli %arg0, %mul3A : i32
    %add3A = arith.addi %mul3A_0, %arg1 : i32
    %mul3A_1 = arith.constant 8 : i32
    %mul3A_2 = arith.muli %add3A, %mul3A_1 : i32
    %iota3A = tpu.iota {dimensions = array<i32: 0>} : vector<16xi32>
    %mul3A_3 = arith.constant 2 : i32
    %mul3A_4 = arith.muli %mul3A_2, %mul3A_3 : i32
    "tpu.region"() ({
      %run_scoped3A = tpu.sem_alloc : memref<!tpu.dma_semaphore, #tpu.memory_space<semaphore_mem>>
      %dma_start3A_1268 = tpu.memref_slice %arg3[%mul3A_4] : memref<512xi32, #tpu.memory_space<hbm>> -> memref<16xi32, #tpu.memory_space<hbm>>
      %dma_start3A_1269 = tpu.memref_slice %arg3[%mul3A_4] : memref<512xi32, #tpu.memory_space<hbm>> -> memref<16xi32, #tpu.memory_space<hbm>>
      tpu.enqueue_dma source(%dma_start3A_1269 : memref<16xi32, #tpu.memory_space<hbm>>) target(%arg6 : memref<16xi32, #tpu.memory_space<vmem>>) target_semaphore(%run_scoped3A : memref<!tpu.dma_semaphore, #tpu.memory_space<semaphore_mem>>)
      %dma_wait3A_1270 = tpu.memref_slice %arg3[%mul3A_4] : memref<512xi32, #tpu.memory_space<hbm>> -> memref<16xi32, #tpu.memory_space<hbm>>
      %dma_wait3A_1271 = tpu.memref_slice %arg3[%mul3A_4] : memref<512xi32, #tpu.memory_space<hbm>> -> memref<16xi32, #tpu.memory_space<hbm>>
      tpu.wait_dma2 semaphore(%run_scoped3A : memref<!tpu.dma_semaphore, #tpu.memory_space<semaphore_mem>>) src(%dma_wait3A_1271 : memref<16xi32, #tpu.memory_space<hbm>>) dst(%arg6 : memref<16xi32, #tpu.memory_space<vmem>>)
      tpu.yield
    }) : () -> ()
    %get3A = arith.constant 0 : index
    %get3A_5 = tpu.vector_load %arg6[%get3A] {strides = array<i32>} : memref<16xi32, #tpu.memory_space<vmem>>, vector<16xi32>,
    %slice3A = vector.extract_strided_slice %get3A_5 {offsets = [1], sizes = [1], strides = [1]} : vector<16xi32> to vector<1xi32>
    %squeeze3A = vector.extract %slice3A[0] : i32 from vector<1xi32>
    %add3A_6 = arith.constant 0 : i32
    %add3A_7 = arith.addi %mul3A_2, %add3A_6 : i32
    %mul3A_8 = arith.constant 512 : i32
    %mul3A_9 = arith.muli %add3A_7, %mul3A_8 : i32
    %add3A_10 = arith.constant 0 : i32
    %add3A_11 = vector.broadcast %add3A_10 : i32 to vector<16xi32>
    %add3A_12 = arith.addi %iota3A, %add3A_11 : vector<16xi32>
    %sub3A = arith.constant 16 : i32
    %sub3A_13 = arith.subi %squeeze3A, %sub3A : i32
    %add3A_14 = vector.broadcast %sub3A_13 : i32 to vector<16xi32>
    %add3A_15 = arith.addi %add3A_14, %add3A_12 : vector<16xi32>
    %and3A = arith.constant 511 : i32
    %and3A_16 = vector.broadcast %and3A : i32 to vector<16xi32>
    %and3A_17 = arith.andi %add3A_15, %and3A_16 : vector<16xi32>
    %add3A_18 = vector.broadcast %mul3A_9 : i32 to vector<16xi32>
    %add3A_19 = arith.addi %and3A_17, %add3A_18 : vector<16xi32>
    %swap3A = arith.constant 0 : index
    %swap3A_20 = tpu.vector_load %arg7[%swap3A] {strides = array<i32>} : memref<33xi32, #tpu.memory_space<vmem>>, vector<16xi32>,
    tpu.vector_store %arg7[%swap3A], %add3A_19 {strides = array<i32>} : memref<33xi32, #tpu.memory_space<vmem>>, vector<16xi32>,
    %add3A_21 = arith.constant 16 : i32
    %add3A_22 = vector.broadcast %add3A_21 : i32 to vector<16xi32>
    %add3A_23 = arith.addi %iota3A, %add3A_22 : vector<16xi32>
    %sub3A_24 = arith.constant 16 : i32
    %sub3A_25 = arith.subi %squeeze3A, %sub3A_24 : i32
    %add3A_26 = vector.broadcast %sub3A_25 : i32 to vector<16xi32>
    %add3A_27 = arith.addi %add3A_26, %add3A_23 : vector<16xi32>
    %and3A_28 = arith.constant 511 : i32
    %and3A_29 = vector.broadcast %and3A_28 : i32 to vector<16xi32>
    %and3A_30 = arith.andi %add3A_27, %and3A_29 : vector<16xi32>
    %add3A_31 = vector.broadcast %mul3A_9 : i32 to vector<16xi32>
    %add3A_32 = arith.addi %and3A_30, %add3A_31 : vector<16xi32>
    %swap3A_33 = arith.constant 16 : index
    %swap3A_34 = tpu.vector_load %arg7[%swap3A_33] {strides = array<i32>} : memref<33xi32, #tpu.memory_space<vmem>>, vector<16xi32>,
    tpu.vector_store %arg7[%swap3A_33], %add3A_32 {strides = array<i32>} : memref<33xi32, #tpu.memory_space<vmem>>, vector<16xi32>,
    %add3A_35 = arith.constant 17 : i32
    %add3A_36 = vector.broadcast %add3A_35 : i32 to vector<16xi32>
    %add3A_37 = arith.addi %iota3A, %add3A_36 : vector<16xi32>
    %sub3A_38 = arith.constant 16 : i32
    %sub3A_39 = arith.subi %squeeze3A, %sub3A_38 : i32
    %add3A_40 = vector.broadcast %sub3A_39 : i32 to vector<16xi32>
    %add3A_41 = arith.addi %add3A_40, %add3A_37 : vector<16xi32>
    %and3A_42 = arith.constant 511 : i32
    %and3A_43 = vector.broadcast %and3A_42 : i32 to vector<16xi32>
    %and3A_44 = arith.andi %add3A_41, %and3A_43 : vector<16xi32>
    %add3A_45 = vector.broadcast %mul3A_9 : i32 to vector<16xi32>
    %add3A_46 = arith.addi %and3A_44, %add3A_45 : vector<16xi32>
    %swap3A_47 = arith.constant 17 : index
    %swap3A_48 = tpu.vector_load %arg7[%swap3A_47] {strides = array<i32>} : memref<33xi32, #tpu.memory_space<vmem>>, vector<16xi32>,
    tpu.vector_store %arg7[%swap3A_47], %add3A_46 {strides = array<i32>} : memref<33xi32, #tpu.memory_space<vmem>>, vector<16xi32>,
    %dma_start3A = arith.constant 0 : i32
    %dma_start3A_49 = tpu.memref_slice %arg7[%dma_start3A] : memref<33xi32, #tpu.memory_space<vmem>> -> memref<32xi32, #tpu.memory_space<vmem>>
    %dma_start3A_50 = arith.constant 0 : i32
    %dma_start3A_51 = arith.constant 0 : i32
    %dma_start3A_52 = tpu.memref_slice %arg2[%dma_start3A_50, %dma_start3A_51] : memref<131072x512xf32, #tpu.memory_space<hbm>> -> memref<131072x512xf32, #tpu.memory_space<hbm>>
    tpu.enqueue_indirect_dma source(%dma_start3A_52 : memref<131072x512xf32, #tpu.memory_space<hbm>>) target(%arg10 : memref<32x512xf32, #tpu.memory_space<vmem>>) offsets(%dma_start3A_49 : memref<32xi32, #tpu.memory_space<vmem>>) semaphore(%arg18 : memref<!tpu.dma_semaphore, #tpu.memory_space<semaphore_mem>>)
    %dma_start3A_53 = arith.constant 32 : i32
    %dma_start3A_54 = tpu.memref_slice %arg7[%dma_start3A_53] : memref<33xi32, #tpu.memory_space<vmem>> -> memref<1xi32, #tpu.memory_space<vmem>>
    %dma_start3A_55 = arith.constant 0 : i32
    %dma_start3A_56 = arith.constant 0 : i32
    %dma_start3A_57 = tpu.memref_slice %arg2[%dma_start3A_55, %dma_start3A_56] : memref<131072x512xf32, #tpu.memory_space<hbm>> -> memref<131072x512xf32, #tpu.memory_space<hbm>>
    tpu.enqueue_indirect_dma source(%dma_start3A_57 : memref<131072x512xf32, #tpu.memory_space<hbm>>) target(%arg13 : memref<1x512xf32, #tpu.memory_space<vmem>>) offsets(%dma_start3A_54 : memref<1xi32, #tpu.memory_space<vmem>>) semaphore(%arg18 : memref<!tpu.dma_semaphore, #tpu.memory_space<semaphore_mem>>)
    %slice3A_58 = vector.extract_strided_slice %get3A_5 {offsets = [3], sizes = [1], strides = [1]} : vector<16xi32> to vector<1xi32>
    %squeeze3A_59 = vector.extract %slice3A_58[0] : i32 from vector<1xi32>
    %add3A_60 = arith.constant 1 : i32
    %add3A_61 = arith.addi %mul3A_2, %add3A_60 : i32
    %mul3A_62 = arith.constant 512 : i32
    %mul3A_63 = arith.muli %add3A_61, %mul3A_62 : i32
    %add3A_64 = arith.constant 0 : i32
    %add3A_65 = vector.broadcast %add3A_64 : i32 to vector<16xi32>
    %add3A_66 = arith.addi %iota3A, %add3A_65 : vector<16xi32>
    %sub3A_67 = arith.constant 16 : i32
    %sub3A_68 = arith.subi %squeeze3A_59, %sub3A_67 : i32
    %add3A_69 = vector.broadcast %sub3A_68 : i32 to vector<16xi32>
    %add3A_70 = arith.addi %add3A_69, %add3A_66 : vector<16xi32>
    %and3A_71 = arith.constant 511 : i32
    %and3A_72 = vector.broadcast %and3A_71 : i32 to vector<16xi32>
    %and3A_73 = arith.andi %add3A_70, %and3A_72 : vector<16xi32>
    %add3A_74 = vector.broadcast %mul3A_63 : i32 to vector<16xi32>
    %add3A_75 = arith.addi %and3A_73, %add3A_74 : vector<16xi32>
    %swap3A_76 = arith.constant 0 : index
    %swap3A_77 = tpu.vector_load %arg8[%swap3A_76] {strides = array<i32>} : memref<33xi32, #tpu.memory_space<vmem>>, vector<16xi32>,
    tpu.vector_store %arg8[%swap3A_76], %add3A_75 {strides = array<i32>} : memref<33xi32, #tpu.memory_space<vmem>>, vector<16xi32>,
    %add3A_78 = arith.constant 16 : i32
    %add3A_79 = vector.broadcast %add3A_78 : i32 to vector<16xi32>
    %add3A_80 = arith.addi %iota3A, %add3A_79 : vector<16xi32>
    %sub3A_81 = arith.constant 16 : i32
    %sub3A_82 = arith.subi %squeeze3A_59, %sub3A_81 : i32
    %add3A_83 = vector.broadcast %sub3A_82 : i32 to vector<16xi32>
    %add3A_84 = arith.addi %add3A_83, %add3A_80 : vector<16xi32>
    %and3A_85 = arith.constant 511 : i32
    %and3A_86 = vector.broadcast %and3A_85 : i32 to vector<16xi32>
    %and3A_87 = arith.andi %add3A_84, %and3A_86 : vector<16xi32>
    %add3A_88 = vector.broadcast %mul3A_63 : i32 to vector<16xi32>
    %add3A_89 = arith.addi %and3A_87, %add3A_88 : vector<16xi32>
    %swap3A_90 = arith.constant 16 : index
    %swap3A_91 = tpu.vector_load %arg8[%swap3A_90] {strides = array<i32>} : memref<33xi32, #tpu.memory_space<vmem>>, vector<16xi32>,
    tpu.vector_store %arg8[%swap3A_90], %add3A_89 {strides = array<i32>} : memref<33xi32, #tpu.memory_space<vmem>>, vector<16xi32>,
    %add3A_92 = arith.constant 17 : i32
    %add3A_93 = vector.broadcast %add3A_92 : i32 to vector<16xi32>
    %add3A_94 = arith.addi %iota3A, %add3A_93 : vector<16xi32>
    %sub3A_95 = arith.constant 16 : i32
    %sub3A_96 = arith.subi %squeeze3A_59, %sub3A_95 : i32
    %add3A_97 = vector.broadcast %sub3A_96 : i32 to vector<16xi32>
    %add3A_98 = arith.addi %add3A_97, %add3A_94 : vector<16xi32>
    %and3A_99 = arith.constant 511 : i32
    %and3A_100 = vector.broadcast %and3A_99 : i32 to vector<16xi32>
    %and3A_101 = arith.andi %add3A_98, %and3A_100 : vector<16xi32>
    %add3A_102 = vector.broadcast %mul3A_63 : i32 to vector<16xi32>
    %add3A_103 = arith.addi %and3A_101, %add3A_102 : vector<16xi32>
    %swap3A_104 = arith.constant 17 : index
    %swap3A_105 = tpu.vector_load %arg8[%swap3A_104] {strides = array<i32>} : memref<33xi32, #tpu.memory_space<vmem>>, vector<16xi32>,
    tpu.vector_store %arg8[%swap3A_104], %add3A_103 {strides = array<i32>} : memref<33xi32, #tpu.memory_space<vmem>>, vector<16xi32>,
    %dma_start3A_106 = arith.constant 0 : i32
    %dma_start3A_107 = tpu.memref_slice %arg8[%dma_start3A_106] : memref<33xi32, #tpu.memory_space<vmem>> -> memref<32xi32, #tpu.memory_space<vmem>>
    %dma_start3A_108 = arith.constant 0 : i32
    %dma_start3A_109 = arith.constant 0 : i32
    %dma_start3A_110 = tpu.memref_slice %arg2[%dma_start3A_108, %dma_start3A_109] : memref<131072x512xf32, #tpu.memory_space<hbm>> -> memref<131072x512xf32, #tpu.memory_space<hbm>>
    tpu.enqueue_indirect_dma source(%dma_start3A_110 : memref<131072x512xf32, #tpu.memory_space<hbm>>) target(%arg11 : memref<32x512xf32, #tpu.memory_space<vmem>>) offsets(%dma_start3A_107 : memref<32xi32, #tpu.memory_space<vmem>>) semaphore(%arg19 : memref<!tpu.dma_semaphore, #tpu.memory_space<semaphore_mem>>)
    %dma_start3A_111 = arith.constant 32 : i32
    %dma_start3A_112 = tpu.memref_slice %arg8[%dma_start3A_111] : memref<33xi32, #tpu.memory_space<vmem>> -> memref<1xi32, #tpu.memory_space<vmem>>
    %dma_start3A_113 = arith.constant 0 : i32
    %dma_start3A_114 = arith.constant 0 : i32
    %dma_start3A_115 = tpu.memref_slice %arg2[%dma_start3A_113, %dma_start3A_114] : memref<131072x512xf32, #tpu.memory_space<hbm>> -> memref<131072x512xf32, #tpu.memory_space<hbm>>
    tpu.enqueue_indirect_dma source(%dma_start3A_115 : memref<131072x512xf32, #tpu.memory_space<hbm>>) target(%arg14 : memref<1x512xf32, #tpu.memory_space<vmem>>) offsets(%dma_start3A_112 : memref<1xi32, #tpu.memory_space<vmem>>) semaphore(%arg19 : memref<!tpu.dma_semaphore, #tpu.memory_space<semaphore_mem>>)
    "tpu.region"() ({
      %run_scoped3A = tpu.sem_alloc : memref<!tpu.dma_semaphore, #tpu.memory_space<semaphore_mem>>
      tpu.enqueue_dma source(%arg4 : memref<1089xf32, #tpu.memory_space<hbm>>) target(%arg16 : memref<1089xf32, #tpu.memory_space<vmem>>) target_semaphore(%run_scoped3A : memref<!tpu.dma_semaphore, #tpu.memory_space<semaphore_mem>>)
      tpu.wait_dma2 semaphore(%run_scoped3A : memref<!tpu.dma_semaphore, #tpu.memory_space<semaphore_mem>>) src(%arg4 : memref<1089xf32, #tpu.memory_space<hbm>>) dst(%arg16 : memref<1089xf32, #tpu.memory_space<vmem>>)
      tpu.yield
    }) : () -> ()
    %broadcast_in_dim3A = arith.constant 0.000000e+00 : f32
    %broadcast_in_dim3A_116 = vector.broadcast %broadcast_in_dim3A : f32 to vector<16xf32>
    %slice3A_117 = vector.extract_strided_slice %get3A_5 {offsets = [5], sizes = [1], strides = [1]} : vector<16xi32> to vector<1xi32>
    %squeeze3A_118 = vector.extract %slice3A_117[0] : i32 from vector<1xi32>
    %add3A_119 = arith.constant 2 : i32
    %add3A_120 = arith.addi %mul3A_2, %add3A_119 : i32
    %mul3A_121 = arith.constant 512 : i32
    %mul3A_122 = arith.muli %add3A_120, %mul3A_121 : i32
    %add3A_123 = arith.constant 0 : i32
    %add3A_124 = vector.broadcast %add3A_123 : i32 to vector<16xi32>
    %add3A_125 = arith.addi %iota3A, %add3A_124 : vector<16xi32>
    %sub3A_126 = arith.constant 16 : i32
    %sub3A_127 = arith.subi %squeeze3A_118, %sub3A_126 : i32
    %add3A_128 = vector.broadcast %sub3A_127 : i32 to vector<16xi32>
    %add3A_129 = arith.addi %add3A_128, %add3A_125 : vector<16xi32>
    %and3A_130 = arith.constant 511 : i32
    %and3A_131 = vector.broadcast %and3A_130 : i32 to vector<16xi32>
    %and3A_132 = arith.andi %add3A_129, %and3A_131 : vector<16xi32>
    %add3A_133 = vector.broadcast %mul3A_122 : i32 to vector<16xi32>
    %add3A_134 = arith.addi %and3A_132, %add3A_133 : vector<16xi32>
    %swap3A_135 = arith.constant 0 : index
    %swap3A_136 = tpu.vector_load %arg9[%swap3A_135] {strides = array<i32>} : memref<33xi32, #tpu.memory_space<vmem>>, vector<16xi32>,
    tpu.vector_store %arg9[%swap3A_135], %add3A_134 {strides = array<i32>} : memref<33xi32, #tpu.memory_space<vmem>>, vector<16xi32>,
    %add3A_137 = arith.constant 16 : i32
    %add3A_138 = vector.broadcast %add3A_137 : i32 to vector<16xi32>
    %add3A_139 = arith.addi %iota3A, %add3A_138 : vector<16xi32>
    %sub3A_140 = arith.constant 16 : i32
    %sub3A_141 = arith.subi %squeeze3A_118, %sub3A_140 : i32
    %add3A_142 = vector.broadcast %sub3A_141 : i32 to vector<16xi32>
    %add3A_143 = arith.addi %add3A_142, %add3A_139 : vector<16xi32>
    %and3A_144 = arith.constant 511 : i32
    %and3A_145 = vector.broadcast %and3A_144 : i32 to vector<16xi32>
    %and3A_146 = arith.andi %add3A_143, %and3A_145 : vector<16xi32>
    %add3A_147 = vector.broadcast %mul3A_122 : i32 to vector<16xi32>
    %add3A_148 = arith.addi %and3A_146, %add3A_147 : vector<16xi32>
    %swap3A_149 = arith.constant 16 : index
    %swap3A_150 = tpu.vector_load %arg9[%swap3A_149] {strides = array<i32>} : memref<33xi32, #tpu.memory_space<vmem>>, vector<16xi32>,
    tpu.vector_store %arg9[%swap3A_149], %add3A_148 {strides = array<i32>} : memref<33xi32, #tpu.memory_space<vmem>>, vector<16xi32>,
    %add3A_151 = arith.constant 17 : i32
    %add3A_152 = vector.broadcast %add3A_151 : i32 to vector<16xi32>
    %add3A_153 = arith.addi %iota3A, %add3A_152 : vector<16xi32>
    %sub3A_154 = arith.constant 16 : i32
    %sub3A_155 = arith.subi %squeeze3A_118, %sub3A_154 : i32
    %add3A_156 = vector.broadcast %sub3A_155 : i32 to vector<16xi32>
    %add3A_157 = arith.addi %add3A_156, %add3A_153 : vector<16xi32>
    %and3A_158 = arith.constant 511 : i32
    %and3A_159 = vector.broadcast %and3A_158 : i32 to vector<16xi32>
    %and3A_160 = arith.andi %add3A_157, %and3A_159 : vector<16xi32>
    %add3A_161 = vector.broadcast %mul3A_122 : i32 to vector<16xi32>
    %add3A_162 = arith.addi %and3A_160, %add3A_161 : vector<16xi32>
    %swap3A_163 = arith.constant 17 : index
    %swap3A_164 = tpu.vector_load %arg9[%swap3A_163] {strides = array<i32>} : memref<33xi32, #tpu.memory_space<vmem>>, vector<16xi32>,
    tpu.vector_store %arg9[%swap3A_163], %add3A_162 {strides = array<i32>} : memref<33xi32, #tpu.memory_space<vmem>>, vector<16xi32>,
    %dma_start3A_165 = arith.constant 0 : i32
    %dma_start3A_166 = tpu.memref_slice %arg9[%dma_start3A_165] : memref<33xi32, #tpu.memory_space<vmem>> -> memref<32xi32, #tpu.memory_space<vmem>>
    %dma_start3A_167 = arith.constant 0 : i32
    %dma_start3A_168 = arith.constant 0 : i32
    %dma_start3A_169 = tpu.memref_slice %arg2[%dma_start3A_167, %dma_start3A_168] : memref<131072x512xf32, #tpu.memory_space<hbm>> -> memref<131072x512xf32, #tpu.memory_space<hbm>>
    tpu.enqueue_indirect_dma source(%dma_start3A_169 : memref<131072x512xf32, #tpu.memory_space<hbm>>) target(%arg12 : memref<32x512xf32, #tpu.memory_space<vmem>>) offsets(%dma_start3A_166 : memref<32xi32, #tpu.memory_space<vmem>>) semaphore(%arg20 : memref<!tpu.dma_semaphore, #tpu.memory_space<semaphore_mem>>)
    %dma_start3A_170 = arith.constant 32 : i32
    %dma_start3A_171 = tpu.memref_slice %arg9[%dma_start3A_170] : memref<33xi32, #tpu.memory_space<vmem>> -> memref<1xi32, #tpu.memory_space<vmem>>
    %dma_start3A_172 = arith.constant 0 : i32
    %dma_start3A_173 = arith.constant 0 : i32
    %dma_start3A_174 = tpu.memref_slice %arg2[%dma_start3A_172, %dma_start3A_173] : memref<131072x512xf32, #tpu.memory_space<hbm>> -> memref<131072x512xf32, #tpu.memory_space<hbm>>
    tpu.enqueue_indirect_dma source(%dma_start3A_174 : memref<131072x512xf32, #tpu.memory_space<hbm>>) target(%arg15 : memref<1x512xf32, #tpu.memory_space<vmem>>) offsets(%dma_start3A_171 : memref<1xi32, #tpu.memory_space<vmem>>) semaphore(%arg20 : memref<!tpu.dma_semaphore, #tpu.memory_space<semaphore_mem>>)
    %dma_wait3A = arith.constant 0 : i32
    %dma_wait3A_175 = tpu.memref_slice %arg7[%dma_wait3A] : memref<33xi32, #tpu.memory_space<vmem>> -> memref<32xi32, #tpu.memory_space<vmem>>
    %dma_wait3A_176 = arith.constant 0 : i32
    %dma_wait3A_177 = arith.constant 0 : i32
    %dma_wait3A_178 = tpu.memref_slice %arg2[%dma_wait3A_176, %dma_wait3A_177] : memref<131072x512xf32, #tpu.memory_space<hbm>> -> memref<131072x512xf32, #tpu.memory_space<hbm>>
    tpu.wait_indirect_dma semaphore(%arg18 : memref<!tpu.dma_semaphore, #tpu.memory_space<semaphore_mem>>) src(%dma_wait3A_178 : memref<131072x512xf32, #tpu.memory_space<hbm>>) dst(%arg10 : memref<32x512xf32, #tpu.memory_space<vmem>>)
    %dma_wait3A_179 = arith.constant 32 : i32
    %dma_wait3A_180 = tpu.memref_slice %arg7[%dma_wait3A_179] : memref<33xi32, #tpu.memory_space<vmem>> -> memref<1xi32, #tpu.memory_space<vmem>>
    %dma_wait3A_181 = arith.constant 0 : i32
    %dma_wait3A_182 = arith.constant 0 : i32
    %dma_wait3A_183 = tpu.memref_slice %arg2[%dma_wait3A_181, %dma_wait3A_182] : memref<131072x512xf32, #tpu.memory_space<hbm>> -> memref<131072x512xf32, #tpu.memory_space<hbm>>
    tpu.wait_indirect_dma semaphore(%arg18 : memref<!tpu.dma_semaphore, #tpu.memory_space<semaphore_mem>>) src(%dma_wait3A_183 : memref<131072x512xf32, #tpu.memory_space<hbm>>) dst(%arg13 : memref<1x512xf32, #tpu.memory_space<vmem>>)
    %slice3A_184 = vector.extract_strided_slice %get3A_5 {offsets = [0], sizes = [1], strides = [1]} : vector<16xi32> to vector<1xi32>
    %squeeze3A_185 = vector.extract %slice3A_184[0] : i32 from vector<1xi32>
    %broadcast_in_dim3A_186 = arith.constant 0.000000e+00 : f32
    %broadcast_in_dim3A_187 = vector.broadcast %broadcast_in_dim3A_186 : f32 to vector<16xf32>
    %scan3A = arith.constant 0 : i32
    %scan3A_188 = arith.constant 66 : i32
    %scan3A_189 = arith.addi %scan3A, %scan3A_188 : i32
    %scan3A_190 = arith.constant 1 : i32
    %scan3A_191 = scf.for %scan3A_1268 = %scan3A to %scan3A_189 step %scan3A_190 iter_args(%scan3A_1269 = %broadcast_in_dim3A_187) -> (vector<16xf32>)  : i32 {
      %mul3A_1270 = arith.constant 1 : i32
      %mul3A_1271 = arith.muli %scan3A_1268, %mul3A_1270 : i32
      %add3A_1272 = arith.constant 0 : i32
      %add3A_1273 = arith.addi %add3A_1272, %mul3A_1271 : i32
      %mul3A_1274 = arith.constant 16 : i32
      %mul3A_1275 = arith.muli %add3A_1273, %mul3A_1274 : i32
      %add3A_1276 = vector.broadcast %mul3A_1275 : i32 to vector<16xi32>
      %add3A_1277 = arith.addi %iota3A, %add3A_1276 : vector<16xi32>
      %mul3A_1278 = arith.constant 16 : i32
      %mul3A_1279 = arith.muli %add3A_1273, %mul3A_1278 : i32
      %get3A_1280 = arith.index_cast %mul3A_1279 : i32 to index
      %get3A_1281 = tpu.vector_load %arg16[%get3A_1280] {strides = array<i32>} : memref<1089xf32, #tpu.memory_space<vmem>>, vector<16xf32>,
      %mul3A_1282 = arith.constant 1986 : i32
      %mul3A_1283 = vector.broadcast %mul3A_1282 : i32 to vector<16xi32>
      %mul3A_1284 = arith.muli %add3A_1277, %mul3A_1283 : vector<16xi32>
      %shift_right_arithmetic3A = arith.constant 16 : i32
      %shift_right_arithmetic3A_1285 = vector.broadcast %shift_right_arithmetic3A : i32 to vector<16xi32>
      %shift_right_arithmetic3A_1286 = arith.shrsi %mul3A_1284, %shift_right_arithmetic3A_1285 : vector<16xi32>
      %add3A_1287 = vector.broadcast %squeeze3A_185 : i32 to vector<16xi32>
      %add3A_1288 = arith.addi %add3A_1287, %add3A_1277 : vector<16xi32>
      %mul3A_1289 = arith.constant 33 : i32
      %mul3A_1290 = vector.broadcast %mul3A_1289 : i32 to vector<16xi32>
      %mul3A_1291 = arith.muli %shift_right_arithmetic3A_1286, %mul3A_1290 : vector<16xi32>
      %sub3A_1292 = arith.subi %add3A_1288, %mul3A_1291 : vector<16xi32>
      %sub3A_1293 = arith.constant 16 : i32
      %sub3A_1294 = vector.broadcast %sub3A_1293 : i32 to vector<16xi32>
      %sub3A_1295 = arith.subi %sub3A_1292, %sub3A_1294 : vector<16xi32>
      %and3A_1296 = arith.constant 511 : i32
      %and3A_1297 = vector.broadcast %and3A_1296 : i32 to vector<16xi32>
      %and3A_1298 = arith.andi %sub3A_1295, %and3A_1297 : vector<16xi32>
      %gather3A_1299 = tpu.vector_load_idx %arg10[%shift_right_arithmetic3A_1286, %and3A_1298] : memref<32x512xf32, #tpu.memory_space<vmem>>[vector<16xi32>, vector<16xi32>], vector<16xf32>,
      %mul3A_1300 = arith.mulf %gather3A_1299, %get3A_1281 : vector<16xf32>
      %add3A_1301 = arith.addf %scan3A_1269, %mul3A_1300 : vector<16xf32>
      scf.yield %add3A_1301 : vector<16xf32>
    }
    %scan3A_192 = arith.constant 66 : i32
    %get3A_193 = arith.constant 1056 : index
    %get3A_194 = tpu.vector_load %arg16[%get3A_193] {strides = array<i32>} : memref<1089xf32, #tpu.memory_space<vmem>>, vector<16xf32>,
    %add3A_195 = arith.constant 1056 : i32
    %add3A_196 = vector.broadcast %add3A_195 : i32 to vector<16xi32>
    %add3A_197 = arith.addi %iota3A, %add3A_196 : vector<16xi32>
    %add3A_198 = vector.broadcast %squeeze3A_185 : i32 to vector<16xi32>
    %add3A_199 = arith.addi %add3A_198, %add3A_197 : vector<16xi32>
    %sub3A_200 = arith.constant 1056 : i32
    %sub3A_201 = vector.broadcast %sub3A_200 : i32 to vector<16xi32>
    %sub3A_202 = arith.subi %add3A_199, %sub3A_201 : vector<16xi32>
    %sub3A_203 = arith.constant 16 : i32
    %sub3A_204 = vector.broadcast %sub3A_203 : i32 to vector<16xi32>
    %sub3A_205 = arith.subi %sub3A_202, %sub3A_204 : vector<16xi32>
    %and3A_206 = arith.constant 511 : i32
    %and3A_207 = vector.broadcast %and3A_206 : i32 to vector<16xi32>
    %and3A_208 = arith.andi %sub3A_205, %and3A_207 : vector<16xi32>
    %mul3A_209 = arith.constant 0 : i32
    %mul3A_210 = vector.broadcast %mul3A_209 : i32 to vector<16xi32>
    %mul3A_211 = arith.muli %iota3A, %mul3A_210 : vector<16xi32>
    %gather3A = tpu.vector_load_idx %arg13[%mul3A_211, %and3A_208] : memref<1x512xf32, #tpu.memory_space<vmem>>[vector<16xi32>, vector<16xi32>], vector<16xf32>,
    %mul3A_212 = arith.mulf %gather3A, %get3A_194 : vector<16xf32>
    %add3A_213 = arith.addf %scan3A_191, %mul3A_212 : vector<16xf32>
    %get3A_214 = arith.constant 1072 : index
    %get3A_215 = tpu.vector_load %arg16[%get3A_214] {strides = array<i32>} : memref<1089xf32, #tpu.memory_space<vmem>>, vector<16xf32>,
    %add3A_216 = arith.constant 1072 : i32
    %add3A_217 = vector.broadcast %add3A_216 : i32 to vector<16xi32>
    %add3A_218 = arith.addi %iota3A, %add3A_217 : vector<16xi32>
    %add3A_219 = vector.broadcast %squeeze3A_185 : i32 to vector<16xi32>
    %add3A_220 = arith.addi %add3A_219, %add3A_218 : vector<16xi32>
    %sub3A_221 = arith.constant 1056 : i32
    %sub3A_222 = vector.broadcast %sub3A_221 : i32 to vector<16xi32>
    %sub3A_223 = arith.subi %add3A_220, %sub3A_222 : vector<16xi32>
    %sub3A_224 = arith.constant 16 : i32
    %sub3A_225 = vector.broadcast %sub3A_224 : i32 to vector<16xi32>
    %sub3A_226 = arith.subi %sub3A_223, %sub3A_225 : vector<16xi32>
    %and3A_227 = arith.constant 511 : i32
    %and3A_228 = vector.broadcast %and3A_227 : i32 to vector<16xi32>
    %and3A_229 = arith.andi %sub3A_226, %and3A_228 : vector<16xi32>
    %mul3A_230 = arith.constant 0 : i32
    %mul3A_231 = vector.broadcast %mul3A_230 : i32 to vector<16xi32>
    %mul3A_232 = arith.muli %iota3A, %mul3A_231 : vector<16xi32>
    %gather3A_233 = tpu.vector_load_idx %arg13[%mul3A_232, %and3A_229] : memref<1x512xf32, #tpu.memory_space<vmem>>[vector<16xi32>, vector<16xi32>], vector<16xf32>,
    %mul3A_234 = arith.mulf %gather3A_233, %get3A_215 : vector<16xf32>
    %add3A_235 = arith.addf %add3A_213, %mul3A_234 : vector<16xf32>
    %get3A_236 = arith.constant 1073 : index
    %get3A_237 = tpu.vector_load %arg16[%get3A_236] {strides = array<i32>} : memref<1089xf32, #tpu.memory_space<vmem>>, vector<16xf32>,
    %eq3A = arith.constant 15 : i32
    %eq3A_238 = vector.broadcast %eq3A : i32 to vector<16xi32>
    %eq3A_239 = arith.cmpi eq, %iota3A, %eq3A_238 : vector<16xi32>
    %convert_element_type3A = arith.extui %eq3A_239 : vector<16xi1> to vector<16xi32>
    %convert_element_type3A_240 = arith.sitofp %convert_element_type3A : vector<16xi32> to vector<16xf32>
    %mul3A_241 = arith.mulf %get3A_237, %convert_element_type3A_240 : vector<16xf32>
    %add3A_242 = arith.constant 1073 : i32
    %add3A_243 = vector.broadcast %add3A_242 : i32 to vector<16xi32>
    %add3A_244 = arith.addi %iota3A, %add3A_243 : vector<16xi32>
    %add3A_245 = vector.broadcast %squeeze3A_185 : i32 to vector<16xi32>
    %add3A_246 = arith.addi %add3A_245, %add3A_244 : vector<16xi32>
    %sub3A_247 = arith.constant 1056 : i32
    %sub3A_248 = vector.broadcast %sub3A_247 : i32 to vector<16xi32>
    %sub3A_249 = arith.subi %add3A_246, %sub3A_248 : vector<16xi32>
    %sub3A_250 = arith.constant 16 : i32
    %sub3A_251 = vector.broadcast %sub3A_250 : i32 to vector<16xi32>
    %sub3A_252 = arith.subi %sub3A_249, %sub3A_251 : vector<16xi32>
    %and3A_253 = arith.constant 511 : i32
    %and3A_254 = vector.broadcast %and3A_253 : i32 to vector<16xi32>
    %and3A_255 = arith.andi %sub3A_252, %and3A_254 : vector<16xi32>
    %mul3A_256 = arith.constant 0 : i32
    %mul3A_257 = vector.broadcast %mul3A_256 : i32 to vector<16xi32>
    %mul3A_258 = arith.muli %iota3A, %mul3A_257 : vector<16xi32>
    %gather3A_259 = tpu.vector_load_idx %arg13[%mul3A_258, %and3A_255] : memref<1x512xf32, #tpu.memory_space<vmem>>[vector<16xi32>, vector<16xi32>], vector<16xf32>,
    %mul3A_260 = arith.mulf %gather3A_259, %mul3A_241 : vector<16xf32>
    %add3A_261 = arith.addf %add3A_235, %mul3A_260 : vector<16xf32>
    %reduce_sum3A = arith.constant true
    %reduce_sum3A_262 = vector.broadcast %reduce_sum3A : i1 to vector<16xi1>
    %reduce_sum3A_263 = tpu.scan <sum>, %add3A_261 masked %reduce_sum3A_262 : vector<16xf32>, vector<16xi1> -> vector<16xf32>
    %reduce_sum3A_264 = vector.extract %reduce_sum3A_263[15] : f32 from vector<16xf32>
    %eq3A_265 = arith.constant 0 : i32
    %eq3A_266 = vector.broadcast %eq3A_265 : i32 to vector<16xi32>
    %eq3A_267 = arith.cmpi eq, %iota3A, %eq3A_266 : vector<16xi32>
    %broadcast_in_dim3A_268 = vector.broadcast %reduce_sum3A_264 : f32 to vector<16xf32>
    %select_n3A = arith.select %eq3A_267, %broadcast_in_dim3A_268, %broadcast_in_dim3A_116 : vector<16xi1>, vector<16xf32>
    %slice3A_269 = vector.extract_strided_slice %get3A_5 {offsets = [7], sizes = [1], strides = [1]} : vector<16xi32> to vector<1xi32>
    %squeeze3A_270 = vector.extract %slice3A_269[0] : i32 from vector<1xi32>
    %add3A_271 = arith.constant 3 : i32
    %add3A_272 = arith.addi %mul3A_2, %add3A_271 : i32
    %mul3A_273 = arith.constant 512 : i32
    %mul3A_274 = arith.muli %add3A_272, %mul3A_273 : i32
    %add3A_275 = arith.constant 0 : i32
    %add3A_276 = vector.broadcast %add3A_275 : i32 to vector<16xi32>
    %add3A_277 = arith.addi %iota3A, %add3A_276 : vector<16xi32>
    %sub3A_278 = arith.constant 16 : i32
    %sub3A_279 = arith.subi %squeeze3A_270, %sub3A_278 : i32
    %add3A_280 = vector.broadcast %sub3A_279 : i32 to vector<16xi32>
    %add3A_281 = arith.addi %add3A_280, %add3A_277 : vector<16xi32>
    %and3A_282 = arith.constant 511 : i32
    %and3A_283 = vector.broadcast %and3A_282 : i32 to vector<16xi32>
    %and3A_284 = arith.andi %add3A_281, %and3A_283 : vector<16xi32>
    %add3A_285 = vector.broadcast %mul3A_274 : i32 to vector<16xi32>
    %add3A_286 = arith.addi %and3A_284, %add3A_285 : vector<16xi32>
    %swap3A_287 = arith.constant 0 : index
    %swap3A_288 = tpu.vector_load %arg7[%swap3A_287] {strides = array<i32>} : memref<33xi32, #tpu.memory_space<vmem>>, vector<16xi32>,
    tpu.vector_store %arg7[%swap3A_287], %add3A_286 {strides = array<i32>} : memref<33xi32, #tpu.memory_space<vmem>>, vector<16xi32>,
    %add3A_289 = arith.constant 16 : i32
    %add3A_290 = vector.broadcast %add3A_289 : i32 to vector<16xi32>
    %add3A_291 = arith.addi %iota3A, %add3A_290 : vector<16xi32>
    %sub3A_292 = arith.constant 16 : i32
    %sub3A_293 = arith.subi %squeeze3A_270, %sub3A_292 : i32
    %add3A_294 = vector.broadcast %sub3A_293 : i32 to vector<16xi32>
    %add3A_295 = arith.addi %add3A_294, %add3A_291 : vector<16xi32>
    %and3A_296 = arith.constant 511 : i32
    %and3A_297 = vector.broadcast %and3A_296 : i32 to vector<16xi32>
    %and3A_298 = arith.andi %add3A_295, %and3A_297 : vector<16xi32>
    %add3A_299 = vector.broadcast %mul3A_274 : i32 to vector<16xi32>
    %add3A_300 = arith.addi %and3A_298, %add3A_299 : vector<16xi32>
    %swap3A_301 = arith.constant 16 : index
    %swap3A_302 = tpu.vector_load %arg7[%swap3A_301] {strides = array<i32>} : memref<33xi32, #tpu.memory_space<vmem>>, vector<16xi32>,
    tpu.vector_store %arg7[%swap3A_301], %add3A_300 {strides = array<i32>} : memref<33xi32, #tpu.memory_space<vmem>>, vector<16xi32>,
    %add3A_303 = arith.constant 17 : i32
    %add3A_304 = vector.broadcast %add3A_303 : i32 to vector<16xi32>
    %add3A_305 = arith.addi %iota3A, %add3A_304 : vector<16xi32>
    %sub3A_306 = arith.constant 16 : i32
    %sub3A_307 = arith.subi %squeeze3A_270, %sub3A_306 : i32
    %add3A_308 = vector.broadcast %sub3A_307 : i32 to vector<16xi32>
    %add3A_309 = arith.addi %add3A_308, %add3A_305 : vector<16xi32>
    %and3A_310 = arith.constant 511 : i32
    %and3A_311 = vector.broadcast %and3A_310 : i32 to vector<16xi32>
    %and3A_312 = arith.andi %add3A_309, %and3A_311 : vector<16xi32>
    %add3A_313 = vector.broadcast %mul3A_274 : i32 to vector<16xi32>
    %add3A_314 = arith.addi %and3A_312, %add3A_313 : vector<16xi32>
    %swap3A_315 = arith.constant 17 : index
    %swap3A_316 = tpu.vector_load %arg7[%swap3A_315] {strides = array<i32>} : memref<33xi32, #tpu.memory_space<vmem>>, vector<16xi32>,
    tpu.vector_store %arg7[%swap3A_315], %add3A_314 {strides = array<i32>} : memref<33xi32, #tpu.memory_space<vmem>>, vector<16xi32>,
    %dma_start3A_317 = arith.constant 0 : i32
    %dma_start3A_318 = tpu.memref_slice %arg7[%dma_start3A_317] : memref<33xi32, #tpu.memory_space<vmem>> -> memref<32xi32, #tpu.memory_space<vmem>>
    %dma_start3A_319 = arith.constant 0 : i32
    %dma_start3A_320 = arith.constant 0 : i32
    %dma_start3A_321 = tpu.memref_slice %arg2[%dma_start3A_319, %dma_start3A_320] : memref<131072x512xf32, #tpu.memory_space<hbm>> -> memref<131072x512xf32, #tpu.memory_space<hbm>>
    tpu.enqueue_indirect_dma source(%dma_start3A_321 : memref<131072x512xf32, #tpu.memory_space<hbm>>) target(%arg10 : memref<32x512xf32, #tpu.memory_space<vmem>>) offsets(%dma_start3A_318 : memref<32xi32, #tpu.memory_space<vmem>>) semaphore(%arg18 : memref<!tpu.dma_semaphore, #tpu.memory_space<semaphore_mem>>)
    %dma_start3A_322 = arith.constant 32 : i32
    %dma_start3A_323 = tpu.memref_slice %arg7[%dma_start3A_322] : memref<33xi32, #tpu.memory_space<vmem>> -> memref<1xi32, #tpu.memory_space<vmem>>
    %dma_start3A_324 = arith.constant 0 : i32
    %dma_start3A_325 = arith.constant 0 : i32
    %dma_start3A_326 = tpu.memref_slice %arg2[%dma_start3A_324, %dma_start3A_325] : memref<131072x512xf32, #tpu.memory_space<hbm>> -> memref<131072x512xf32, #tpu.memory_space<hbm>>
    tpu.enqueue_indirect_dma source(%dma_start3A_326 : memref<131072x512xf32, #tpu.memory_space<hbm>>) target(%arg13 : memref<1x512xf32, #tpu.memory_space<vmem>>) offsets(%dma_start3A_323 : memref<1xi32, #tpu.memory_space<vmem>>) semaphore(%arg18 : memref<!tpu.dma_semaphore, #tpu.memory_space<semaphore_mem>>)
    %dma_wait3A_327 = arith.constant 0 : i32
    %dma_wait3A_328 = tpu.memref_slice %arg8[%dma_wait3A_327] : memref<33xi32, #tpu.memory_space<vmem>> -> memref<32xi32, #tpu.memory_space<vmem>>
    %dma_wait3A_329 = arith.constant 0 : i32
    %dma_wait3A_330 = arith.constant 0 : i32
    %dma_wait3A_331 = tpu.memref_slice %arg2[%dma_wait3A_329, %dma_wait3A_330] : memref<131072x512xf32, #tpu.memory_space<hbm>> -> memref<131072x512xf32, #tpu.memory_space<hbm>>
    tpu.wait_indirect_dma semaphore(%arg19 : memref<!tpu.dma_semaphore, #tpu.memory_space<semaphore_mem>>) src(%dma_wait3A_331 : memref<131072x512xf32, #tpu.memory_space<hbm>>) dst(%arg11 : memref<32x512xf32, #tpu.memory_space<vmem>>)
    %dma_wait3A_332 = arith.constant 32 : i32
    %dma_wait3A_333 = tpu.memref_slice %arg8[%dma_wait3A_332] : memref<33xi32, #tpu.memory_space<vmem>> -> memref<1xi32, #tpu.memory_space<vmem>>
    %dma_wait3A_334 = arith.constant 0 : i32
    %dma_wait3A_335 = arith.constant 0 : i32
    %dma_wait3A_336 = tpu.memref_slice %arg2[%dma_wait3A_334, %dma_wait3A_335] : memref<131072x512xf32, #tpu.memory_space<hbm>> -> memref<131072x512xf32, #tpu.memory_space<hbm>>
    tpu.wait_indirect_dma semaphore(%arg19 : memref<!tpu.dma_semaphore, #tpu.memory_space<semaphore_mem>>) src(%dma_wait3A_336 : memref<131072x512xf32, #tpu.memory_space<hbm>>) dst(%arg14 : memref<1x512xf32, #tpu.memory_space<vmem>>)
    %slice3A_337 = vector.extract_strided_slice %get3A_5 {offsets = [2], sizes = [1], strides = [1]} : vector<16xi32> to vector<1xi32>
    %squeeze3A_338 = vector.extract %slice3A_337[0] : i32 from vector<1xi32>
    %broadcast_in_dim3A_339 = arith.constant 0.000000e+00 : f32
    %broadcast_in_dim3A_340 = vector.broadcast %broadcast_in_dim3A_339 : f32 to vector<16xf32>
    %scan3A_341 = arith.constant 0 : i32
    %scan3A_342 = arith.constant 66 : i32
    %scan3A_343 = arith.addi %scan3A_341, %scan3A_342 : i32
    %scan3A_344 = arith.constant 1 : i32
    %scan3A_345 = scf.for %scan3A_1268 = %scan3A_341 to %scan3A_343 step %scan3A_344 iter_args(%scan3A_1269 = %broadcast_in_dim3A_340) -> (vector<16xf32>)  : i32 {
      %mul3A_1270 = arith.constant 1 : i32
      %mul3A_1271 = arith.muli %scan3A_1268, %mul3A_1270 : i32
      %add3A_1272 = arith.constant 0 : i32
      %add3A_1273 = arith.addi %add3A_1272, %mul3A_1271 : i32
      %mul3A_1274 = arith.constant 16 : i32
      %mul3A_1275 = arith.muli %add3A_1273, %mul3A_1274 : i32
      %add3A_1276 = vector.broadcast %mul3A_1275 : i32 to vector<16xi32>
      %add3A_1277 = arith.addi %iota3A, %add3A_1276 : vector<16xi32>
      %mul3A_1278 = arith.constant 16 : i32
      %mul3A_1279 = arith.muli %add3A_1273, %mul3A_1278 : i32
      %get3A_1280 = arith.index_cast %mul3A_1279 : i32 to index
      %get3A_1281 = tpu.vector_load %arg16[%get3A_1280] {strides = array<i32>} : memref<1089xf32, #tpu.memory_space<vmem>>, vector<16xf32>,
      %mul3A_1282 = arith.constant 1986 : i32
      %mul3A_1283 = vector.broadcast %mul3A_1282 : i32 to vector<16xi32>
      %mul3A_1284 = arith.muli %add3A_1277, %mul3A_1283 : vector<16xi32>
      %shift_right_arithmetic3A = arith.constant 16 : i32
      %shift_right_arithmetic3A_1285 = vector.broadcast %shift_right_arithmetic3A : i32 to vector<16xi32>
      %shift_right_arithmetic3A_1286 = arith.shrsi %mul3A_1284, %shift_right_arithmetic3A_1285 : vector<16xi32>
      %add3A_1287 = vector.broadcast %squeeze3A_338 : i32 to vector<16xi32>
      %add3A_1288 = arith.addi %add3A_1287, %add3A_1277 : vector<16xi32>
      %mul3A_1289 = arith.constant 33 : i32
      %mul3A_1290 = vector.broadcast %mul3A_1289 : i32 to vector<16xi32>
      %mul3A_1291 = arith.muli %shift_right_arithmetic3A_1286, %mul3A_1290 : vector<16xi32>
      %sub3A_1292 = arith.subi %add3A_1288, %mul3A_1291 : vector<16xi32>
      %sub3A_1293 = arith.constant 16 : i32
      %sub3A_1294 = vector.broadcast %sub3A_1293 : i32 to vector<16xi32>
      %sub3A_1295 = arith.subi %sub3A_1292, %sub3A_1294 : vector<16xi32>
      %and3A_1296 = arith.constant 511 : i32
      %and3A_1297 = vector.broadcast %and3A_1296 : i32 to vector<16xi32>
      %and3A_1298 = arith.andi %sub3A_1295, %and3A_1297 : vector<16xi32>
      %gather3A_1299 = tpu.vector_load_idx %arg11[%shift_right_arithmetic3A_1286, %and3A_1298] : memref<32x512xf32, #tpu.memory_space<vmem>>[vector<16xi32>, vector<16xi32>], vector<16xf32>,
      %mul3A_1300 = arith.mulf %gather3A_1299, %get3A_1281 : vector<16xf32>
      %add3A_1301 = arith.addf %scan3A_1269, %mul3A_1300 : vector<16xf32>
      scf.yield %add3A_1301 : vector<16xf32>
    }
    %scan3A_346 = arith.constant 66 : i32
    %get3A_347 = arith.constant 1056 : index
    %get3A_348 = tpu.vector_load %arg16[%get3A_347] {strides = array<i32>} : memref<1089xf32, #tpu.memory_space<vmem>>, vector<16xf32>,
    %add3A_349 = arith.constant 1056 : i32
    %add3A_350 = vector.broadcast %add3A_349 : i32 to vector<16xi32>
    %add3A_351 = arith.addi %iota3A, %add3A_350 : vector<16xi32>
    %add3A_352 = vector.broadcast %squeeze3A_338 : i32 to vector<16xi32>
    %add3A_353 = arith.addi %add3A_352, %add3A_351 : vector<16xi32>
    %sub3A_354 = arith.constant 1056 : i32
    %sub3A_355 = vector.broadcast %sub3A_354 : i32 to vector<16xi32>
    %sub3A_356 = arith.subi %add3A_353, %sub3A_355 : vector<16xi32>
    %sub3A_357 = arith.constant 16 : i32
    %sub3A_358 = vector.broadcast %sub3A_357 : i32 to vector<16xi32>
    %sub3A_359 = arith.subi %sub3A_356, %sub3A_358 : vector<16xi32>
    %and3A_360 = arith.constant 511 : i32
    %and3A_361 = vector.broadcast %and3A_360 : i32 to vector<16xi32>
    %and3A_362 = arith.andi %sub3A_359, %and3A_361 : vector<16xi32>
    %mul3A_363 = arith.constant 0 : i32
    %mul3A_364 = vector.broadcast %mul3A_363 : i32 to vector<16xi32>
    %mul3A_365 = arith.muli %iota3A, %mul3A_364 : vector<16xi32>
    %gather3A_366 = tpu.vector_load_idx %arg14[%mul3A_365, %and3A_362] : memref<1x512xf32, #tpu.memory_space<vmem>>[vector<16xi32>, vector<16xi32>], vector<16xf32>,
    %mul3A_367 = arith.mulf %gather3A_366, %get3A_348 : vector<16xf32>
    %add3A_368 = arith.addf %scan3A_345, %mul3A_367 : vector<16xf32>
    %get3A_369 = arith.constant 1072 : index
    %get3A_370 = tpu.vector_load %arg16[%get3A_369] {strides = array<i32>} : memref<1089xf32, #tpu.memory_space<vmem>>, vector<16xf32>,
    %add3A_371 = arith.constant 1072 : i32
    %add3A_372 = vector.broadcast %add3A_371 : i32 to vector<16xi32>
    %add3A_373 = arith.addi %iota3A, %add3A_372 : vector<16xi32>
    %add3A_374 = vector.broadcast %squeeze3A_338 : i32 to vector<16xi32>
    %add3A_375 = arith.addi %add3A_374, %add3A_373 : vector<16xi32>
    %sub3A_376 = arith.constant 1056 : i32
    %sub3A_377 = vector.broadcast %sub3A_376 : i32 to vector<16xi32>
    %sub3A_378 = arith.subi %add3A_375, %sub3A_377 : vector<16xi32>
    %sub3A_379 = arith.constant 16 : i32
    %sub3A_380 = vector.broadcast %sub3A_379 : i32 to vector<16xi32>
    %sub3A_381 = arith.subi %sub3A_378, %sub3A_380 : vector<16xi32>
    %and3A_382 = arith.constant 511 : i32
    %and3A_383 = vector.broadcast %and3A_382 : i32 to vector<16xi32>
    %and3A_384 = arith.andi %sub3A_381, %and3A_383 : vector<16xi32>
    %mul3A_385 = arith.constant 0 : i32
    %mul3A_386 = vector.broadcast %mul3A_385 : i32 to vector<16xi32>
    %mul3A_387 = arith.muli %iota3A, %mul3A_386 : vector<16xi32>
    %gather3A_388 = tpu.vector_load_idx %arg14[%mul3A_387, %and3A_384] : memref<1x512xf32, #tpu.memory_space<vmem>>[vector<16xi32>, vector<16xi32>], vector<16xf32>,
    %mul3A_389 = arith.mulf %gather3A_388, %get3A_370 : vector<16xf32>
    %add3A_390 = arith.addf %add3A_368, %mul3A_389 : vector<16xf32>
    %get3A_391 = arith.constant 1073 : index
    %get3A_392 = tpu.vector_load %arg16[%get3A_391] {strides = array<i32>} : memref<1089xf32, #tpu.memory_space<vmem>>, vector<16xf32>,
    %eq3A_393 = arith.constant 15 : i32
    %eq3A_394 = vector.broadcast %eq3A_393 : i32 to vector<16xi32>
    %eq3A_395 = arith.cmpi eq, %iota3A, %eq3A_394 : vector<16xi32>
    %convert_element_type3A_396 = arith.extui %eq3A_395 : vector<16xi1> to vector<16xi32>
    %convert_element_type3A_397 = arith.sitofp %convert_element_type3A_396 : vector<16xi32> to vector<16xf32>
    %mul3A_398 = arith.mulf %get3A_392, %convert_element_type3A_397 : vector<16xf32>
    %add3A_399 = arith.constant 1073 : i32
    %add3A_400 = vector.broadcast %add3A_399 : i32 to vector<16xi32>
    %add3A_401 = arith.addi %iota3A, %add3A_400 : vector<16xi32>
    %add3A_402 = vector.broadcast %squeeze3A_338 : i32 to vector<16xi32>
    %add3A_403 = arith.addi %add3A_402, %add3A_401 : vector<16xi32>
    %sub3A_404 = arith.constant 1056 : i32
    %sub3A_405 = vector.broadcast %sub3A_404 : i32 to vector<16xi32>
    %sub3A_406 = arith.subi %add3A_403, %sub3A_405 : vector<16xi32>
    %sub3A_407 = arith.constant 16 : i32
    %sub3A_408 = vector.broadcast %sub3A_407 : i32 to vector<16xi32>
    %sub3A_409 = arith.subi %sub3A_406, %sub3A_408 : vector<16xi32>
    %and3A_410 = arith.constant 511 : i32
    %and3A_411 = vector.broadcast %and3A_410 : i32 to vector<16xi32>
    %and3A_412 = arith.andi %sub3A_409, %and3A_411 : vector<16xi32>
    %mul3A_413 = arith.constant 0 : i32
    %mul3A_414 = vector.broadcast %mul3A_413 : i32 to vector<16xi32>
    %mul3A_415 = arith.muli %iota3A, %mul3A_414 : vector<16xi32>
    %gather3A_416 = tpu.vector_load_idx %arg14[%mul3A_415, %and3A_412] : memref<1x512xf32, #tpu.memory_space<vmem>>[vector<16xi32>, vector<16xi32>], vector<16xf32>,
    %mul3A_417 = arith.mulf %gather3A_416, %mul3A_398 : vector<16xf32>
    %add3A_418 = arith.addf %add3A_390, %mul3A_417 : vector<16xf32>
    %reduce_sum3A_419 = arith.constant true
    %reduce_sum3A_420 = vector.broadcast %reduce_sum3A_419 : i1 to vector<16xi1>
    %reduce_sum3A_421 = tpu.scan <sum>, %add3A_418 masked %reduce_sum3A_420 : vector<16xf32>, vector<16xi1> -> vector<16xf32>
    %reduce_sum3A_422 = vector.extract %reduce_sum3A_421[15] : f32 from vector<16xf32>
    %eq3A_423 = arith.constant 1 : i32
    %eq3A_424 = vector.broadcast %eq3A_423 : i32 to vector<16xi32>
    %eq3A_425 = arith.cmpi eq, %iota3A, %eq3A_424 : vector<16xi32>
    %broadcast_in_dim3A_426 = vector.broadcast %reduce_sum3A_422 : f32 to vector<16xf32>
    %select_n3A_427 = arith.select %eq3A_425, %broadcast_in_dim3A_426, %select_n3A : vector<16xi1>, vector<16xf32>
    %slice3A_428 = vector.extract_strided_slice %get3A_5 {offsets = [9], sizes = [1], strides = [1]} : vector<16xi32> to vector<1xi32>
    %squeeze3A_429 = vector.extract %slice3A_428[0] : i32 from vector<1xi32>
    %add3A_430 = arith.constant 4 : i32
    %add3A_431 = arith.addi %mul3A_2, %add3A_430 : i32
    %mul3A_432 = arith.constant 512 : i32
    %mul3A_433 = arith.muli %add3A_431, %mul3A_432 : i32
    %add3A_434 = arith.constant 0 : i32
    %add3A_435 = vector.broadcast %add3A_434 : i32 to vector<16xi32>
    %add3A_436 = arith.addi %iota3A, %add3A_435 : vector<16xi32>
    %sub3A_437 = arith.constant 16 : i32
    %sub3A_438 = arith.subi %squeeze3A_429, %sub3A_437 : i32
    %add3A_439 = vector.broadcast %sub3A_438 : i32 to vector<16xi32>
    %add3A_440 = arith.addi %add3A_439, %add3A_436 : vector<16xi32>
    %and3A_441 = arith.constant 511 : i32
    %and3A_442 = vector.broadcast %and3A_441 : i32 to vector<16xi32>
    %and3A_443 = arith.andi %add3A_440, %and3A_442 : vector<16xi32>
    %add3A_444 = vector.broadcast %mul3A_433 : i32 to vector<16xi32>
    %add3A_445 = arith.addi %and3A_443, %add3A_444 : vector<16xi32>
    %swap3A_446 = arith.constant 0 : index
    %swap3A_447 = tpu.vector_load %arg8[%swap3A_446] {strides = array<i32>} : memref<33xi32, #tpu.memory_space<vmem>>, vector<16xi32>,
    tpu.vector_store %arg8[%swap3A_446], %add3A_445 {strides = array<i32>} : memref<33xi32, #tpu.memory_space<vmem>>, vector<16xi32>,
    %add3A_448 = arith.constant 16 : i32
    %add3A_449 = vector.broadcast %add3A_448 : i32 to vector<16xi32>
    %add3A_450 = arith.addi %iota3A, %add3A_449 : vector<16xi32>
    %sub3A_451 = arith.constant 16 : i32
    %sub3A_452 = arith.subi %squeeze3A_429, %sub3A_451 : i32
    %add3A_453 = vector.broadcast %sub3A_452 : i32 to vector<16xi32>
    %add3A_454 = arith.addi %add3A_453, %add3A_450 : vector<16xi32>
    %and3A_455 = arith.constant 511 : i32
    %and3A_456 = vector.broadcast %and3A_455 : i32 to vector<16xi32>
    %and3A_457 = arith.andi %add3A_454, %and3A_456 : vector<16xi32>
    %add3A_458 = vector.broadcast %mul3A_433 : i32 to vector<16xi32>
    %add3A_459 = arith.addi %and3A_457, %add3A_458 : vector<16xi32>
    %swap3A_460 = arith.constant 16 : index
    %swap3A_461 = tpu.vector_load %arg8[%swap3A_460] {strides = array<i32>} : memref<33xi32, #tpu.memory_space<vmem>>, vector<16xi32>,
    tpu.vector_store %arg8[%swap3A_460], %add3A_459 {strides = array<i32>} : memref<33xi32, #tpu.memory_space<vmem>>, vector<16xi32>,
    %add3A_462 = arith.constant 17 : i32
    %add3A_463 = vector.broadcast %add3A_462 : i32 to vector<16xi32>
    %add3A_464 = arith.addi %iota3A, %add3A_463 : vector<16xi32>
    %sub3A_465 = arith.constant 16 : i32
    %sub3A_466 = arith.subi %squeeze3A_429, %sub3A_465 : i32
    %add3A_467 = vector.broadcast %sub3A_466 : i32 to vector<16xi32>
    %add3A_468 = arith.addi %add3A_467, %add3A_464 : vector<16xi32>
    %and3A_469 = arith.constant 511 : i32
    %and3A_470 = vector.broadcast %and3A_469 : i32 to vector<16xi32>
    %and3A_471 = arith.andi %add3A_468, %and3A_470 : vector<16xi32>
    %add3A_472 = vector.broadcast %mul3A_433 : i32 to vector<16xi32>
    %add3A_473 = arith.addi %and3A_471, %add3A_472 : vector<16xi32>
    %swap3A_474 = arith.constant 17 : index
    %swap3A_475 = tpu.vector_load %arg8[%swap3A_474] {strides = array<i32>} : memref<33xi32, #tpu.memory_space<vmem>>, vector<16xi32>,
    tpu.vector_store %arg8[%swap3A_474], %add3A_473 {strides = array<i32>} : memref<33xi32, #tpu.memory_space<vmem>>, vector<16xi32>,
    %dma_start3A_476 = arith.constant 0 : i32
    %dma_start3A_477 = tpu.memref_slice %arg8[%dma_start3A_476] : memref<33xi32, #tpu.memory_space<vmem>> -> memref<32xi32, #tpu.memory_space<vmem>>
    %dma_start3A_478 = arith.constant 0 : i32
    %dma_start3A_479 = arith.constant 0 : i32
    %dma_start3A_480 = tpu.memref_slice %arg2[%dma_start3A_478, %dma_start3A_479] : memref<131072x512xf32, #tpu.memory_space<hbm>> -> memref<131072x512xf32, #tpu.memory_space<hbm>>
    tpu.enqueue_indirect_dma source(%dma_start3A_480 : memref<131072x512xf32, #tpu.memory_space<hbm>>) target(%arg11 : memref<32x512xf32, #tpu.memory_space<vmem>>) offsets(%dma_start3A_477 : memref<32xi32, #tpu.memory_space<vmem>>) semaphore(%arg19 : memref<!tpu.dma_semaphore, #tpu.memory_space<semaphore_mem>>)
    %dma_start3A_481 = arith.constant 32 : i32
    %dma_start3A_482 = tpu.memref_slice %arg8[%dma_start3A_481] : memref<33xi32, #tpu.memory_space<vmem>> -> memref<1xi32, #tpu.memory_space<vmem>>
    %dma_start3A_483 = arith.constant 0 : i32
    %dma_start3A_484 = arith.constant 0 : i32
    %dma_start3A_485 = tpu.memref_slice %arg2[%dma_start3A_483, %dma_start3A_484] : memref<131072x512xf32, #tpu.memory_space<hbm>> -> memref<131072x512xf32, #tpu.memory_space<hbm>>
    tpu.enqueue_indirect_dma source(%dma_start3A_485 : memref<131072x512xf32, #tpu.memory_space<hbm>>) target(%arg14 : memref<1x512xf32, #tpu.memory_space<vmem>>) offsets(%dma_start3A_482 : memref<1xi32, #tpu.memory_space<vmem>>) semaphore(%arg19 : memref<!tpu.dma_semaphore, #tpu.memory_space<semaphore_mem>>)
    %dma_wait3A_486 = arith.constant 0 : i32
    %dma_wait3A_487 = tpu.memref_slice %arg9[%dma_wait3A_486] : memref<33xi32, #tpu.memory_space<vmem>> -> memref<32xi32, #tpu.memory_space<vmem>>
    %dma_wait3A_488 = arith.constant 0 : i32
    %dma_wait3A_489 = arith.constant 0 : i32
    %dma_wait3A_490 = tpu.memref_slice %arg2[%dma_wait3A_488, %dma_wait3A_489] : memref<131072x512xf32, #tpu.memory_space<hbm>> -> memref<131072x512xf32, #tpu.memory_space<hbm>>
    tpu.wait_indirect_dma semaphore(%arg20 : memref<!tpu.dma_semaphore, #tpu.memory_space<semaphore_mem>>) src(%dma_wait3A_490 : memref<131072x512xf32, #tpu.memory_space<hbm>>) dst(%arg12 : memref<32x512xf32, #tpu.memory_space<vmem>>)
    %dma_wait3A_491 = arith.constant 32 : i32
    %dma_wait3A_492 = tpu.memref_slice %arg9[%dma_wait3A_491] : memref<33xi32, #tpu.memory_space<vmem>> -> memref<1xi32, #tpu.memory_space<vmem>>
    %dma_wait3A_493 = arith.constant 0 : i32
    %dma_wait3A_494 = arith.constant 0 : i32
    %dma_wait3A_495 = tpu.memref_slice %arg2[%dma_wait3A_493, %dma_wait3A_494] : memref<131072x512xf32, #tpu.memory_space<hbm>> -> memref<131072x512xf32, #tpu.memory_space<hbm>>
    tpu.wait_indirect_dma semaphore(%arg20 : memref<!tpu.dma_semaphore, #tpu.memory_space<semaphore_mem>>) src(%dma_wait3A_495 : memref<131072x512xf32, #tpu.memory_space<hbm>>) dst(%arg15 : memref<1x512xf32, #tpu.memory_space<vmem>>)
    %slice3A_496 = vector.extract_strided_slice %get3A_5 {offsets = [4], sizes = [1], strides = [1]} : vector<16xi32> to vector<1xi32>
    %squeeze3A_497 = vector.extract %slice3A_496[0] : i32 from vector<1xi32>
    %broadcast_in_dim3A_498 = arith.constant 0.000000e+00 : f32
    %broadcast_in_dim3A_499 = vector.broadcast %broadcast_in_dim3A_498 : f32 to vector<16xf32>
    %scan3A_500 = arith.constant 0 : i32
    %scan3A_501 = arith.constant 66 : i32
    %scan3A_502 = arith.addi %scan3A_500, %scan3A_501 : i32
    %scan3A_503 = arith.constant 1 : i32
    %scan3A_504 = scf.for %scan3A_1268 = %scan3A_500 to %scan3A_502 step %scan3A_503 iter_args(%scan3A_1269 = %broadcast_in_dim3A_499) -> (vector<16xf32>)  : i32 {
      %mul3A_1270 = arith.constant 1 : i32
      %mul3A_1271 = arith.muli %scan3A_1268, %mul3A_1270 : i32
      %add3A_1272 = arith.constant 0 : i32
      %add3A_1273 = arith.addi %add3A_1272, %mul3A_1271 : i32
      %mul3A_1274 = arith.constant 16 : i32
      %mul3A_1275 = arith.muli %add3A_1273, %mul3A_1274 : i32
      %add3A_1276 = vector.broadcast %mul3A_1275 : i32 to vector<16xi32>
      %add3A_1277 = arith.addi %iota3A, %add3A_1276 : vector<16xi32>
      %mul3A_1278 = arith.constant 16 : i32
      %mul3A_1279 = arith.muli %add3A_1273, %mul3A_1278 : i32
      %get3A_1280 = arith.index_cast %mul3A_1279 : i32 to index
      %get3A_1281 = tpu.vector_load %arg16[%get3A_1280] {strides = array<i32>} : memref<1089xf32, #tpu.memory_space<vmem>>, vector<16xf32>,
      %mul3A_1282 = arith.constant 1986 : i32
      %mul3A_1283 = vector.broadcast %mul3A_1282 : i32 to vector<16xi32>
      %mul3A_1284 = arith.muli %add3A_1277, %mul3A_1283 : vector<16xi32>
      %shift_right_arithmetic3A = arith.constant 16 : i32
      %shift_right_arithmetic3A_1285 = vector.broadcast %shift_right_arithmetic3A : i32 to vector<16xi32>
      %shift_right_arithmetic3A_1286 = arith.shrsi %mul3A_1284, %shift_right_arithmetic3A_1285 : vector<16xi32>
      %add3A_1287 = vector.broadcast %squeeze3A_497 : i32 to vector<16xi32>
      %add3A_1288 = arith.addi %add3A_1287, %add3A_1277 : vector<16xi32>
      %mul3A_1289 = arith.constant 33 : i32
      %mul3A_1290 = vector.broadcast %mul3A_1289 : i32 to vector<16xi32>
      %mul3A_1291 = arith.muli %shift_right_arithmetic3A_1286, %mul3A_1290 : vector<16xi32>
      %sub3A_1292 = arith.subi %add3A_1288, %mul3A_1291 : vector<16xi32>
      %sub3A_1293 = arith.constant 16 : i32
      %sub3A_1294 = vector.broadcast %sub3A_1293 : i32 to vector<16xi32>
      %sub3A_1295 = arith.subi %sub3A_1292, %sub3A_1294 : vector<16xi32>
      %and3A_1296 = arith.constant 511 : i32
      %and3A_1297 = vector.broadcast %and3A_1296 : i32 to vector<16xi32>
      %and3A_1298 = arith.andi %sub3A_1295, %and3A_1297 : vector<16xi32>
      %gather3A_1299 = tpu.vector_load_idx %arg12[%shift_right_arithmetic3A_1286, %and3A_1298] : memref<32x512xf32, #tpu.memory_space<vmem>>[vector<16xi32>, vector<16xi32>], vector<16xf32>,
      %mul3A_1300 = arith.mulf %gather3A_1299, %get3A_1281 : vector<16xf32>
      %add3A_1301 = arith.addf %scan3A_1269, %mul3A_1300 : vector<16xf32>
      scf.yield %add3A_1301 : vector<16xf32>
    }
    %scan3A_505 = arith.constant 66 : i32
    %get3A_506 = arith.constant 1056 : index
    %get3A_507 = tpu.vector_load %arg16[%get3A_506] {strides = array<i32>} : memref<1089xf32, #tpu.memory_space<vmem>>, vector<16xf32>,
    %add3A_508 = arith.constant 1056 : i32
    %add3A_509 = vector.broadcast %add3A_508 : i32 to vector<16xi32>
    %add3A_510 = arith.addi %iota3A, %add3A_509 : vector<16xi32>
    %add3A_511 = vector.broadcast %squeeze3A_497 : i32 to vector<16xi32>
    %add3A_512 = arith.addi %add3A_511, %add3A_510 : vector<16xi32>
    %sub3A_513 = arith.constant 1056 : i32
    %sub3A_514 = vector.broadcast %sub3A_513 : i32 to vector<16xi32>
    %sub3A_515 = arith.subi %add3A_512, %sub3A_514 : vector<16xi32>
    %sub3A_516 = arith.constant 16 : i32
    %sub3A_517 = vector.broadcast %sub3A_516 : i32 to vector<16xi32>
    %sub3A_518 = arith.subi %sub3A_515, %sub3A_517 : vector<16xi32>
    %and3A_519 = arith.constant 511 : i32
    %and3A_520 = vector.broadcast %and3A_519 : i32 to vector<16xi32>
    %and3A_521 = arith.andi %sub3A_518, %and3A_520 : vector<16xi32>
    %mul3A_522 = arith.constant 0 : i32
    %mul3A_523 = vector.broadcast %mul3A_522 : i32 to vector<16xi32>
    %mul3A_524 = arith.muli %iota3A, %mul3A_523 : vector<16xi32>
    %gather3A_525 = tpu.vector_load_idx %arg15[%mul3A_524, %and3A_521] : memref<1x512xf32, #tpu.memory_space<vmem>>[vector<16xi32>, vector<16xi32>], vector<16xf32>,
    %mul3A_526 = arith.mulf %gather3A_525, %get3A_507 : vector<16xf32>
    %add3A_527 = arith.addf %scan3A_504, %mul3A_526 : vector<16xf32>
    %get3A_528 = arith.constant 1072 : index
    %get3A_529 = tpu.vector_load %arg16[%get3A_528] {strides = array<i32>} : memref<1089xf32, #tpu.memory_space<vmem>>, vector<16xf32>,
    %add3A_530 = arith.constant 1072 : i32
    %add3A_531 = vector.broadcast %add3A_530 : i32 to vector<16xi32>
    %add3A_532 = arith.addi %iota3A, %add3A_531 : vector<16xi32>
    %add3A_533 = vector.broadcast %squeeze3A_497 : i32 to vector<16xi32>
    %add3A_534 = arith.addi %add3A_533, %add3A_532 : vector<16xi32>
    %sub3A_535 = arith.constant 1056 : i32
    %sub3A_536 = vector.broadcast %sub3A_535 : i32 to vector<16xi32>
    %sub3A_537 = arith.subi %add3A_534, %sub3A_536 : vector<16xi32>
    %sub3A_538 = arith.constant 16 : i32
    %sub3A_539 = vector.broadcast %sub3A_538 : i32 to vector<16xi32>
    %sub3A_540 = arith.subi %sub3A_537, %sub3A_539 : vector<16xi32>
    %and3A_541 = arith.constant 511 : i32
    %and3A_542 = vector.broadcast %and3A_541 : i32 to vector<16xi32>
    %and3A_543 = arith.andi %sub3A_540, %and3A_542 : vector<16xi32>
    %mul3A_544 = arith.constant 0 : i32
    %mul3A_545 = vector.broadcast %mul3A_544 : i32 to vector<16xi32>
    %mul3A_546 = arith.muli %iota3A, %mul3A_545 : vector<16xi32>
    %gather3A_547 = tpu.vector_load_idx %arg15[%mul3A_546, %and3A_543] : memref<1x512xf32, #tpu.memory_space<vmem>>[vector<16xi32>, vector<16xi32>], vector<16xf32>,
    %mul3A_548 = arith.mulf %gather3A_547, %get3A_529 : vector<16xf32>
    %add3A_549 = arith.addf %add3A_527, %mul3A_548 : vector<16xf32>
    %get3A_550 = arith.constant 1073 : index
    %get3A_551 = tpu.vector_load %arg16[%get3A_550] {strides = array<i32>} : memref<1089xf32, #tpu.memory_space<vmem>>, vector<16xf32>,
    %eq3A_552 = arith.constant 15 : i32
    %eq3A_553 = vector.broadcast %eq3A_552 : i32 to vector<16xi32>
    %eq3A_554 = arith.cmpi eq, %iota3A, %eq3A_553 : vector<16xi32>
    %convert_element_type3A_555 = arith.extui %eq3A_554 : vector<16xi1> to vector<16xi32>
    %convert_element_type3A_556 = arith.sitofp %convert_element_type3A_555 : vector<16xi32> to vector<16xf32>
    %mul3A_557 = arith.mulf %get3A_551, %convert_element_type3A_556 : vector<16xf32>
    %add3A_558 = arith.constant 1073 : i32
    %add3A_559 = vector.broadcast %add3A_558 : i32 to vector<16xi32>
    %add3A_560 = arith.addi %iota3A, %add3A_559 : vector<16xi32>
    %add3A_561 = vector.broadcast %squeeze3A_497 : i32 to vector<16xi32>
    %add3A_562 = arith.addi %add3A_561, %add3A_560 : vector<16xi32>
    %sub3A_563 = arith.constant 1056 : i32
    %sub3A_564 = vector.broadcast %sub3A_563 : i32 to vector<16xi32>
    %sub3A_565 = arith.subi %add3A_562, %sub3A_564 : vector<16xi32>
    %sub3A_566 = arith.constant 16 : i32
    %sub3A_567 = vector.broadcast %sub3A_566 : i32 to vector<16xi32>
    %sub3A_568 = arith.subi %sub3A_565, %sub3A_567 : vector<16xi32>
    %and3A_569 = arith.constant 511 : i32
    %and3A_570 = vector.broadcast %and3A_569 : i32 to vector<16xi32>
    %and3A_571 = arith.andi %sub3A_568, %and3A_570 : vector<16xi32>
    %mul3A_572 = arith.constant 0 : i32
    %mul3A_573 = vector.broadcast %mul3A_572 : i32 to vector<16xi32>
    %mul3A_574 = arith.muli %iota3A, %mul3A_573 : vector<16xi32>
    %gather3A_575 = tpu.vector_load_idx %arg15[%mul3A_574, %and3A_571] : memref<1x512xf32, #tpu.memory_space<vmem>>[vector<16xi32>, vector<16xi32>], vector<16xf32>,
    %mul3A_576 = arith.mulf %gather3A_575, %mul3A_557 : vector<16xf32>
    %add3A_577 = arith.addf %add3A_549, %mul3A_576 : vector<16xf32>
    %reduce_sum3A_578 = arith.constant true
    %reduce_sum3A_579 = vector.broadcast %reduce_sum3A_578 : i1 to vector<16xi1>
    %reduce_sum3A_580 = tpu.scan <sum>, %add3A_577 masked %reduce_sum3A_579 : vector<16xf32>, vector<16xi1> -> vector<16xf32>
    %reduce_sum3A_581 = vector.extract %reduce_sum3A_580[15] : f32 from vector<16xf32>
    %eq3A_582 = arith.constant 2 : i32
    %eq3A_583 = vector.broadcast %eq3A_582 : i32 to vector<16xi32>
    %eq3A_584 = arith.cmpi eq, %iota3A, %eq3A_583 : vector<16xi32>
    %broadcast_in_dim3A_585 = vector.broadcast %reduce_sum3A_581 : f32 to vector<16xf32>
    %select_n3A_586 = arith.select %eq3A_584, %broadcast_in_dim3A_585, %select_n3A_427 : vector<16xi1>, vector<16xf32>
    %slice3A_587 = vector.extract_strided_slice %get3A_5 {offsets = [11], sizes = [1], strides = [1]} : vector<16xi32> to vector<1xi32>
    %squeeze3A_588 = vector.extract %slice3A_587[0] : i32 from vector<1xi32>
    %add3A_589 = arith.constant 5 : i32
    %add3A_590 = arith.addi %mul3A_2, %add3A_589 : i32
    %mul3A_591 = arith.constant 512 : i32
    %mul3A_592 = arith.muli %add3A_590, %mul3A_591 : i32
    %add3A_593 = arith.constant 0 : i32
    %add3A_594 = vector.broadcast %add3A_593 : i32 to vector<16xi32>
    %add3A_595 = arith.addi %iota3A, %add3A_594 : vector<16xi32>
    %sub3A_596 = arith.constant 16 : i32
    %sub3A_597 = arith.subi %squeeze3A_588, %sub3A_596 : i32
    %add3A_598 = vector.broadcast %sub3A_597 : i32 to vector<16xi32>
    %add3A_599 = arith.addi %add3A_598, %add3A_595 : vector<16xi32>
    %and3A_600 = arith.constant 511 : i32
    %and3A_601 = vector.broadcast %and3A_600 : i32 to vector<16xi32>
    %and3A_602 = arith.andi %add3A_599, %and3A_601 : vector<16xi32>
    %add3A_603 = vector.broadcast %mul3A_592 : i32 to vector<16xi32>
    %add3A_604 = arith.addi %and3A_602, %add3A_603 : vector<16xi32>
    %swap3A_605 = arith.constant 0 : index
    %swap3A_606 = tpu.vector_load %arg9[%swap3A_605] {strides = array<i32>} : memref<33xi32, #tpu.memory_space<vmem>>, vector<16xi32>,
    tpu.vector_store %arg9[%swap3A_605], %add3A_604 {strides = array<i32>} : memref<33xi32, #tpu.memory_space<vmem>>, vector<16xi32>,
    %add3A_607 = arith.constant 16 : i32
    %add3A_608 = vector.broadcast %add3A_607 : i32 to vector<16xi32>
    %add3A_609 = arith.addi %iota3A, %add3A_608 : vector<16xi32>
    %sub3A_610 = arith.constant 16 : i32
    %sub3A_611 = arith.subi %squeeze3A_588, %sub3A_610 : i32
    %add3A_612 = vector.broadcast %sub3A_611 : i32 to vector<16xi32>
    %add3A_613 = arith.addi %add3A_612, %add3A_609 : vector<16xi32>
    %and3A_614 = arith.constant 511 : i32
    %and3A_615 = vector.broadcast %and3A_614 : i32 to vector<16xi32>
    %and3A_616 = arith.andi %add3A_613, %and3A_615 : vector<16xi32>
    %add3A_617 = vector.broadcast %mul3A_592 : i32 to vector<16xi32>
    %add3A_618 = arith.addi %and3A_616, %add3A_617 : vector<16xi32>
    %swap3A_619 = arith.constant 16 : index
    %swap3A_620 = tpu.vector_load %arg9[%swap3A_619] {strides = array<i32>} : memref<33xi32, #tpu.memory_space<vmem>>, vector<16xi32>,
    tpu.vector_store %arg9[%swap3A_619], %add3A_618 {strides = array<i32>} : memref<33xi32, #tpu.memory_space<vmem>>, vector<16xi32>,
    %add3A_621 = arith.constant 17 : i32
    %add3A_622 = vector.broadcast %add3A_621 : i32 to vector<16xi32>
    %add3A_623 = arith.addi %iota3A, %add3A_622 : vector<16xi32>
    %sub3A_624 = arith.constant 16 : i32
    %sub3A_625 = arith.subi %squeeze3A_588, %sub3A_624 : i32
    %add3A_626 = vector.broadcast %sub3A_625 : i32 to vector<16xi32>
    %add3A_627 = arith.addi %add3A_626, %add3A_623 : vector<16xi32>
    %and3A_628 = arith.constant 511 : i32
    %and3A_629 = vector.broadcast %and3A_628 : i32 to vector<16xi32>
    %and3A_630 = arith.andi %add3A_627, %and3A_629 : vector<16xi32>
    %add3A_631 = vector.broadcast %mul3A_592 : i32 to vector<16xi32>
    %add3A_632 = arith.addi %and3A_630, %add3A_631 : vector<16xi32>
    %swap3A_633 = arith.constant 17 : index
    %swap3A_634 = tpu.vector_load %arg9[%swap3A_633] {strides = array<i32>} : memref<33xi32, #tpu.memory_space<vmem>>, vector<16xi32>,
    tpu.vector_store %arg9[%swap3A_633], %add3A_632 {strides = array<i32>} : memref<33xi32, #tpu.memory_space<vmem>>, vector<16xi32>,
    %dma_start3A_635 = arith.constant 0 : i32
    %dma_start3A_636 = tpu.memref_slice %arg9[%dma_start3A_635] : memref<33xi32, #tpu.memory_space<vmem>> -> memref<32xi32, #tpu.memory_space<vmem>>
    %dma_start3A_637 = arith.constant 0 : i32
    %dma_start3A_638 = arith.constant 0 : i32
    %dma_start3A_639 = tpu.memref_slice %arg2[%dma_start3A_637, %dma_start3A_638] : memref<131072x512xf32, #tpu.memory_space<hbm>> -> memref<131072x512xf32, #tpu.memory_space<hbm>>
    tpu.enqueue_indirect_dma source(%dma_start3A_639 : memref<131072x512xf32, #tpu.memory_space<hbm>>) target(%arg12 : memref<32x512xf32, #tpu.memory_space<vmem>>) offsets(%dma_start3A_636 : memref<32xi32, #tpu.memory_space<vmem>>) semaphore(%arg20 : memref<!tpu.dma_semaphore, #tpu.memory_space<semaphore_mem>>)
    %dma_start3A_640 = arith.constant 32 : i32
    %dma_start3A_641 = tpu.memref_slice %arg9[%dma_start3A_640] : memref<33xi32, #tpu.memory_space<vmem>> -> memref<1xi32, #tpu.memory_space<vmem>>
    %dma_start3A_642 = arith.constant 0 : i32
    %dma_start3A_643 = arith.constant 0 : i32
    %dma_start3A_644 = tpu.memref_slice %arg2[%dma_start3A_642, %dma_start3A_643] : memref<131072x512xf32, #tpu.memory_space<hbm>> -> memref<131072x512xf32, #tpu.memory_space<hbm>>
    tpu.enqueue_indirect_dma source(%dma_start3A_644 : memref<131072x512xf32, #tpu.memory_space<hbm>>) target(%arg15 : memref<1x512xf32, #tpu.memory_space<vmem>>) offsets(%dma_start3A_641 : memref<1xi32, #tpu.memory_space<vmem>>) semaphore(%arg20 : memref<!tpu.dma_semaphore, #tpu.memory_space<semaphore_mem>>)
    %dma_wait3A_645 = arith.constant 0 : i32
    %dma_wait3A_646 = tpu.memref_slice %arg7[%dma_wait3A_645] : memref<33xi32, #tpu.memory_space<vmem>> -> memref<32xi32, #tpu.memory_space<vmem>>
    %dma_wait3A_647 = arith.constant 0 : i32
    %dma_wait3A_648 = arith.constant 0 : i32
    %dma_wait3A_649 = tpu.memref_slice %arg2[%dma_wait3A_647, %dma_wait3A_648] : memref<131072x512xf32, #tpu.memory_space<hbm>> -> memref<131072x512xf32, #tpu.memory_space<hbm>>
    tpu.wait_indirect_dma semaphore(%arg18 : memref<!tpu.dma_semaphore, #tpu.memory_space<semaphore_mem>>) src(%dma_wait3A_649 : memref<131072x512xf32, #tpu.memory_space<hbm>>) dst(%arg10 : memref<32x512xf32, #tpu.memory_space<vmem>>)
    %dma_wait3A_650 = arith.constant 32 : i32
    %dma_wait3A_651 = tpu.memref_slice %arg7[%dma_wait3A_650] : memref<33xi32, #tpu.memory_space<vmem>> -> memref<1xi32, #tpu.memory_space<vmem>>
    %dma_wait3A_652 = arith.constant 0 : i32
    %dma_wait3A_653 = arith.constant 0 : i32
    %dma_wait3A_654 = tpu.memref_slice %arg2[%dma_wait3A_652, %dma_wait3A_653] : memref<131072x512xf32, #tpu.memory_space<hbm>> -> memref<131072x512xf32, #tpu.memory_space<hbm>>
    tpu.wait_indirect_dma semaphore(%arg18 : memref<!tpu.dma_semaphore, #tpu.memory_space<semaphore_mem>>) src(%dma_wait3A_654 : memref<131072x512xf32, #tpu.memory_space<hbm>>) dst(%arg13 : memref<1x512xf32, #tpu.memory_space<vmem>>)
    %slice3A_655 = vector.extract_strided_slice %get3A_5 {offsets = [6], sizes = [1], strides = [1]} : vector<16xi32> to vector<1xi32>
    %squeeze3A_656 = vector.extract %slice3A_655[0] : i32 from vector<1xi32>
    %broadcast_in_dim3A_657 = arith.constant 0.000000e+00 : f32
    %broadcast_in_dim3A_658 = vector.broadcast %broadcast_in_dim3A_657 : f32 to vector<16xf32>
    %scan3A_659 = arith.constant 0 : i32
    %scan3A_660 = arith.constant 66 : i32
    %scan3A_661 = arith.addi %scan3A_659, %scan3A_660 : i32
    %scan3A_662 = arith.constant 1 : i32
    %scan3A_663 = scf.for %scan3A_1268 = %scan3A_659 to %scan3A_661 step %scan3A_662 iter_args(%scan3A_1269 = %broadcast_in_dim3A_658) -> (vector<16xf32>)  : i32 {
      %mul3A_1270 = arith.constant 1 : i32
      %mul3A_1271 = arith.muli %scan3A_1268, %mul3A_1270 : i32
      %add3A_1272 = arith.constant 0 : i32
      %add3A_1273 = arith.addi %add3A_1272, %mul3A_1271 : i32
      %mul3A_1274 = arith.constant 16 : i32
      %mul3A_1275 = arith.muli %add3A_1273, %mul3A_1274 : i32
      %add3A_1276 = vector.broadcast %mul3A_1275 : i32 to vector<16xi32>
      %add3A_1277 = arith.addi %iota3A, %add3A_1276 : vector<16xi32>
      %mul3A_1278 = arith.constant 16 : i32
      %mul3A_1279 = arith.muli %add3A_1273, %mul3A_1278 : i32
      %get3A_1280 = arith.index_cast %mul3A_1279 : i32 to index
      %get3A_1281 = tpu.vector_load %arg16[%get3A_1280] {strides = array<i32>} : memref<1089xf32, #tpu.memory_space<vmem>>, vector<16xf32>,
      %mul3A_1282 = arith.constant 1986 : i32
      %mul3A_1283 = vector.broadcast %mul3A_1282 : i32 to vector<16xi32>
      %mul3A_1284 = arith.muli %add3A_1277, %mul3A_1283 : vector<16xi32>
      %shift_right_arithmetic3A = arith.constant 16 : i32
      %shift_right_arithmetic3A_1285 = vector.broadcast %shift_right_arithmetic3A : i32 to vector<16xi32>
      %shift_right_arithmetic3A_1286 = arith.shrsi %mul3A_1284, %shift_right_arithmetic3A_1285 : vector<16xi32>
      %add3A_1287 = vector.broadcast %squeeze3A_656 : i32 to vector<16xi32>
      %add3A_1288 = arith.addi %add3A_1287, %add3A_1277 : vector<16xi32>
      %mul3A_1289 = arith.constant 33 : i32
      %mul3A_1290 = vector.broadcast %mul3A_1289 : i32 to vector<16xi32>
      %mul3A_1291 = arith.muli %shift_right_arithmetic3A_1286, %mul3A_1290 : vector<16xi32>
      %sub3A_1292 = arith.subi %add3A_1288, %mul3A_1291 : vector<16xi32>
      %sub3A_1293 = arith.constant 16 : i32
      %sub3A_1294 = vector.broadcast %sub3A_1293 : i32 to vector<16xi32>
      %sub3A_1295 = arith.subi %sub3A_1292, %sub3A_1294 : vector<16xi32>
      %and3A_1296 = arith.constant 511 : i32
      %and3A_1297 = vector.broadcast %and3A_1296 : i32 to vector<16xi32>
      %and3A_1298 = arith.andi %sub3A_1295, %and3A_1297 : vector<16xi32>
      %gather3A_1299 = tpu.vector_load_idx %arg10[%shift_right_arithmetic3A_1286, %and3A_1298] : memref<32x512xf32, #tpu.memory_space<vmem>>[vector<16xi32>, vector<16xi32>], vector<16xf32>,
      %mul3A_1300 = arith.mulf %gather3A_1299, %get3A_1281 : vector<16xf32>
      %add3A_1301 = arith.addf %scan3A_1269, %mul3A_1300 : vector<16xf32>
      scf.yield %add3A_1301 : vector<16xf32>
    }
    %scan3A_664 = arith.constant 66 : i32
    %get3A_665 = arith.constant 1056 : index
    %get3A_666 = tpu.vector_load %arg16[%get3A_665] {strides = array<i32>} : memref<1089xf32, #tpu.memory_space<vmem>>, vector<16xf32>,
    %add3A_667 = arith.constant 1056 : i32
    %add3A_668 = vector.broadcast %add3A_667 : i32 to vector<16xi32>
    %add3A_669 = arith.addi %iota3A, %add3A_668 : vector<16xi32>
    %add3A_670 = vector.broadcast %squeeze3A_656 : i32 to vector<16xi32>
    %add3A_671 = arith.addi %add3A_670, %add3A_669 : vector<16xi32>
    %sub3A_672 = arith.constant 1056 : i32
    %sub3A_673 = vector.broadcast %sub3A_672 : i32 to vector<16xi32>
    %sub3A_674 = arith.subi %add3A_671, %sub3A_673 : vector<16xi32>
    %sub3A_675 = arith.constant 16 : i32
    %sub3A_676 = vector.broadcast %sub3A_675 : i32 to vector<16xi32>
    %sub3A_677 = arith.subi %sub3A_674, %sub3A_676 : vector<16xi32>
    %and3A_678 = arith.constant 511 : i32
    %and3A_679 = vector.broadcast %and3A_678 : i32 to vector<16xi32>
    %and3A_680 = arith.andi %sub3A_677, %and3A_679 : vector<16xi32>
    %mul3A_681 = arith.constant 0 : i32
    %mul3A_682 = vector.broadcast %mul3A_681 : i32 to vector<16xi32>
    %mul3A_683 = arith.muli %iota3A, %mul3A_682 : vector<16xi32>
    %gather3A_684 = tpu.vector_load_idx %arg13[%mul3A_683, %and3A_680] : memref<1x512xf32, #tpu.memory_space<vmem>>[vector<16xi32>, vector<16xi32>], vector<16xf32>,
    %mul3A_685 = arith.mulf %gather3A_684, %get3A_666 : vector<16xf32>
    %add3A_686 = arith.addf %scan3A_663, %mul3A_685 : vector<16xf32>
    %get3A_687 = arith.constant 1072 : index
    %get3A_688 = tpu.vector_load %arg16[%get3A_687] {strides = array<i32>} : memref<1089xf32, #tpu.memory_space<vmem>>, vector<16xf32>,
    %add3A_689 = arith.constant 1072 : i32
    %add3A_690 = vector.broadcast %add3A_689 : i32 to vector<16xi32>
    %add3A_691 = arith.addi %iota3A, %add3A_690 : vector<16xi32>
    %add3A_692 = vector.broadcast %squeeze3A_656 : i32 to vector<16xi32>
    %add3A_693 = arith.addi %add3A_692, %add3A_691 : vector<16xi32>
    %sub3A_694 = arith.constant 1056 : i32
    %sub3A_695 = vector.broadcast %sub3A_694 : i32 to vector<16xi32>
    %sub3A_696 = arith.subi %add3A_693, %sub3A_695 : vector<16xi32>
    %sub3A_697 = arith.constant 16 : i32
    %sub3A_698 = vector.broadcast %sub3A_697 : i32 to vector<16xi32>
    %sub3A_699 = arith.subi %sub3A_696, %sub3A_698 : vector<16xi32>
    %and3A_700 = arith.constant 511 : i32
    %and3A_701 = vector.broadcast %and3A_700 : i32 to vector<16xi32>
    %and3A_702 = arith.andi %sub3A_699, %and3A_701 : vector<16xi32>
    %mul3A_703 = arith.constant 0 : i32
    %mul3A_704 = vector.broadcast %mul3A_703 : i32 to vector<16xi32>
    %mul3A_705 = arith.muli %iota3A, %mul3A_704 : vector<16xi32>
    %gather3A_706 = tpu.vector_load_idx %arg13[%mul3A_705, %and3A_702] : memref<1x512xf32, #tpu.memory_space<vmem>>[vector<16xi32>, vector<16xi32>], vector<16xf32>,
    %mul3A_707 = arith.mulf %gather3A_706, %get3A_688 : vector<16xf32>
    %add3A_708 = arith.addf %add3A_686, %mul3A_707 : vector<16xf32>
    %get3A_709 = arith.constant 1073 : index
    %get3A_710 = tpu.vector_load %arg16[%get3A_709] {strides = array<i32>} : memref<1089xf32, #tpu.memory_space<vmem>>, vector<16xf32>,
    %eq3A_711 = arith.constant 15 : i32
    %eq3A_712 = vector.broadcast %eq3A_711 : i32 to vector<16xi32>
    %eq3A_713 = arith.cmpi eq, %iota3A, %eq3A_712 : vector<16xi32>
    %convert_element_type3A_714 = arith.extui %eq3A_713 : vector<16xi1> to vector<16xi32>
    %convert_element_type3A_715 = arith.sitofp %convert_element_type3A_714 : vector<16xi32> to vector<16xf32>
    %mul3A_716 = arith.mulf %get3A_710, %convert_element_type3A_715 : vector<16xf32>
    %add3A_717 = arith.constant 1073 : i32
    %add3A_718 = vector.broadcast %add3A_717 : i32 to vector<16xi32>
    %add3A_719 = arith.addi %iota3A, %add3A_718 : vector<16xi32>
    %add3A_720 = vector.broadcast %squeeze3A_656 : i32 to vector<16xi32>
    %add3A_721 = arith.addi %add3A_720, %add3A_719 : vector<16xi32>
    %sub3A_722 = arith.constant 1056 : i32
    %sub3A_723 = vector.broadcast %sub3A_722 : i32 to vector<16xi32>
    %sub3A_724 = arith.subi %add3A_721, %sub3A_723 : vector<16xi32>
    %sub3A_725 = arith.constant 16 : i32
    %sub3A_726 = vector.broadcast %sub3A_725 : i32 to vector<16xi32>
    %sub3A_727 = arith.subi %sub3A_724, %sub3A_726 : vector<16xi32>
    %and3A_728 = arith.constant 511 : i32
    %and3A_729 = vector.broadcast %and3A_728 : i32 to vector<16xi32>
    %and3A_730 = arith.andi %sub3A_727, %and3A_729 : vector<16xi32>
    %mul3A_731 = arith.constant 0 : i32
    %mul3A_732 = vector.broadcast %mul3A_731 : i32 to vector<16xi32>
    %mul3A_733 = arith.muli %iota3A, %mul3A_732 : vector<16xi32>
    %gather3A_734 = tpu.vector_load_idx %arg13[%mul3A_733, %and3A_730] : memref<1x512xf32, #tpu.memory_space<vmem>>[vector<16xi32>, vector<16xi32>], vector<16xf32>,
    %mul3A_735 = arith.mulf %gather3A_734, %mul3A_716 : vector<16xf32>
    %add3A_736 = arith.addf %add3A_708, %mul3A_735 : vector<16xf32>
    %reduce_sum3A_737 = arith.constant true
    %reduce_sum3A_738 = vector.broadcast %reduce_sum3A_737 : i1 to vector<16xi1>
    %reduce_sum3A_739 = tpu.scan <sum>, %add3A_736 masked %reduce_sum3A_738 : vector<16xf32>, vector<16xi1> -> vector<16xf32>
    %reduce_sum3A_740 = vector.extract %reduce_sum3A_739[15] : f32 from vector<16xf32>
    %eq3A_741 = arith.constant 3 : i32
    %eq3A_742 = vector.broadcast %eq3A_741 : i32 to vector<16xi32>
    %eq3A_743 = arith.cmpi eq, %iota3A, %eq3A_742 : vector<16xi32>
    %broadcast_in_dim3A_744 = vector.broadcast %reduce_sum3A_740 : f32 to vector<16xf32>
    %select_n3A_745 = arith.select %eq3A_743, %broadcast_in_dim3A_744, %select_n3A_586 : vector<16xi1>, vector<16xf32>
    %slice3A_746 = vector.extract_strided_slice %get3A_5 {offsets = [13], sizes = [1], strides = [1]} : vector<16xi32> to vector<1xi32>
    %squeeze3A_747 = vector.extract %slice3A_746[0] : i32 from vector<1xi32>
    %add3A_748 = arith.constant 6 : i32
    %add3A_749 = arith.addi %mul3A_2, %add3A_748 : i32
    %mul3A_750 = arith.constant 512 : i32
    %mul3A_751 = arith.muli %add3A_749, %mul3A_750 : i32
    %add3A_752 = arith.constant 0 : i32
    %add3A_753 = vector.broadcast %add3A_752 : i32 to vector<16xi32>
    %add3A_754 = arith.addi %iota3A, %add3A_753 : vector<16xi32>
    %sub3A_755 = arith.constant 16 : i32
    %sub3A_756 = arith.subi %squeeze3A_747, %sub3A_755 : i32
    %add3A_757 = vector.broadcast %sub3A_756 : i32 to vector<16xi32>
    %add3A_758 = arith.addi %add3A_757, %add3A_754 : vector<16xi32>
    %and3A_759 = arith.constant 511 : i32
    %and3A_760 = vector.broadcast %and3A_759 : i32 to vector<16xi32>
    %and3A_761 = arith.andi %add3A_758, %and3A_760 : vector<16xi32>
    %add3A_762 = vector.broadcast %mul3A_751 : i32 to vector<16xi32>
    %add3A_763 = arith.addi %and3A_761, %add3A_762 : vector<16xi32>
    %swap3A_764 = arith.constant 0 : index
    %swap3A_765 = tpu.vector_load %arg7[%swap3A_764] {strides = array<i32>} : memref<33xi32, #tpu.memory_space<vmem>>, vector<16xi32>,
    tpu.vector_store %arg7[%swap3A_764], %add3A_763 {strides = array<i32>} : memref<33xi32, #tpu.memory_space<vmem>>, vector<16xi32>,
    %add3A_766 = arith.constant 16 : i32
    %add3A_767 = vector.broadcast %add3A_766 : i32 to vector<16xi32>
    %add3A_768 = arith.addi %iota3A, %add3A_767 : vector<16xi32>
    %sub3A_769 = arith.constant 16 : i32
    %sub3A_770 = arith.subi %squeeze3A_747, %sub3A_769 : i32
    %add3A_771 = vector.broadcast %sub3A_770 : i32 to vector<16xi32>
    %add3A_772 = arith.addi %add3A_771, %add3A_768 : vector<16xi32>
    %and3A_773 = arith.constant 511 : i32
    %and3A_774 = vector.broadcast %and3A_773 : i32 to vector<16xi32>
    %and3A_775 = arith.andi %add3A_772, %and3A_774 : vector<16xi32>
    %add3A_776 = vector.broadcast %mul3A_751 : i32 to vector<16xi32>
    %add3A_777 = arith.addi %and3A_775, %add3A_776 : vector<16xi32>
    %swap3A_778 = arith.constant 16 : index
    %swap3A_779 = tpu.vector_load %arg7[%swap3A_778] {strides = array<i32>} : memref<33xi32, #tpu.memory_space<vmem>>, vector<16xi32>,
    tpu.vector_store %arg7[%swap3A_778], %add3A_777 {strides = array<i32>} : memref<33xi32, #tpu.memory_space<vmem>>, vector<16xi32>,
    %add3A_780 = arith.constant 17 : i32
    %add3A_781 = vector.broadcast %add3A_780 : i32 to vector<16xi32>
    %add3A_782 = arith.addi %iota3A, %add3A_781 : vector<16xi32>
    %sub3A_783 = arith.constant 16 : i32
    %sub3A_784 = arith.subi %squeeze3A_747, %sub3A_783 : i32
    %add3A_785 = vector.broadcast %sub3A_784 : i32 to vector<16xi32>
    %add3A_786 = arith.addi %add3A_785, %add3A_782 : vector<16xi32>
    %and3A_787 = arith.constant 511 : i32
    %and3A_788 = vector.broadcast %and3A_787 : i32 to vector<16xi32>
    %and3A_789 = arith.andi %add3A_786, %and3A_788 : vector<16xi32>
    %add3A_790 = vector.broadcast %mul3A_751 : i32 to vector<16xi32>
    %add3A_791 = arith.addi %and3A_789, %add3A_790 : vector<16xi32>
    %swap3A_792 = arith.constant 17 : index
    %swap3A_793 = tpu.vector_load %arg7[%swap3A_792] {strides = array<i32>} : memref<33xi32, #tpu.memory_space<vmem>>, vector<16xi32>,
    tpu.vector_store %arg7[%swap3A_792], %add3A_791 {strides = array<i32>} : memref<33xi32, #tpu.memory_space<vmem>>, vector<16xi32>,
    %dma_start3A_794 = arith.constant 0 : i32
    %dma_start3A_795 = tpu.memref_slice %arg7[%dma_start3A_794] : memref<33xi32, #tpu.memory_space<vmem>> -> memref<32xi32, #tpu.memory_space<vmem>>
    %dma_start3A_796 = arith.constant 0 : i32
    %dma_start3A_797 = arith.constant 0 : i32
    %dma_start3A_798 = tpu.memref_slice %arg2[%dma_start3A_796, %dma_start3A_797] : memref<131072x512xf32, #tpu.memory_space<hbm>> -> memref<131072x512xf32, #tpu.memory_space<hbm>>
    tpu.enqueue_indirect_dma source(%dma_start3A_798 : memref<131072x512xf32, #tpu.memory_space<hbm>>) target(%arg10 : memref<32x512xf32, #tpu.memory_space<vmem>>) offsets(%dma_start3A_795 : memref<32xi32, #tpu.memory_space<vmem>>) semaphore(%arg18 : memref<!tpu.dma_semaphore, #tpu.memory_space<semaphore_mem>>)
    %dma_start3A_799 = arith.constant 32 : i32
    %dma_start3A_800 = tpu.memref_slice %arg7[%dma_start3A_799] : memref<33xi32, #tpu.memory_space<vmem>> -> memref<1xi32, #tpu.memory_space<vmem>>
    %dma_start3A_801 = arith.constant 0 : i32
    %dma_start3A_802 = arith.constant 0 : i32
    %dma_start3A_803 = tpu.memref_slice %arg2[%dma_start3A_801, %dma_start3A_802] : memref<131072x512xf32, #tpu.memory_space<hbm>> -> memref<131072x512xf32, #tpu.memory_space<hbm>>
    tpu.enqueue_indirect_dma source(%dma_start3A_803 : memref<131072x512xf32, #tpu.memory_space<hbm>>) target(%arg13 : memref<1x512xf32, #tpu.memory_space<vmem>>) offsets(%dma_start3A_800 : memref<1xi32, #tpu.memory_space<vmem>>) semaphore(%arg18 : memref<!tpu.dma_semaphore, #tpu.memory_space<semaphore_mem>>)
    %dma_wait3A_804 = arith.constant 0 : i32
    %dma_wait3A_805 = tpu.memref_slice %arg8[%dma_wait3A_804] : memref<33xi32, #tpu.memory_space<vmem>> -> memref<32xi32, #tpu.memory_space<vmem>>
    %dma_wait3A_806 = arith.constant 0 : i32
    %dma_wait3A_807 = arith.constant 0 : i32
    %dma_wait3A_808 = tpu.memref_slice %arg2[%dma_wait3A_806, %dma_wait3A_807] : memref<131072x512xf32, #tpu.memory_space<hbm>> -> memref<131072x512xf32, #tpu.memory_space<hbm>>
    tpu.wait_indirect_dma semaphore(%arg19 : memref<!tpu.dma_semaphore, #tpu.memory_space<semaphore_mem>>) src(%dma_wait3A_808 : memref<131072x512xf32, #tpu.memory_space<hbm>>) dst(%arg11 : memref<32x512xf32, #tpu.memory_space<vmem>>)
    %dma_wait3A_809 = arith.constant 32 : i32
    %dma_wait3A_810 = tpu.memref_slice %arg8[%dma_wait3A_809] : memref<33xi32, #tpu.memory_space<vmem>> -> memref<1xi32, #tpu.memory_space<vmem>>
    %dma_wait3A_811 = arith.constant 0 : i32
    %dma_wait3A_812 = arith.constant 0 : i32
    %dma_wait3A_813 = tpu.memref_slice %arg2[%dma_wait3A_811, %dma_wait3A_812] : memref<131072x512xf32, #tpu.memory_space<hbm>> -> memref<131072x512xf32, #tpu.memory_space<hbm>>
    tpu.wait_indirect_dma semaphore(%arg19 : memref<!tpu.dma_semaphore, #tpu.memory_space<semaphore_mem>>) src(%dma_wait3A_813 : memref<131072x512xf32, #tpu.memory_space<hbm>>) dst(%arg14 : memref<1x512xf32, #tpu.memory_space<vmem>>)
    %slice3A_814 = vector.extract_strided_slice %get3A_5 {offsets = [8], sizes = [1], strides = [1]} : vector<16xi32> to vector<1xi32>
    %squeeze3A_815 = vector.extract %slice3A_814[0] : i32 from vector<1xi32>
    %broadcast_in_dim3A_816 = arith.constant 0.000000e+00 : f32
    %broadcast_in_dim3A_817 = vector.broadcast %broadcast_in_dim3A_816 : f32 to vector<16xf32>
    %scan3A_818 = arith.constant 0 : i32
    %scan3A_819 = arith.constant 66 : i32
    %scan3A_820 = arith.addi %scan3A_818, %scan3A_819 : i32
    %scan3A_821 = arith.constant 1 : i32
    %scan3A_822 = scf.for %scan3A_1268 = %scan3A_818 to %scan3A_820 step %scan3A_821 iter_args(%scan3A_1269 = %broadcast_in_dim3A_817) -> (vector<16xf32>)  : i32 {
      %mul3A_1270 = arith.constant 1 : i32
      %mul3A_1271 = arith.muli %scan3A_1268, %mul3A_1270 : i32
      %add3A_1272 = arith.constant 0 : i32
      %add3A_1273 = arith.addi %add3A_1272, %mul3A_1271 : i32
      %mul3A_1274 = arith.constant 16 : i32
      %mul3A_1275 = arith.muli %add3A_1273, %mul3A_1274 : i32
      %add3A_1276 = vector.broadcast %mul3A_1275 : i32 to vector<16xi32>
      %add3A_1277 = arith.addi %iota3A, %add3A_1276 : vector<16xi32>
      %mul3A_1278 = arith.constant 16 : i32
      %mul3A_1279 = arith.muli %add3A_1273, %mul3A_1278 : i32
      %get3A_1280 = arith.index_cast %mul3A_1279 : i32 to index
      %get3A_1281 = tpu.vector_load %arg16[%get3A_1280] {strides = array<i32>} : memref<1089xf32, #tpu.memory_space<vmem>>, vector<16xf32>,
      %mul3A_1282 = arith.constant 1986 : i32
      %mul3A_1283 = vector.broadcast %mul3A_1282 : i32 to vector<16xi32>
      %mul3A_1284 = arith.muli %add3A_1277, %mul3A_1283 : vector<16xi32>
      %shift_right_arithmetic3A = arith.constant 16 : i32
      %shift_right_arithmetic3A_1285 = vector.broadcast %shift_right_arithmetic3A : i32 to vector<16xi32>
      %shift_right_arithmetic3A_1286 = arith.shrsi %mul3A_1284, %shift_right_arithmetic3A_1285 : vector<16xi32>
      %add3A_1287 = vector.broadcast %squeeze3A_815 : i32 to vector<16xi32>
      %add3A_1288 = arith.addi %add3A_1287, %add3A_1277 : vector<16xi32>
      %mul3A_1289 = arith.constant 33 : i32
      %mul3A_1290 = vector.broadcast %mul3A_1289 : i32 to vector<16xi32>
      %mul3A_1291 = arith.muli %shift_right_arithmetic3A_1286, %mul3A_1290 : vector<16xi32>
      %sub3A_1292 = arith.subi %add3A_1288, %mul3A_1291 : vector<16xi32>
      %sub3A_1293 = arith.constant 16 : i32
      %sub3A_1294 = vector.broadcast %sub3A_1293 : i32 to vector<16xi32>
      %sub3A_1295 = arith.subi %sub3A_1292, %sub3A_1294 : vector<16xi32>
      %and3A_1296 = arith.constant 511 : i32
      %and3A_1297 = vector.broadcast %and3A_1296 : i32 to vector<16xi32>
      %and3A_1298 = arith.andi %sub3A_1295, %and3A_1297 : vector<16xi32>
      %gather3A_1299 = tpu.vector_load_idx %arg11[%shift_right_arithmetic3A_1286, %and3A_1298] : memref<32x512xf32, #tpu.memory_space<vmem>>[vector<16xi32>, vector<16xi32>], vector<16xf32>,
      %mul3A_1300 = arith.mulf %gather3A_1299, %get3A_1281 : vector<16xf32>
      %add3A_1301 = arith.addf %scan3A_1269, %mul3A_1300 : vector<16xf32>
      scf.yield %add3A_1301 : vector<16xf32>
    }
    %scan3A_823 = arith.constant 66 : i32
    %get3A_824 = arith.constant 1056 : index
    %get3A_825 = tpu.vector_load %arg16[%get3A_824] {strides = array<i32>} : memref<1089xf32, #tpu.memory_space<vmem>>, vector<16xf32>,
    %add3A_826 = arith.constant 1056 : i32
    %add3A_827 = vector.broadcast %add3A_826 : i32 to vector<16xi32>
    %add3A_828 = arith.addi %iota3A, %add3A_827 : vector<16xi32>
    %add3A_829 = vector.broadcast %squeeze3A_815 : i32 to vector<16xi32>
    %add3A_830 = arith.addi %add3A_829, %add3A_828 : vector<16xi32>
    %sub3A_831 = arith.constant 1056 : i32
    %sub3A_832 = vector.broadcast %sub3A_831 : i32 to vector<16xi32>
    %sub3A_833 = arith.subi %add3A_830, %sub3A_832 : vector<16xi32>
    %sub3A_834 = arith.constant 16 : i32
    %sub3A_835 = vector.broadcast %sub3A_834 : i32 to vector<16xi32>
    %sub3A_836 = arith.subi %sub3A_833, %sub3A_835 : vector<16xi32>
    %and3A_837 = arith.constant 511 : i32
    %and3A_838 = vector.broadcast %and3A_837 : i32 to vector<16xi32>
    %and3A_839 = arith.andi %sub3A_836, %and3A_838 : vector<16xi32>
    %mul3A_840 = arith.constant 0 : i32
    %mul3A_841 = vector.broadcast %mul3A_840 : i32 to vector<16xi32>
    %mul3A_842 = arith.muli %iota3A, %mul3A_841 : vector<16xi32>
    %gather3A_843 = tpu.vector_load_idx %arg14[%mul3A_842, %and3A_839] : memref<1x512xf32, #tpu.memory_space<vmem>>[vector<16xi32>, vector<16xi32>], vector<16xf32>,
    %mul3A_844 = arith.mulf %gather3A_843, %get3A_825 : vector<16xf32>
    %add3A_845 = arith.addf %scan3A_822, %mul3A_844 : vector<16xf32>
    %get3A_846 = arith.constant 1072 : index
    %get3A_847 = tpu.vector_load %arg16[%get3A_846] {strides = array<i32>} : memref<1089xf32, #tpu.memory_space<vmem>>, vector<16xf32>,
    %add3A_848 = arith.constant 1072 : i32
    %add3A_849 = vector.broadcast %add3A_848 : i32 to vector<16xi32>
    %add3A_850 = arith.addi %iota3A, %add3A_849 : vector<16xi32>
    %add3A_851 = vector.broadcast %squeeze3A_815 : i32 to vector<16xi32>
    %add3A_852 = arith.addi %add3A_851, %add3A_850 : vector<16xi32>
    %sub3A_853 = arith.constant 1056 : i32
    %sub3A_854 = vector.broadcast %sub3A_853 : i32 to vector<16xi32>
    %sub3A_855 = arith.subi %add3A_852, %sub3A_854 : vector<16xi32>
    %sub3A_856 = arith.constant 16 : i32
    %sub3A_857 = vector.broadcast %sub3A_856 : i32 to vector<16xi32>
    %sub3A_858 = arith.subi %sub3A_855, %sub3A_857 : vector<16xi32>
    %and3A_859 = arith.constant 511 : i32
    %and3A_860 = vector.broadcast %and3A_859 : i32 to vector<16xi32>
    %and3A_861 = arith.andi %sub3A_858, %and3A_860 : vector<16xi32>
    %mul3A_862 = arith.constant 0 : i32
    %mul3A_863 = vector.broadcast %mul3A_862 : i32 to vector<16xi32>
    %mul3A_864 = arith.muli %iota3A, %mul3A_863 : vector<16xi32>
    %gather3A_865 = tpu.vector_load_idx %arg14[%mul3A_864, %and3A_861] : memref<1x512xf32, #tpu.memory_space<vmem>>[vector<16xi32>, vector<16xi32>], vector<16xf32>,
    %mul3A_866 = arith.mulf %gather3A_865, %get3A_847 : vector<16xf32>
    %add3A_867 = arith.addf %add3A_845, %mul3A_866 : vector<16xf32>
    %get3A_868 = arith.constant 1073 : index
    %get3A_869 = tpu.vector_load %arg16[%get3A_868] {strides = array<i32>} : memref<1089xf32, #tpu.memory_space<vmem>>, vector<16xf32>,
    %eq3A_870 = arith.constant 15 : i32
    %eq3A_871 = vector.broadcast %eq3A_870 : i32 to vector<16xi32>
    %eq3A_872 = arith.cmpi eq, %iota3A, %eq3A_871 : vector<16xi32>
    %convert_element_type3A_873 = arith.extui %eq3A_872 : vector<16xi1> to vector<16xi32>
    %convert_element_type3A_874 = arith.sitofp %convert_element_type3A_873 : vector<16xi32> to vector<16xf32>
    %mul3A_875 = arith.mulf %get3A_869, %convert_element_type3A_874 : vector<16xf32>
    %add3A_876 = arith.constant 1073 : i32
    %add3A_877 = vector.broadcast %add3A_876 : i32 to vector<16xi32>
    %add3A_878 = arith.addi %iota3A, %add3A_877 : vector<16xi32>
    %add3A_879 = vector.broadcast %squeeze3A_815 : i32 to vector<16xi32>
    %add3A_880 = arith.addi %add3A_879, %add3A_878 : vector<16xi32>
    %sub3A_881 = arith.constant 1056 : i32
    %sub3A_882 = vector.broadcast %sub3A_881 : i32 to vector<16xi32>
    %sub3A_883 = arith.subi %add3A_880, %sub3A_882 : vector<16xi32>
    %sub3A_884 = arith.constant 16 : i32
    %sub3A_885 = vector.broadcast %sub3A_884 : i32 to vector<16xi32>
    %sub3A_886 = arith.subi %sub3A_883, %sub3A_885 : vector<16xi32>
    %and3A_887 = arith.constant 511 : i32
    %and3A_888 = vector.broadcast %and3A_887 : i32 to vector<16xi32>
    %and3A_889 = arith.andi %sub3A_886, %and3A_888 : vector<16xi32>
    %mul3A_890 = arith.constant 0 : i32
    %mul3A_891 = vector.broadcast %mul3A_890 : i32 to vector<16xi32>
    %mul3A_892 = arith.muli %iota3A, %mul3A_891 : vector<16xi32>
    %gather3A_893 = tpu.vector_load_idx %arg14[%mul3A_892, %and3A_889] : memref<1x512xf32, #tpu.memory_space<vmem>>[vector<16xi32>, vector<16xi32>], vector<16xf32>,
    %mul3A_894 = arith.mulf %gather3A_893, %mul3A_875 : vector<16xf32>
    %add3A_895 = arith.addf %add3A_867, %mul3A_894 : vector<16xf32>
    %reduce_sum3A_896 = arith.constant true
    %reduce_sum3A_897 = vector.broadcast %reduce_sum3A_896 : i1 to vector<16xi1>
    %reduce_sum3A_898 = tpu.scan <sum>, %add3A_895 masked %reduce_sum3A_897 : vector<16xf32>, vector<16xi1> -> vector<16xf32>
    %reduce_sum3A_899 = vector.extract %reduce_sum3A_898[15] : f32 from vector<16xf32>
    %eq3A_900 = arith.constant 4 : i32
    %eq3A_901 = vector.broadcast %eq3A_900 : i32 to vector<16xi32>
    %eq3A_902 = arith.cmpi eq, %iota3A, %eq3A_901 : vector<16xi32>
    %broadcast_in_dim3A_903 = vector.broadcast %reduce_sum3A_899 : f32 to vector<16xf32>
    %select_n3A_904 = arith.select %eq3A_902, %broadcast_in_dim3A_903, %select_n3A_745 : vector<16xi1>, vector<16xf32>
    %slice3A_905 = vector.extract_strided_slice %get3A_5 {offsets = [15], sizes = [1], strides = [1]} : vector<16xi32> to vector<1xi32>
    %squeeze3A_906 = vector.extract %slice3A_905[0] : i32 from vector<1xi32>
    %add3A_907 = arith.constant 7 : i32
    %add3A_908 = arith.addi %mul3A_2, %add3A_907 : i32
    %mul3A_909 = arith.constant 512 : i32
    %mul3A_910 = arith.muli %add3A_908, %mul3A_909 : i32
    %add3A_911 = arith.constant 0 : i32
    %add3A_912 = vector.broadcast %add3A_911 : i32 to vector<16xi32>
    %add3A_913 = arith.addi %iota3A, %add3A_912 : vector<16xi32>
    %sub3A_914 = arith.constant 16 : i32
    %sub3A_915 = arith.subi %squeeze3A_906, %sub3A_914 : i32
    %add3A_916 = vector.broadcast %sub3A_915 : i32 to vector<16xi32>
    %add3A_917 = arith.addi %add3A_916, %add3A_913 : vector<16xi32>
    %and3A_918 = arith.constant 511 : i32
    %and3A_919 = vector.broadcast %and3A_918 : i32 to vector<16xi32>
    %and3A_920 = arith.andi %add3A_917, %and3A_919 : vector<16xi32>
    %add3A_921 = vector.broadcast %mul3A_910 : i32 to vector<16xi32>
    %add3A_922 = arith.addi %and3A_920, %add3A_921 : vector<16xi32>
    %swap3A_923 = arith.constant 0 : index
    %swap3A_924 = tpu.vector_load %arg8[%swap3A_923] {strides = array<i32>} : memref<33xi32, #tpu.memory_space<vmem>>, vector<16xi32>,
    tpu.vector_store %arg8[%swap3A_923], %add3A_922 {strides = array<i32>} : memref<33xi32, #tpu.memory_space<vmem>>, vector<16xi32>,
    %add3A_925 = arith.constant 16 : i32
    %add3A_926 = vector.broadcast %add3A_925 : i32 to vector<16xi32>
    %add3A_927 = arith.addi %iota3A, %add3A_926 : vector<16xi32>
    %sub3A_928 = arith.constant 16 : i32
    %sub3A_929 = arith.subi %squeeze3A_906, %sub3A_928 : i32
    %add3A_930 = vector.broadcast %sub3A_929 : i32 to vector<16xi32>
    %add3A_931 = arith.addi %add3A_930, %add3A_927 : vector<16xi32>
    %and3A_932 = arith.constant 511 : i32
    %and3A_933 = vector.broadcast %and3A_932 : i32 to vector<16xi32>
    %and3A_934 = arith.andi %add3A_931, %and3A_933 : vector<16xi32>
    %add3A_935 = vector.broadcast %mul3A_910 : i32 to vector<16xi32>
    %add3A_936 = arith.addi %and3A_934, %add3A_935 : vector<16xi32>
    %swap3A_937 = arith.constant 16 : index
    %swap3A_938 = tpu.vector_load %arg8[%swap3A_937] {strides = array<i32>} : memref<33xi32, #tpu.memory_space<vmem>>, vector<16xi32>,
    tpu.vector_store %arg8[%swap3A_937], %add3A_936 {strides = array<i32>} : memref<33xi32, #tpu.memory_space<vmem>>, vector<16xi32>,
    %add3A_939 = arith.constant 17 : i32
    %add3A_940 = vector.broadcast %add3A_939 : i32 to vector<16xi32>
    %add3A_941 = arith.addi %iota3A, %add3A_940 : vector<16xi32>
    %sub3A_942 = arith.constant 16 : i32
    %sub3A_943 = arith.subi %squeeze3A_906, %sub3A_942 : i32
    %add3A_944 = vector.broadcast %sub3A_943 : i32 to vector<16xi32>
    %add3A_945 = arith.addi %add3A_944, %add3A_941 : vector<16xi32>
    %and3A_946 = arith.constant 511 : i32
    %and3A_947 = vector.broadcast %and3A_946 : i32 to vector<16xi32>
    %and3A_948 = arith.andi %add3A_945, %and3A_947 : vector<16xi32>
    %add3A_949 = vector.broadcast %mul3A_910 : i32 to vector<16xi32>
    %add3A_950 = arith.addi %and3A_948, %add3A_949 : vector<16xi32>
    %swap3A_951 = arith.constant 17 : index
    %swap3A_952 = tpu.vector_load %arg8[%swap3A_951] {strides = array<i32>} : memref<33xi32, #tpu.memory_space<vmem>>, vector<16xi32>,
    tpu.vector_store %arg8[%swap3A_951], %add3A_950 {strides = array<i32>} : memref<33xi32, #tpu.memory_space<vmem>>, vector<16xi32>,
    %dma_start3A_953 = arith.constant 0 : i32
    %dma_start3A_954 = tpu.memref_slice %arg8[%dma_start3A_953] : memref<33xi32, #tpu.memory_space<vmem>> -> memref<32xi32, #tpu.memory_space<vmem>>
    %dma_start3A_955 = arith.constant 0 : i32
    %dma_start3A_956 = arith.constant 0 : i32
    %dma_start3A_957 = tpu.memref_slice %arg2[%dma_start3A_955, %dma_start3A_956] : memref<131072x512xf32, #tpu.memory_space<hbm>> -> memref<131072x512xf32, #tpu.memory_space<hbm>>
    tpu.enqueue_indirect_dma source(%dma_start3A_957 : memref<131072x512xf32, #tpu.memory_space<hbm>>) target(%arg11 : memref<32x512xf32, #tpu.memory_space<vmem>>) offsets(%dma_start3A_954 : memref<32xi32, #tpu.memory_space<vmem>>) semaphore(%arg19 : memref<!tpu.dma_semaphore, #tpu.memory_space<semaphore_mem>>)
    %dma_start3A_958 = arith.constant 32 : i32
    %dma_start3A_959 = tpu.memref_slice %arg8[%dma_start3A_958] : memref<33xi32, #tpu.memory_space<vmem>> -> memref<1xi32, #tpu.memory_space<vmem>>
    %dma_start3A_960 = arith.constant 0 : i32
    %dma_start3A_961 = arith.constant 0 : i32
    %dma_start3A_962 = tpu.memref_slice %arg2[%dma_start3A_960, %dma_start3A_961] : memref<131072x512xf32, #tpu.memory_space<hbm>> -> memref<131072x512xf32, #tpu.memory_space<hbm>>
    tpu.enqueue_indirect_dma source(%dma_start3A_962 : memref<131072x512xf32, #tpu.memory_space<hbm>>) target(%arg14 : memref<1x512xf32, #tpu.memory_space<vmem>>) offsets(%dma_start3A_959 : memref<1xi32, #tpu.memory_space<vmem>>) semaphore(%arg19 : memref<!tpu.dma_semaphore, #tpu.memory_space<semaphore_mem>>)
    %dma_wait3A_963 = arith.constant 0 : i32
    %dma_wait3A_964 = tpu.memref_slice %arg9[%dma_wait3A_963] : memref<33xi32, #tpu.memory_space<vmem>> -> memref<32xi32, #tpu.memory_space<vmem>>
    %dma_wait3A_965 = arith.constant 0 : i32
    %dma_wait3A_966 = arith.constant 0 : i32
    %dma_wait3A_967 = tpu.memref_slice %arg2[%dma_wait3A_965, %dma_wait3A_966] : memref<131072x512xf32, #tpu.memory_space<hbm>> -> memref<131072x512xf32, #tpu.memory_space<hbm>>
    tpu.wait_indirect_dma semaphore(%arg20 : memref<!tpu.dma_semaphore, #tpu.memory_space<semaphore_mem>>) src(%dma_wait3A_967 : memref<131072x512xf32, #tpu.memory_space<hbm>>) dst(%arg12 : memref<32x512xf32, #tpu.memory_space<vmem>>)
    %dma_wait3A_968 = arith.constant 32 : i32
    %dma_wait3A_969 = tpu.memref_slice %arg9[%dma_wait3A_968] : memref<33xi32, #tpu.memory_space<vmem>> -> memref<1xi32, #tpu.memory_space<vmem>>
    %dma_wait3A_970 = arith.constant 0 : i32
    %dma_wait3A_971 = arith.constant 0 : i32
    %dma_wait3A_972 = tpu.memref_slice %arg2[%dma_wait3A_970, %dma_wait3A_971] : memref<131072x512xf32, #tpu.memory_space<hbm>> -> memref<131072x512xf32, #tpu.memory_space<hbm>>
    tpu.wait_indirect_dma semaphore(%arg20 : memref<!tpu.dma_semaphore, #tpu.memory_space<semaphore_mem>>) src(%dma_wait3A_972 : memref<131072x512xf32, #tpu.memory_space<hbm>>) dst(%arg15 : memref<1x512xf32, #tpu.memory_space<vmem>>)
    %slice3A_973 = vector.extract_strided_slice %get3A_5 {offsets = [10], sizes = [1], strides = [1]} : vector<16xi32> to vector<1xi32>
    %squeeze3A_974 = vector.extract %slice3A_973[0] : i32 from vector<1xi32>
    %broadcast_in_dim3A_975 = arith.constant 0.000000e+00 : f32
    %broadcast_in_dim3A_976 = vector.broadcast %broadcast_in_dim3A_975 : f32 to vector<16xf32>
    %scan3A_977 = arith.constant 0 : i32
    %scan3A_978 = arith.constant 66 : i32
    %scan3A_979 = arith.addi %scan3A_977, %scan3A_978 : i32
    %scan3A_980 = arith.constant 1 : i32
    %scan3A_981 = scf.for %scan3A_1268 = %scan3A_977 to %scan3A_979 step %scan3A_980 iter_args(%scan3A_1269 = %broadcast_in_dim3A_976) -> (vector<16xf32>)  : i32 {
      %mul3A_1270 = arith.constant 1 : i32
      %mul3A_1271 = arith.muli %scan3A_1268, %mul3A_1270 : i32
      %add3A_1272 = arith.constant 0 : i32
      %add3A_1273 = arith.addi %add3A_1272, %mul3A_1271 : i32
      %mul3A_1274 = arith.constant 16 : i32
      %mul3A_1275 = arith.muli %add3A_1273, %mul3A_1274 : i32
      %add3A_1276 = vector.broadcast %mul3A_1275 : i32 to vector<16xi32>
      %add3A_1277 = arith.addi %iota3A, %add3A_1276 : vector<16xi32>
      %mul3A_1278 = arith.constant 16 : i32
      %mul3A_1279 = arith.muli %add3A_1273, %mul3A_1278 : i32
      %get3A_1280 = arith.index_cast %mul3A_1279 : i32 to index
      %get3A_1281 = tpu.vector_load %arg16[%get3A_1280] {strides = array<i32>} : memref<1089xf32, #tpu.memory_space<vmem>>, vector<16xf32>,
      %mul3A_1282 = arith.constant 1986 : i32
      %mul3A_1283 = vector.broadcast %mul3A_1282 : i32 to vector<16xi32>
      %mul3A_1284 = arith.muli %add3A_1277, %mul3A_1283 : vector<16xi32>
      %shift_right_arithmetic3A = arith.constant 16 : i32
      %shift_right_arithmetic3A_1285 = vector.broadcast %shift_right_arithmetic3A : i32 to vector<16xi32>
      %shift_right_arithmetic3A_1286 = arith.shrsi %mul3A_1284, %shift_right_arithmetic3A_1285 : vector<16xi32>
      %add3A_1287 = vector.broadcast %squeeze3A_974 : i32 to vector<16xi32>
      %add3A_1288 = arith.addi %add3A_1287, %add3A_1277 : vector<16xi32>
      %mul3A_1289 = arith.constant 33 : i32
      %mul3A_1290 = vector.broadcast %mul3A_1289 : i32 to vector<16xi32>
      %mul3A_1291 = arith.muli %shift_right_arithmetic3A_1286, %mul3A_1290 : vector<16xi32>
      %sub3A_1292 = arith.subi %add3A_1288, %mul3A_1291 : vector<16xi32>
      %sub3A_1293 = arith.constant 16 : i32
      %sub3A_1294 = vector.broadcast %sub3A_1293 : i32 to vector<16xi32>
      %sub3A_1295 = arith.subi %sub3A_1292, %sub3A_1294 : vector<16xi32>
      %and3A_1296 = arith.constant 511 : i32
      %and3A_1297 = vector.broadcast %and3A_1296 : i32 to vector<16xi32>
      %and3A_1298 = arith.andi %sub3A_1295, %and3A_1297 : vector<16xi32>
      %gather3A_1299 = tpu.vector_load_idx %arg12[%shift_right_arithmetic3A_1286, %and3A_1298] : memref<32x512xf32, #tpu.memory_space<vmem>>[vector<16xi32>, vector<16xi32>], vector<16xf32>,
      %mul3A_1300 = arith.mulf %gather3A_1299, %get3A_1281 : vector<16xf32>
      %add3A_1301 = arith.addf %scan3A_1269, %mul3A_1300 : vector<16xf32>
      scf.yield %add3A_1301 : vector<16xf32>
    }
    %scan3A_982 = arith.constant 66 : i32
    %get3A_983 = arith.constant 1056 : index
    %get3A_984 = tpu.vector_load %arg16[%get3A_983] {strides = array<i32>} : memref<1089xf32, #tpu.memory_space<vmem>>, vector<16xf32>,
    %add3A_985 = arith.constant 1056 : i32
    %add3A_986 = vector.broadcast %add3A_985 : i32 to vector<16xi32>
    %add3A_987 = arith.addi %iota3A, %add3A_986 : vector<16xi32>
    %add3A_988 = vector.broadcast %squeeze3A_974 : i32 to vector<16xi32>
    %add3A_989 = arith.addi %add3A_988, %add3A_987 : vector<16xi32>
    %sub3A_990 = arith.constant 1056 : i32
    %sub3A_991 = vector.broadcast %sub3A_990 : i32 to vector<16xi32>
    %sub3A_992 = arith.subi %add3A_989, %sub3A_991 : vector<16xi32>
    %sub3A_993 = arith.constant 16 : i32
    %sub3A_994 = vector.broadcast %sub3A_993 : i32 to vector<16xi32>
    %sub3A_995 = arith.subi %sub3A_992, %sub3A_994 : vector<16xi32>
    %and3A_996 = arith.constant 511 : i32
    %and3A_997 = vector.broadcast %and3A_996 : i32 to vector<16xi32>
    %and3A_998 = arith.andi %sub3A_995, %and3A_997 : vector<16xi32>
    %mul3A_999 = arith.constant 0 : i32
    %mul3A_1000 = vector.broadcast %mul3A_999 : i32 to vector<16xi32>
    %mul3A_1001 = arith.muli %iota3A, %mul3A_1000 : vector<16xi32>
    %gather3A_1002 = tpu.vector_load_idx %arg15[%mul3A_1001, %and3A_998] : memref<1x512xf32, #tpu.memory_space<vmem>>[vector<16xi32>, vector<16xi32>], vector<16xf32>,
    %mul3A_1003 = arith.mulf %gather3A_1002, %get3A_984 : vector<16xf32>
    %add3A_1004 = arith.addf %scan3A_981, %mul3A_1003 : vector<16xf32>
    %get3A_1005 = arith.constant 1072 : index
    %get3A_1006 = tpu.vector_load %arg16[%get3A_1005] {strides = array<i32>} : memref<1089xf32, #tpu.memory_space<vmem>>, vector<16xf32>,
    %add3A_1007 = arith.constant 1072 : i32
    %add3A_1008 = vector.broadcast %add3A_1007 : i32 to vector<16xi32>
    %add3A_1009 = arith.addi %iota3A, %add3A_1008 : vector<16xi32>
    %add3A_1010 = vector.broadcast %squeeze3A_974 : i32 to vector<16xi32>
    %add3A_1011 = arith.addi %add3A_1010, %add3A_1009 : vector<16xi32>
    %sub3A_1012 = arith.constant 1056 : i32
    %sub3A_1013 = vector.broadcast %sub3A_1012 : i32 to vector<16xi32>
    %sub3A_1014 = arith.subi %add3A_1011, %sub3A_1013 : vector<16xi32>
    %sub3A_1015 = arith.constant 16 : i32
    %sub3A_1016 = vector.broadcast %sub3A_1015 : i32 to vector<16xi32>
    %sub3A_1017 = arith.subi %sub3A_1014, %sub3A_1016 : vector<16xi32>
    %and3A_1018 = arith.constant 511 : i32
    %and3A_1019 = vector.broadcast %and3A_1018 : i32 to vector<16xi32>
    %and3A_1020 = arith.andi %sub3A_1017, %and3A_1019 : vector<16xi32>
    %mul3A_1021 = arith.constant 0 : i32
    %mul3A_1022 = vector.broadcast %mul3A_1021 : i32 to vector<16xi32>
    %mul3A_1023 = arith.muli %iota3A, %mul3A_1022 : vector<16xi32>
    %gather3A_1024 = tpu.vector_load_idx %arg15[%mul3A_1023, %and3A_1020] : memref<1x512xf32, #tpu.memory_space<vmem>>[vector<16xi32>, vector<16xi32>], vector<16xf32>,
    %mul3A_1025 = arith.mulf %gather3A_1024, %get3A_1006 : vector<16xf32>
    %add3A_1026 = arith.addf %add3A_1004, %mul3A_1025 : vector<16xf32>
    %get3A_1027 = arith.constant 1073 : index
    %get3A_1028 = tpu.vector_load %arg16[%get3A_1027] {strides = array<i32>} : memref<1089xf32, #tpu.memory_space<vmem>>, vector<16xf32>,
    %eq3A_1029 = arith.constant 15 : i32
    %eq3A_1030 = vector.broadcast %eq3A_1029 : i32 to vector<16xi32>
    %eq3A_1031 = arith.cmpi eq, %iota3A, %eq3A_1030 : vector<16xi32>
    %convert_element_type3A_1032 = arith.extui %eq3A_1031 : vector<16xi1> to vector<16xi32>
    %convert_element_type3A_1033 = arith.sitofp %convert_element_type3A_1032 : vector<16xi32> to vector<16xf32>
    %mul3A_1034 = arith.mulf %get3A_1028, %convert_element_type3A_1033 : vector<16xf32>
    %add3A_1035 = arith.constant 1073 : i32
    %add3A_1036 = vector.broadcast %add3A_1035 : i32 to vector<16xi32>
    %add3A_1037 = arith.addi %iota3A, %add3A_1036 : vector<16xi32>
    %add3A_1038 = vector.broadcast %squeeze3A_974 : i32 to vector<16xi32>
    %add3A_1039 = arith.addi %add3A_1038, %add3A_1037 : vector<16xi32>
    %sub3A_1040 = arith.constant 1056 : i32
    %sub3A_1041 = vector.broadcast %sub3A_1040 : i32 to vector<16xi32>
    %sub3A_1042 = arith.subi %add3A_1039, %sub3A_1041 : vector<16xi32>
    %sub3A_1043 = arith.constant 16 : i32
    %sub3A_1044 = vector.broadcast %sub3A_1043 : i32 to vector<16xi32>
    %sub3A_1045 = arith.subi %sub3A_1042, %sub3A_1044 : vector<16xi32>
    %and3A_1046 = arith.constant 511 : i32
    %and3A_1047 = vector.broadcast %and3A_1046 : i32 to vector<16xi32>
    %and3A_1048 = arith.andi %sub3A_1045, %and3A_1047 : vector<16xi32>
    %mul3A_1049 = arith.constant 0 : i32
    %mul3A_1050 = vector.broadcast %mul3A_1049 : i32 to vector<16xi32>
    %mul3A_1051 = arith.muli %iota3A, %mul3A_1050 : vector<16xi32>
    %gather3A_1052 = tpu.vector_load_idx %arg15[%mul3A_1051, %and3A_1048] : memref<1x512xf32, #tpu.memory_space<vmem>>[vector<16xi32>, vector<16xi32>], vector<16xf32>,
    %mul3A_1053 = arith.mulf %gather3A_1052, %mul3A_1034 : vector<16xf32>
    %add3A_1054 = arith.addf %add3A_1026, %mul3A_1053 : vector<16xf32>
    %reduce_sum3A_1055 = arith.constant true
    %reduce_sum3A_1056 = vector.broadcast %reduce_sum3A_1055 : i1 to vector<16xi1>
    %reduce_sum3A_1057 = tpu.scan <sum>, %add3A_1054 masked %reduce_sum3A_1056 : vector<16xf32>, vector<16xi1> -> vector<16xf32>
    %reduce_sum3A_1058 = vector.extract %reduce_sum3A_1057[15] : f32 from vector<16xf32>
    %eq3A_1059 = arith.constant 5 : i32
    %eq3A_1060 = vector.broadcast %eq3A_1059 : i32 to vector<16xi32>
    %eq3A_1061 = arith.cmpi eq, %iota3A, %eq3A_1060 : vector<16xi32>
    %broadcast_in_dim3A_1062 = vector.broadcast %reduce_sum3A_1058 : f32 to vector<16xf32>
    %select_n3A_1063 = arith.select %eq3A_1061, %broadcast_in_dim3A_1062, %select_n3A_904 : vector<16xi1>, vector<16xf32>
    %dma_wait3A_1064 = arith.constant 0 : i32
    %dma_wait3A_1065 = tpu.memref_slice %arg7[%dma_wait3A_1064] : memref<33xi32, #tpu.memory_space<vmem>> -> memref<32xi32, #tpu.memory_space<vmem>>
    %dma_wait3A_1066 = arith.constant 0 : i32
    %dma_wait3A_1067 = arith.constant 0 : i32
    %dma_wait3A_1068 = tpu.memref_slice %arg2[%dma_wait3A_1066, %dma_wait3A_1067] : memref<131072x512xf32, #tpu.memory_space<hbm>> -> memref<131072x512xf32, #tpu.memory_space<hbm>>
    tpu.wait_indirect_dma semaphore(%arg18 : memref<!tpu.dma_semaphore, #tpu.memory_space<semaphore_mem>>) src(%dma_wait3A_1068 : memref<131072x512xf32, #tpu.memory_space<hbm>>) dst(%arg10 : memref<32x512xf32, #tpu.memory_space<vmem>>)
    %dma_wait3A_1069 = arith.constant 32 : i32
    %dma_wait3A_1070 = tpu.memref_slice %arg7[%dma_wait3A_1069] : memref<33xi32, #tpu.memory_space<vmem>> -> memref<1xi32, #tpu.memory_space<vmem>>
    %dma_wait3A_1071 = arith.constant 0 : i32
    %dma_wait3A_1072 = arith.constant 0 : i32
    %dma_wait3A_1073 = tpu.memref_slice %arg2[%dma_wait3A_1071, %dma_wait3A_1072] : memref<131072x512xf32, #tpu.memory_space<hbm>> -> memref<131072x512xf32, #tpu.memory_space<hbm>>
    tpu.wait_indirect_dma semaphore(%arg18 : memref<!tpu.dma_semaphore, #tpu.memory_space<semaphore_mem>>) src(%dma_wait3A_1073 : memref<131072x512xf32, #tpu.memory_space<hbm>>) dst(%arg13 : memref<1x512xf32, #tpu.memory_space<vmem>>)
    %slice3A_1074 = vector.extract_strided_slice %get3A_5 {offsets = [12], sizes = [1], strides = [1]} : vector<16xi32> to vector<1xi32>
    %squeeze3A_1075 = vector.extract %slice3A_1074[0] : i32 from vector<1xi32>
    %broadcast_in_dim3A_1076 = arith.constant 0.000000e+00 : f32
    %broadcast_in_dim3A_1077 = vector.broadcast %broadcast_in_dim3A_1076 : f32 to vector<16xf32>
    %scan3A_1078 = arith.constant 0 : i32
    %scan3A_1079 = arith.constant 66 : i32
    %scan3A_1080 = arith.addi %scan3A_1078, %scan3A_1079 : i32
    %scan3A_1081 = arith.constant 1 : i32
    %scan3A_1082 = scf.for %scan3A_1268 = %scan3A_1078 to %scan3A_1080 step %scan3A_1081 iter_args(%scan3A_1269 = %broadcast_in_dim3A_1077) -> (vector<16xf32>)  : i32 {
      %mul3A_1270 = arith.constant 1 : i32
      %mul3A_1271 = arith.muli %scan3A_1268, %mul3A_1270 : i32
      %add3A_1272 = arith.constant 0 : i32
      %add3A_1273 = arith.addi %add3A_1272, %mul3A_1271 : i32
      %mul3A_1274 = arith.constant 16 : i32
      %mul3A_1275 = arith.muli %add3A_1273, %mul3A_1274 : i32
      %add3A_1276 = vector.broadcast %mul3A_1275 : i32 to vector<16xi32>
      %add3A_1277 = arith.addi %iota3A, %add3A_1276 : vector<16xi32>
      %mul3A_1278 = arith.constant 16 : i32
      %mul3A_1279 = arith.muli %add3A_1273, %mul3A_1278 : i32
      %get3A_1280 = arith.index_cast %mul3A_1279 : i32 to index
      %get3A_1281 = tpu.vector_load %arg16[%get3A_1280] {strides = array<i32>} : memref<1089xf32, #tpu.memory_space<vmem>>, vector<16xf32>,
      %mul3A_1282 = arith.constant 1986 : i32
      %mul3A_1283 = vector.broadcast %mul3A_1282 : i32 to vector<16xi32>
      %mul3A_1284 = arith.muli %add3A_1277, %mul3A_1283 : vector<16xi32>
      %shift_right_arithmetic3A = arith.constant 16 : i32
      %shift_right_arithmetic3A_1285 = vector.broadcast %shift_right_arithmetic3A : i32 to vector<16xi32>
      %shift_right_arithmetic3A_1286 = arith.shrsi %mul3A_1284, %shift_right_arithmetic3A_1285 : vector<16xi32>
      %add3A_1287 = vector.broadcast %squeeze3A_1075 : i32 to vector<16xi32>
      %add3A_1288 = arith.addi %add3A_1287, %add3A_1277 : vector<16xi32>
      %mul3A_1289 = arith.constant 33 : i32
      %mul3A_1290 = vector.broadcast %mul3A_1289 : i32 to vector<16xi32>
      %mul3A_1291 = arith.muli %shift_right_arithmetic3A_1286, %mul3A_1290 : vector<16xi32>
      %sub3A_1292 = arith.subi %add3A_1288, %mul3A_1291 : vector<16xi32>
      %sub3A_1293 = arith.constant 16 : i32
      %sub3A_1294 = vector.broadcast %sub3A_1293 : i32 to vector<16xi32>
      %sub3A_1295 = arith.subi %sub3A_1292, %sub3A_1294 : vector<16xi32>
      %and3A_1296 = arith.constant 511 : i32
      %and3A_1297 = vector.broadcast %and3A_1296 : i32 to vector<16xi32>
      %and3A_1298 = arith.andi %sub3A_1295, %and3A_1297 : vector<16xi32>
      %gather3A_1299 = tpu.vector_load_idx %arg10[%shift_right_arithmetic3A_1286, %and3A_1298] : memref<32x512xf32, #tpu.memory_space<vmem>>[vector<16xi32>, vector<16xi32>], vector<16xf32>,
      %mul3A_1300 = arith.mulf %gather3A_1299, %get3A_1281 : vector<16xf32>
      %add3A_1301 = arith.addf %scan3A_1269, %mul3A_1300 : vector<16xf32>
      scf.yield %add3A_1301 : vector<16xf32>
    }
    %scan3A_1083 = arith.constant 66 : i32
    %get3A_1084 = arith.constant 1056 : index
    %get3A_1085 = tpu.vector_load %arg16[%get3A_1084] {strides = array<i32>} : memref<1089xf32, #tpu.memory_space<vmem>>, vector<16xf32>,
    %add3A_1086 = arith.constant 1056 : i32
    %add3A_1087 = vector.broadcast %add3A_1086 : i32 to vector<16xi32>
    %add3A_1088 = arith.addi %iota3A, %add3A_1087 : vector<16xi32>
    %add3A_1089 = vector.broadcast %squeeze3A_1075 : i32 to vector<16xi32>
    %add3A_1090 = arith.addi %add3A_1089, %add3A_1088 : vector<16xi32>
    %sub3A_1091 = arith.constant 1056 : i32
    %sub3A_1092 = vector.broadcast %sub3A_1091 : i32 to vector<16xi32>
    %sub3A_1093 = arith.subi %add3A_1090, %sub3A_1092 : vector<16xi32>
    %sub3A_1094 = arith.constant 16 : i32
    %sub3A_1095 = vector.broadcast %sub3A_1094 : i32 to vector<16xi32>
    %sub3A_1096 = arith.subi %sub3A_1093, %sub3A_1095 : vector<16xi32>
    %and3A_1097 = arith.constant 511 : i32
    %and3A_1098 = vector.broadcast %and3A_1097 : i32 to vector<16xi32>
    %and3A_1099 = arith.andi %sub3A_1096, %and3A_1098 : vector<16xi32>
    %mul3A_1100 = arith.constant 0 : i32
    %mul3A_1101 = vector.broadcast %mul3A_1100 : i32 to vector<16xi32>
    %mul3A_1102 = arith.muli %iota3A, %mul3A_1101 : vector<16xi32>
    %gather3A_1103 = tpu.vector_load_idx %arg13[%mul3A_1102, %and3A_1099] : memref<1x512xf32, #tpu.memory_space<vmem>>[vector<16xi32>, vector<16xi32>], vector<16xf32>,
    %mul3A_1104 = arith.mulf %gather3A_1103, %get3A_1085 : vector<16xf32>
    %add3A_1105 = arith.addf %scan3A_1082, %mul3A_1104 : vector<16xf32>
    %get3A_1106 = arith.constant 1072 : index
    %get3A_1107 = tpu.vector_load %arg16[%get3A_1106] {strides = array<i32>} : memref<1089xf32, #tpu.memory_space<vmem>>, vector<16xf32>,
    %add3A_1108 = arith.constant 1072 : i32
    %add3A_1109 = vector.broadcast %add3A_1108 : i32 to vector<16xi32>
    %add3A_1110 = arith.addi %iota3A, %add3A_1109 : vector<16xi32>
    %add3A_1111 = vector.broadcast %squeeze3A_1075 : i32 to vector<16xi32>
    %add3A_1112 = arith.addi %add3A_1111, %add3A_1110 : vector<16xi32>
    %sub3A_1113 = arith.constant 1056 : i32
    %sub3A_1114 = vector.broadcast %sub3A_1113 : i32 to vector<16xi32>
    %sub3A_1115 = arith.subi %add3A_1112, %sub3A_1114 : vector<16xi32>
    %sub3A_1116 = arith.constant 16 : i32
    %sub3A_1117 = vector.broadcast %sub3A_1116 : i32 to vector<16xi32>
    %sub3A_1118 = arith.subi %sub3A_1115, %sub3A_1117 : vector<16xi32>
    %and3A_1119 = arith.constant 511 : i32
    %and3A_1120 = vector.broadcast %and3A_1119 : i32 to vector<16xi32>
    %and3A_1121 = arith.andi %sub3A_1118, %and3A_1120 : vector<16xi32>
    %mul3A_1122 = arith.constant 0 : i32
    %mul3A_1123 = vector.broadcast %mul3A_1122 : i32 to vector<16xi32>
    %mul3A_1124 = arith.muli %iota3A, %mul3A_1123 : vector<16xi32>
    %gather3A_1125 = tpu.vector_load_idx %arg13[%mul3A_1124, %and3A_1121] : memref<1x512xf32, #tpu.memory_space<vmem>>[vector<16xi32>, vector<16xi32>], vector<16xf32>,
    %mul3A_1126 = arith.mulf %gather3A_1125, %get3A_1107 : vector<16xf32>
    %add3A_1127 = arith.addf %add3A_1105, %mul3A_1126 : vector<16xf32>
    %get3A_1128 = arith.constant 1073 : index
    %get3A_1129 = tpu.vector_load %arg16[%get3A_1128] {strides = array<i32>} : memref<1089xf32, #tpu.memory_space<vmem>>, vector<16xf32>,
    %eq3A_1130 = arith.constant 15 : i32
    %eq3A_1131 = vector.broadcast %eq3A_1130 : i32 to vector<16xi32>
    %eq3A_1132 = arith.cmpi eq, %iota3A, %eq3A_1131 : vector<16xi32>
    %convert_element_type3A_1133 = arith.extui %eq3A_1132 : vector<16xi1> to vector<16xi32>
    %convert_element_type3A_1134 = arith.sitofp %convert_element_type3A_1133 : vector<16xi32> to vector<16xf32>
    %mul3A_1135 = arith.mulf %get3A_1129, %convert_element_type3A_1134 : vector<16xf32>
    %add3A_1136 = arith.constant 1073 : i32
    %add3A_1137 = vector.broadcast %add3A_1136 : i32 to vector<16xi32>
    %add3A_1138 = arith.addi %iota3A, %add3A_1137 : vector<16xi32>
    %add3A_1139 = vector.broadcast %squeeze3A_1075 : i32 to vector<16xi32>
    %add3A_1140 = arith.addi %add3A_1139, %add3A_1138 : vector<16xi32>
    %sub3A_1141 = arith.constant 1056 : i32
    %sub3A_1142 = vector.broadcast %sub3A_1141 : i32 to vector<16xi32>
    %sub3A_1143 = arith.subi %add3A_1140, %sub3A_1142 : vector<16xi32>
    %sub3A_1144 = arith.constant 16 : i32
    %sub3A_1145 = vector.broadcast %sub3A_1144 : i32 to vector<16xi32>
    %sub3A_1146 = arith.subi %sub3A_1143, %sub3A_1145 : vector<16xi32>
    %and3A_1147 = arith.constant 511 : i32
    %and3A_1148 = vector.broadcast %and3A_1147 : i32 to vector<16xi32>
    %and3A_1149 = arith.andi %sub3A_1146, %and3A_1148 : vector<16xi32>
    %mul3A_1150 = arith.constant 0 : i32
    %mul3A_1151 = vector.broadcast %mul3A_1150 : i32 to vector<16xi32>
    %mul3A_1152 = arith.muli %iota3A, %mul3A_1151 : vector<16xi32>
    %gather3A_1153 = tpu.vector_load_idx %arg13[%mul3A_1152, %and3A_1149] : memref<1x512xf32, #tpu.memory_space<vmem>>[vector<16xi32>, vector<16xi32>], vector<16xf32>,
    %mul3A_1154 = arith.mulf %gather3A_1153, %mul3A_1135 : vector<16xf32>
    %add3A_1155 = arith.addf %add3A_1127, %mul3A_1154 : vector<16xf32>
    %reduce_sum3A_1156 = arith.constant true
    %reduce_sum3A_1157 = vector.broadcast %reduce_sum3A_1156 : i1 to vector<16xi1>
    %reduce_sum3A_1158 = tpu.scan <sum>, %add3A_1155 masked %reduce_sum3A_1157 : vector<16xf32>, vector<16xi1> -> vector<16xf32>
    %reduce_sum3A_1159 = vector.extract %reduce_sum3A_1158[15] : f32 from vector<16xf32>
    %eq3A_1160 = arith.constant 6 : i32
    %eq3A_1161 = vector.broadcast %eq3A_1160 : i32 to vector<16xi32>
    %eq3A_1162 = arith.cmpi eq, %iota3A, %eq3A_1161 : vector<16xi32>
    %broadcast_in_dim3A_1163 = vector.broadcast %reduce_sum3A_1159 : f32 to vector<16xf32>
    %select_n3A_1164 = arith.select %eq3A_1162, %broadcast_in_dim3A_1163, %select_n3A_1063 : vector<16xi1>, vector<16xf32>
    %dma_wait3A_1165 = arith.constant 0 : i32
    %dma_wait3A_1166 = tpu.memref_slice %arg8[%dma_wait3A_1165] : memref<33xi32, #tpu.memory_space<vmem>> -> memref<32xi32, #tpu.memory_space<vmem>>
    %dma_wait3A_1167 = arith.constant 0 : i32
    %dma_wait3A_1168 = arith.constant 0 : i32
    %dma_wait3A_1169 = tpu.memref_slice %arg2[%dma_wait3A_1167, %dma_wait3A_1168] : memref<131072x512xf32, #tpu.memory_space<hbm>> -> memref<131072x512xf32, #tpu.memory_space<hbm>>
    tpu.wait_indirect_dma semaphore(%arg19 : memref<!tpu.dma_semaphore, #tpu.memory_space<semaphore_mem>>) src(%dma_wait3A_1169 : memref<131072x512xf32, #tpu.memory_space<hbm>>) dst(%arg11 : memref<32x512xf32, #tpu.memory_space<vmem>>)
    %dma_wait3A_1170 = arith.constant 32 : i32
    %dma_wait3A_1171 = tpu.memref_slice %arg8[%dma_wait3A_1170] : memref<33xi32, #tpu.memory_space<vmem>> -> memref<1xi32, #tpu.memory_space<vmem>>
    %dma_wait3A_1172 = arith.constant 0 : i32
    %dma_wait3A_1173 = arith.constant 0 : i32
    %dma_wait3A_1174 = tpu.memref_slice %arg2[%dma_wait3A_1172, %dma_wait3A_1173] : memref<131072x512xf32, #tpu.memory_space<hbm>> -> memref<131072x512xf32, #tpu.memory_space<hbm>>
    tpu.wait_indirect_dma semaphore(%arg19 : memref<!tpu.dma_semaphore, #tpu.memory_space<semaphore_mem>>) src(%dma_wait3A_1174 : memref<131072x512xf32, #tpu.memory_space<hbm>>) dst(%arg14 : memref<1x512xf32, #tpu.memory_space<vmem>>)
    %slice3A_1175 = vector.extract_strided_slice %get3A_5 {offsets = [14], sizes = [1], strides = [1]} : vector<16xi32> to vector<1xi32>
    %squeeze3A_1176 = vector.extract %slice3A_1175[0] : i32 from vector<1xi32>
    %broadcast_in_dim3A_1177 = arith.constant 0.000000e+00 : f32
    %broadcast_in_dim3A_1178 = vector.broadcast %broadcast_in_dim3A_1177 : f32 to vector<16xf32>
    %scan3A_1179 = arith.constant 0 : i32
    %scan3A_1180 = arith.constant 66 : i32
    %scan3A_1181 = arith.addi %scan3A_1179, %scan3A_1180 : i32
    %scan3A_1182 = arith.constant 1 : i32
    %scan3A_1183 = scf.for %scan3A_1268 = %scan3A_1179 to %scan3A_1181 step %scan3A_1182 iter_args(%scan3A_1269 = %broadcast_in_dim3A_1178) -> (vector<16xf32>)  : i32 {
      %mul3A_1270 = arith.constant 1 : i32
      %mul3A_1271 = arith.muli %scan3A_1268, %mul3A_1270 : i32
      %add3A_1272 = arith.constant 0 : i32
      %add3A_1273 = arith.addi %add3A_1272, %mul3A_1271 : i32
      %mul3A_1274 = arith.constant 16 : i32
      %mul3A_1275 = arith.muli %add3A_1273, %mul3A_1274 : i32
      %add3A_1276 = vector.broadcast %mul3A_1275 : i32 to vector<16xi32>
      %add3A_1277 = arith.addi %iota3A, %add3A_1276 : vector<16xi32>
      %mul3A_1278 = arith.constant 16 : i32
      %mul3A_1279 = arith.muli %add3A_1273, %mul3A_1278 : i32
      %get3A_1280 = arith.index_cast %mul3A_1279 : i32 to index
      %get3A_1281 = tpu.vector_load %arg16[%get3A_1280] {strides = array<i32>} : memref<1089xf32, #tpu.memory_space<vmem>>, vector<16xf32>,
      %mul3A_1282 = arith.constant 1986 : i32
      %mul3A_1283 = vector.broadcast %mul3A_1282 : i32 to vector<16xi32>
      %mul3A_1284 = arith.muli %add3A_1277, %mul3A_1283 : vector<16xi32>
      %shift_right_arithmetic3A = arith.constant 16 : i32
      %shift_right_arithmetic3A_1285 = vector.broadcast %shift_right_arithmetic3A : i32 to vector<16xi32>
      %shift_right_arithmetic3A_1286 = arith.shrsi %mul3A_1284, %shift_right_arithmetic3A_1285 : vector<16xi32>
      %add3A_1287 = vector.broadcast %squeeze3A_1176 : i32 to vector<16xi32>
      %add3A_1288 = arith.addi %add3A_1287, %add3A_1277 : vector<16xi32>
      %mul3A_1289 = arith.constant 33 : i32
      %mul3A_1290 = vector.broadcast %mul3A_1289 : i32 to vector<16xi32>
      %mul3A_1291 = arith.muli %shift_right_arithmetic3A_1286, %mul3A_1290 : vector<16xi32>
      %sub3A_1292 = arith.subi %add3A_1288, %mul3A_1291 : vector<16xi32>
      %sub3A_1293 = arith.constant 16 : i32
      %sub3A_1294 = vector.broadcast %sub3A_1293 : i32 to vector<16xi32>
      %sub3A_1295 = arith.subi %sub3A_1292, %sub3A_1294 : vector<16xi32>
      %and3A_1296 = arith.constant 511 : i32
      %and3A_1297 = vector.broadcast %and3A_1296 : i32 to vector<16xi32>
      %and3A_1298 = arith.andi %sub3A_1295, %and3A_1297 : vector<16xi32>
      %gather3A_1299 = tpu.vector_load_idx %arg11[%shift_right_arithmetic3A_1286, %and3A_1298] : memref<32x512xf32, #tpu.memory_space<vmem>>[vector<16xi32>, vector<16xi32>], vector<16xf32>,
      %mul3A_1300 = arith.mulf %gather3A_1299, %get3A_1281 : vector<16xf32>
      %add3A_1301 = arith.addf %scan3A_1269, %mul3A_1300 : vector<16xf32>
      scf.yield %add3A_1301 : vector<16xf32>
    }
    %scan3A_1184 = arith.constant 66 : i32
    %get3A_1185 = arith.constant 1056 : index
    %get3A_1186 = tpu.vector_load %arg16[%get3A_1185] {strides = array<i32>} : memref<1089xf32, #tpu.memory_space<vmem>>, vector<16xf32>,
    %add3A_1187 = arith.constant 1056 : i32
    %add3A_1188 = vector.broadcast %add3A_1187 : i32 to vector<16xi32>
    %add3A_1189 = arith.addi %iota3A, %add3A_1188 : vector<16xi32>
    %add3A_1190 = vector.broadcast %squeeze3A_1176 : i32 to vector<16xi32>
    %add3A_1191 = arith.addi %add3A_1190, %add3A_1189 : vector<16xi32>
    %sub3A_1192 = arith.constant 1056 : i32
    %sub3A_1193 = vector.broadcast %sub3A_1192 : i32 to vector<16xi32>
    %sub3A_1194 = arith.subi %add3A_1191, %sub3A_1193 : vector<16xi32>
    %sub3A_1195 = arith.constant 16 : i32
    %sub3A_1196 = vector.broadcast %sub3A_1195 : i32 to vector<16xi32>
    %sub3A_1197 = arith.subi %sub3A_1194, %sub3A_1196 : vector<16xi32>
    %and3A_1198 = arith.constant 511 : i32
    %and3A_1199 = vector.broadcast %and3A_1198 : i32 to vector<16xi32>
    %and3A_1200 = arith.andi %sub3A_1197, %and3A_1199 : vector<16xi32>
    %mul3A_1201 = arith.constant 0 : i32
    %mul3A_1202 = vector.broadcast %mul3A_1201 : i32 to vector<16xi32>
    %mul3A_1203 = arith.muli %iota3A, %mul3A_1202 : vector<16xi32>
    %gather3A_1204 = tpu.vector_load_idx %arg14[%mul3A_1203, %and3A_1200] : memref<1x512xf32, #tpu.memory_space<vmem>>[vector<16xi32>, vector<16xi32>], vector<16xf32>,
    %mul3A_1205 = arith.mulf %gather3A_1204, %get3A_1186 : vector<16xf32>
    %add3A_1206 = arith.addf %scan3A_1183, %mul3A_1205 : vector<16xf32>
    %get3A_1207 = arith.constant 1072 : index
    %get3A_1208 = tpu.vector_load %arg16[%get3A_1207] {strides = array<i32>} : memref<1089xf32, #tpu.memory_space<vmem>>, vector<16xf32>,
    %add3A_1209 = arith.constant 1072 : i32
    %add3A_1210 = vector.broadcast %add3A_1209 : i32 to vector<16xi32>
    %add3A_1211 = arith.addi %iota3A, %add3A_1210 : vector<16xi32>
    %add3A_1212 = vector.broadcast %squeeze3A_1176 : i32 to vector<16xi32>
    %add3A_1213 = arith.addi %add3A_1212, %add3A_1211 : vector<16xi32>
    %sub3A_1214 = arith.constant 1056 : i32
    %sub3A_1215 = vector.broadcast %sub3A_1214 : i32 to vector<16xi32>
    %sub3A_1216 = arith.subi %add3A_1213, %sub3A_1215 : vector<16xi32>
    %sub3A_1217 = arith.constant 16 : i32
    %sub3A_1218 = vector.broadcast %sub3A_1217 : i32 to vector<16xi32>
    %sub3A_1219 = arith.subi %sub3A_1216, %sub3A_1218 : vector<16xi32>
    %and3A_1220 = arith.constant 511 : i32
    %and3A_1221 = vector.broadcast %and3A_1220 : i32 to vector<16xi32>
    %and3A_1222 = arith.andi %sub3A_1219, %and3A_1221 : vector<16xi32>
    %mul3A_1223 = arith.constant 0 : i32
    %mul3A_1224 = vector.broadcast %mul3A_1223 : i32 to vector<16xi32>
    %mul3A_1225 = arith.muli %iota3A, %mul3A_1224 : vector<16xi32>
    %gather3A_1226 = tpu.vector_load_idx %arg14[%mul3A_1225, %and3A_1222] : memref<1x512xf32, #tpu.memory_space<vmem>>[vector<16xi32>, vector<16xi32>], vector<16xf32>,
    %mul3A_1227 = arith.mulf %gather3A_1226, %get3A_1208 : vector<16xf32>
    %add3A_1228 = arith.addf %add3A_1206, %mul3A_1227 : vector<16xf32>
    %get3A_1229 = arith.constant 1073 : index
    %get3A_1230 = tpu.vector_load %arg16[%get3A_1229] {strides = array<i32>} : memref<1089xf32, #tpu.memory_space<vmem>>, vector<16xf32>,
    %eq3A_1231 = arith.constant 15 : i32
    %eq3A_1232 = vector.broadcast %eq3A_1231 : i32 to vector<16xi32>
    %eq3A_1233 = arith.cmpi eq, %iota3A, %eq3A_1232 : vector<16xi32>
    %convert_element_type3A_1234 = arith.extui %eq3A_1233 : vector<16xi1> to vector<16xi32>
    %convert_element_type3A_1235 = arith.sitofp %convert_element_type3A_1234 : vector<16xi32> to vector<16xf32>
    %mul3A_1236 = arith.mulf %get3A_1230, %convert_element_type3A_1235 : vector<16xf32>
    %add3A_1237 = arith.constant 1073 : i32
    %add3A_1238 = vector.broadcast %add3A_1237 : i32 to vector<16xi32>
    %add3A_1239 = arith.addi %iota3A, %add3A_1238 : vector<16xi32>
    %add3A_1240 = vector.broadcast %squeeze3A_1176 : i32 to vector<16xi32>
    %add3A_1241 = arith.addi %add3A_1240, %add3A_1239 : vector<16xi32>
    %sub3A_1242 = arith.constant 1056 : i32
    %sub3A_1243 = vector.broadcast %sub3A_1242 : i32 to vector<16xi32>
    %sub3A_1244 = arith.subi %add3A_1241, %sub3A_1243 : vector<16xi32>
    %sub3A_1245 = arith.constant 16 : i32
    %sub3A_1246 = vector.broadcast %sub3A_1245 : i32 to vector<16xi32>
    %sub3A_1247 = arith.subi %sub3A_1244, %sub3A_1246 : vector<16xi32>
    %and3A_1248 = arith.constant 511 : i32
    %and3A_1249 = vector.broadcast %and3A_1248 : i32 to vector<16xi32>
    %and3A_1250 = arith.andi %sub3A_1247, %and3A_1249 : vector<16xi32>
    %mul3A_1251 = arith.constant 0 : i32
    %mul3A_1252 = vector.broadcast %mul3A_1251 : i32 to vector<16xi32>
    %mul3A_1253 = arith.muli %iota3A, %mul3A_1252 : vector<16xi32>
    %gather3A_1254 = tpu.vector_load_idx %arg14[%mul3A_1253, %and3A_1250] : memref<1x512xf32, #tpu.memory_space<vmem>>[vector<16xi32>, vector<16xi32>], vector<16xf32>,
    %mul3A_1255 = arith.mulf %gather3A_1254, %mul3A_1236 : vector<16xf32>
    %add3A_1256 = arith.addf %add3A_1228, %mul3A_1255 : vector<16xf32>
    %reduce_sum3A_1257 = arith.constant true
    %reduce_sum3A_1258 = vector.broadcast %reduce_sum3A_1257 : i1 to vector<16xi1>
    %reduce_sum3A_1259 = tpu.scan <sum>, %add3A_1256 masked %reduce_sum3A_1258 : vector<16xf32>, vector<16xi1> -> vector<16xf32>
    %reduce_sum3A_1260 = vector.extract %reduce_sum3A_1259[15] : f32 from vector<16xf32>
    %eq3A_1261 = arith.constant 7 : i32
    %eq3A_1262 = vector.broadcast %eq3A_1261 : i32 to vector<16xi32>
    %eq3A_1263 = arith.cmpi eq, %iota3A, %eq3A_1262 : vector<16xi32>
    %broadcast_in_dim3A_1264 = vector.broadcast %reduce_sum3A_1260 : f32 to vector<16xf32>
    %select_n3A_1265 = arith.select %eq3A_1263, %broadcast_in_dim3A_1264, %select_n3A_1164 : vector<16xi1>, vector<16xf32>
    %swap3A_1266 = arith.constant 0 : index
    %swap3A_1267 = tpu.vector_load %arg17[%swap3A_1266] {strides = array<i32>} : memref<16xf32, #tpu.memory_space<vmem>>, vector<16xf32>,
    tpu.vector_store %arg17[%swap3A_1266], %select_n3A_1265 {strides = array<i32>} : memref<16xf32, #tpu.memory_space<vmem>>, vector<16xf32>,
    "tpu.region"() ({
      %run_scoped3A = tpu.sem_alloc : memref<!tpu.dma_semaphore, #tpu.memory_space<semaphore_mem>>
      %dma_start3A_1268 = arith.constant 0 : i32
      %dma_start3A_1269 = tpu.memref_slice %arg5[%add3A, %dma_start3A_1268] : memref<32x16xf32, #tpu.memory_space<hbm>> -> memref<1x16xf32, #tpu.memory_space<hbm>>
      %dma_start3A_1270 = tpu.memref_squeeze %dma_start3A_1269 : memref<1x16xf32, #tpu.memory_space<hbm>> -> memref<16xf32, #tpu.memory_space<hbm>>
      %dma_start3A_1271 = arith.constant 0 : i32
      %dma_start3A_1272 = tpu.memref_slice %arg5[%add3A, %dma_start3A_1271] : memref<32x16xf32, #tpu.memory_space<hbm>> -> memref<1x16xf32, #tpu.memory_space<hbm>>
      %dma_start3A_1273 = tpu.memref_squeeze %dma_start3A_1272 : memref<1x16xf32, #tpu.memory_space<hbm>> -> memref<16xf32, #tpu.memory_space<hbm>>
      tpu.enqueue_dma source(%arg17 : memref<16xf32, #tpu.memory_space<vmem>>) target(%dma_start3A_1273 : memref<16xf32, #tpu.memory_space<hbm>>) target_semaphore(%run_scoped3A : memref<!tpu.dma_semaphore, #tpu.memory_space<semaphore_mem>>)
      %dma_wait3A_1274 = arith.constant 0 : i32
      %dma_wait3A_1275 = tpu.memref_slice %arg5[%add3A, %dma_wait3A_1274] : memref<32x16xf32, #tpu.memory_space<hbm>> -> memref<1x16xf32, #tpu.memory_space<hbm>>
      %dma_wait3A_1276 = tpu.memref_squeeze %dma_wait3A_1275 : memref<1x16xf32, #tpu.memory_space<hbm>> -> memref<16xf32, #tpu.memory_space<hbm>>
      %dma_wait3A_1277 = arith.constant 0 : i32
      %dma_wait3A_1278 = tpu.memref_slice %arg5[%add3A, %dma_wait3A_1277] : memref<32x16xf32, #tpu.memory_space<hbm>> -> memref<1x16xf32, #tpu.memory_space<hbm>>
      %dma_wait3A_1279 = tpu.memref_squeeze %dma_wait3A_1278 : memref<1x16xf32, #tpu.memory_space<hbm>> -> memref<16xf32, #tpu.memory_space<hbm>>
      tpu.wait_dma2 semaphore(%run_scoped3A : memref<!tpu.dma_semaphore, #tpu.memory_space<semaphore_mem>>) src(%arg17 : memref<16xf32, #tpu.memory_space<vmem>>) dst(%dma_wait3A_1279 : memref<16xf32, #tpu.memory_space<hbm>>)
      tpu.yield
    }) : () -> ()
    return
  }
}

</mosaic_0001>

<sc_bundles>
// kernel: _run.3.cloned.1.call-start
scs
__scs_entry_jumppad:
0x0: {  	(pc) =	sbr.rel $0x88, $3  }
0x1: {  	(tag) =	ssettag $0x0;
	lr =	simm.s32 $0x1  }
0x2: {  	[smem:$0x3F9E] =	sst lr;
	_ =	strace $0xD0000000  }
0x3: {  	_ = 	snop  }
0x4: {  	_ = 	snop  }
0x5: {  	_ = 	snop  }
0x6: {  	_ = 	snop  }
0x7: {  	_ = 	snop  }
__scs_overlays_trampoline_lowered:
0x8: {  	[smem:$0x3FAD] =	sst s0  }
0x9: {  	[smem:$0x3FAE] =	sst s1  }
0xa: {  	[smem:$0x3FAF] =	sst s2  }
0xb: {  	[smem:$0x3FB0] =	sst s3  }
0xc: {  	[smem:$0x3FB1] =	sst s4  }
0xd: {  	[smem:$0x3FB2] =	sst s5  }
0xe: {  	[smem:$0x3FB3] =	sst s6  }
0xf: {  	[smem:$0x3FB4] =	sst s7  }
0x10: {  	[smem:$0x3FB5] =	sst s8  }
0x11: {  	[smem:$0x3FB6] =	sst s9;
	s0 =	simm.s32 @!p0 $0x0  }
0x12: {  	s1 =	sld [smem:$0x3F9C];
	s0 =	simm.s32 @p0 $0x1  }
0x13: {  	[smem:$0x3FB7] =	sst s0;
	s0 =	simm.s32 @!p1 $0x0  }
0x14: {  	s2 =	sld [smem:$0x3F9B];
	s0 =	simm.s32 @p1 $0x1  }
0x15: {  	[smem:$0x3FB8] =	sst s0;
	s0 =	simm.s32 @!p2 $0x0  }
0x16: {  	s3 =	sld [smem:$0x3FDB];
	s0 =	simm.s32 @p2 $0x1  }
0x17: {  	s4 =	simm.s32 $0x1BF5;
	[smem:$0x3FBA] =	sst s0  }
0x18: {  	s0 =	sld [smem:$0x3F9D];
	_ =	swait.ge [sflag:s4], $0x0  }
0x19: {  	s7 =	sld [smem:$0x3F9E]  }
0x1a: {  	s8 =	sadd.s32 $0xFFFFE003, lr  }
0x1b: {  	s9 =	sadd.s32 $0xFFFFFEF7, lr;
	s5 =	simm.s32 $0xFFFFFFFF;
	p2 =	slt.u32 s8, $0xFFFFF086  }
0x1c: {  	p1 =	slt.u32 s9, $0xF7A;
	s5 =	simm.s32 @!p2 $0x0  }
0x1d: {  	s5 =	simm.s32 @p1 $0x1;
	p0 =	seq.s32 s7, s2  }
0x1e: {  	s7 =	smul.u32 @!p0 $0xF7A, s2;
	p2 =	seq.s32 @!p0 s5, $0x0  }
0x1f: {  	s9 =	smul.u32 $0xF7A, s1;
	s8 =	simm.s32 @!p0 $0x1BF5;
	p2 =	por !p2, p0  }
0x20: {  	[sflag:s8] =	ssyncset.s32 @!p0 $0xFFFFF086;
	s6 =	sadd.s32 @!p0 s3, s7;
	s7 =	simm.s32 @!p0 $0x108  }
0x21: {  	s3 =	sadd.s32 s3, s9;
	s6 =	sadd.s32 @!p0 $0x88, s6;
	s7 =	simm.s32 @p2 $0x1082  }
0x22: {  	[simem:s7], [sflag:s8] =	dma.local @!p0 [hbm:s6], $0xF7A  }
0x23: {  	s9 =	sor.u32 $0xD0000000, s2;
	s6 =	simm.s32 $0x108;
	_ =	swait.ge @!p0 [sflag:s8], $0x0  }
0x24: {  	s3 =	sadd.s32 $0x88, s3;
	s6 =	simm.s32 @!p1 $0x1082;
	[sflag:s4] =	ssyncset.s32 $0xFFFFF086  }
0x25: {  	[simem:s6], [sflag:s4] =	dma.local [hbm:s3], $0xF7A  }
0x26: {  	[smem:$0x3F9E] =	sst s1;
	(tag) =	ssettag s2;
	_ =	strace s9  }
0x27: {  	s1 =	sld [smem:$0x3FAE]  }
0x28: {  	s2 =	sld [smem:$0x3FAF]  }
0x29: {  	s4 =	sld [smem:$0x3FB1]  }
0x2a: {  	p0 =	seq.s32 s5, $0x0;
	s5 =	sld [smem:$0x3FB2]  }
0x2b: {  	s6 =	sld [smem:$0x3FB3]  }
0x2c: {  	s7 =	sld [smem:$0x3FB4]  }
0x2d: {  	s3 =	simm.s32 $0x108;
	s8 =	sld [smem:$0x3FB5]  }
0x2e: {  	s3 =	simm.s32 @!p0 $0x1082;
	s9 =	sld [smem:$0x3FB6]  }
0x2f: {  	lr =	sadd.s32 s0, s3;
	s0 =	sld [smem:$0x3FAD]  }
0x30: {  	s3 =	sld [smem:$0x3FB0]  }
0x31: {  	[smem:$0x3FB9] =	sst s10  }
0x32: {  	s10 =	sld [smem:$0x3FB7];
	_ =	sdelay $0x3  }
0x33: {  	p0 =	seq.s32 s10, $0x1;
	s10 =	sld [smem:$0x3FB9];
	_ =	sdelay $0x3  }
0x34: {  	[smem:$0x3FB9] =	sst s10  }
0x35: {  	s10 =	sld [smem:$0x3FB8];
	_ =	sdelay $0x3  }
0x36: {  	p1 =	seq.s32 s10, $0x1;
	s10 =	sld [smem:$0x3FB9];
	_ =	sdelay $0x3  }
0x37: {  	[smem:$0x3FB9] =	sst s10  }
0x38: {  	s10 =	sld [smem:$0x3FBA]  }
0x39: {  	_ = 	snop;
	(pc) =	sbr.ind lr, $3  }
0x3a: {  	_ = 	snop  }
0x3b: {  	_ = 	snop  }
0x3c: {  	p2 =	seq.s32 s10, $0x1;
	s10 =	sld [smem:$0x3FB9]  }
0x3d: {  	_ =	shalt  }
0x3e: {  	_ =	shalt  }
0x3f: {  	_ =	shalt  }
0x40: {  	_ =	shalt  }
0x41: {  	_ =	shalt  }
0x42: {  	_ =	shalt  }
0x43: {  	_ =	shalt  }
0x44: {  	_ =	shalt  }
0x45: {  	_ =	shalt  }
0x46: {  	_ =	shalt  }
0x47: {  	_ =	shalt  }
0x48: {  	_ =	shalt  }
0x49: {  	_ =	shalt  }
0x4a: {  	_ =	shalt  }
0x4b: {  	_ =	shalt  }
0x4c: {  	_ =	shalt  }
0x4d: {  	_ =	shalt  }
0x4e: {  	_ =	shalt  }
0x4f: {  	_ =	shalt  }
0x50: {  	_ =	shalt  }
0x51: {  	_ =	shalt  }
0x52: {  	_ =	shalt  }
0x53: {  	_ =	shalt  }
0x54: {  	_ =	shalt  }
0x55: {  	_ =	shalt  }
0x56: {  	_ =	shalt  }
0x57: {  	_ =	shalt  }
0x58: {  	_ =	shalt  }
0x59: {  	_ =	shalt  }
0x5a: {  	_ =	shalt  }
0x5b: {  	_ =	shalt  }
0x5c: {  	_ =	shalt  }
0x5d: {  	_ =	shalt  }
0x5e: {  	_ =	shalt  }
0x5f: {  	_ =	shalt  }
0x60: {  	_ =	shalt  }
0x61: {  	_ =	shalt  }
0x62: {  	_ =	shalt  }
0x63: {  	_ =	shalt  }
0x64: {  	_ =	shalt  }
0x65: {  	_ =	shalt  }
0x66: {  	_ =	shalt  }
0x67: {  	_ =	shalt  }
0x68: {  	_ =	shalt  }
0x69: {  	_ =	shalt  }
0x6a: {  	_ =	shalt  }
0x6b: {  	_ =	shalt  }
0x6c: {  	_ =	shalt  }
0x6d: {  	_ =	shalt  }
0x6e: {  	_ =	shalt  }
0x6f: {  	_ =	shalt  }
0x70: {  	_ =	shalt  }
0x71: {  	_ =	shalt  }
0x72: {  	_ =	shalt  }
0x73: {  	_ =	shalt  }
0x74: {  	_ =	shalt  }
0x75: {  	_ =	shalt  }
0x76: {  	_ =	shalt  }
0x77: {  	_ =	shalt  }
0x78: {  	_ =	shalt  }
0x79: {  	_ =	shalt  }
0x7a: {  	_ =	shalt  }
0x7b: {  	_ =	shalt  }
0x7c: {  	_ =	shalt  }
0x7d: {  	_ =	shalt  }
0x7e: {  	_ =	shalt  }
0x7f: {  	_ =	shalt  }
0x80: {  	_ =	shalt  }
0x81: {  	_ =	shalt  }
0x82: {  	_ =	shalt  }
0x83: {  	_ =	shalt  }
0x84: {  	_ =	shalt  }
0x85: {  	_ =	shalt  }
0x86: {  	_ =	shalt  }
0x87: {  	_ =	shalt  }
.Lfunc_end0:
.L_simem_size_0:
called_computation_lowered:
.L_overlay_start_0:
0x88: {  	s2 =	sld [smem:$0x3FD9]  }
0x89: {  	s3 =	sld [smem:$0x3FFE];
	_ =	sdelay $0x1  }
0x8a: {  	s1 =	srdreg.scid  }
0x8b: {  	s0 =	sand.u32 $0x1, s1  }
0x8c: {  	s17 =	sshll.u32 s0, $0xA;
	s2 =	sadd.s32 s3, s2  }
0x8d: {  	s2 =	sadd.s32 s2, s17  }
0x8e: {  	[smem:$0x3FC5] =	sst s2  }
0x8f: {  	_ = 	snop  }
0x90: {  	s2 =	sld [smem:$0x3FC9]  }
0x91: {  	s18 =	sld [smem:$0x3FC8]  }
0x92: {  	s4 =	sld [smem:$0x3FC7];
	(tm) =	ssettm $0x1  }
0x93: {  	s5 =	sld [smem:$0x3FFB];
	_ =	sdelay $0x3  }
0x94: {  	_ =	strace s5  }
0x95: {  	s5 =	sld [smem:$0x3FFC];
	_ =	sdelay $0x3  }
0x96: {  	_ =	strace s5  }
0x97: {  	s5 =	sld [smem:$0x3FFD];
	_ =	sdelay $0x3  }
0x98: {  	_ =	strace s5  }
0x99: {  	_ =	strace $0x8FFFFFFF  }
0x9a: {  	s19 =	sld [smem:$0x3FDB];
	_ =	sdelay $0x1  }
0x9b: {  	s6 =	simm.s32 $_scs_section_size  }
0x9c: {  	s7 =	simm.s32 $_size__tile_overlayer_lowered;
	s8 =	simm.s32 $_tile_overlayer_lowered  }
0x9d: {  	s22 =	simm.s32 $0x1BFF;
	s21 =	sshll.u32 s8, $0x1;
	s5 =	sadd.s32 s6, s19  }
0x9e: {  	s9 =	simm.s32 $0x0;
	s20 =	sshll.u32 s7, $0x1;
	s7 =	sadd.s32 s21, s5  }
0x9f: {  	[timem:s9], [sflag:s22] =	dma.local [hbm:s7], s20  }
0xa0: {  	_ =	swait.ge [sflag:s22], s20  }
0xa1: {  	s6 =	ssub.s32 $0x0, s20;
	[sflag:s22] =	ssyncset.done $0x0  }
0xa2: {  	[sflag:s22] =	ssyncadd.s32 s6;
	_ =	sdelay $0x1  }
0xa3: {  	s23 =	simm.s32 $0x1B8B  }
0xa4: {  	_ =	swait.ge [sflag:s23], $0x1  }
0xa5: {  	[sflag:s23] =	ssyncset.done $0x0  }
0xa6: {  	s25 =	simm.s32 $0x1B8E;
	s24 =	sld [smem:$0x3FFE];
	[sflag:s23] =	ssyncadd.s32 $0xFFFFFFFF  }
0xa7: {  	s26 =	simm.s32 $execute0_lowered;
	[smem:$0x3FD2] =	sst s25  }
0xa8: {  	s7 =	sshll.u32 s26, $0x1;
	_ =	strace $0x80000046;
	[dreg:$0x1] =	wrdreg $0xFFFFFFFF  }
0xa9: {  	s28 =	simm.s32 $_size_execute0_lowered;
	s5 =	sadd.s32 s5, s7;
	[dreg:$0x0] =	wrdreg $0x0  }
0xaa: {  	s7 =	sshll.u32 s28, $0x1;
	[dreg:$0x2] =	wrdreg s5  }
0xab: {  	[dreg:$0x3] =	wrdreg s7  }
0xac: {  	[dreg:$0x4] =	wrdreg $0xC0  }
0xad: {  	_ =	task [dreg:s9], $0x5FFFF  }
0xae: {  	[dreg:$0x1] =	wrdreg $0xFFFFFFFF  }
0xaf: {  	[dreg:$0x0] =	wrdreg $0x60  }
0xb0: {  	[dreg:$0x2] =	wrdreg s2  }
0xb1: {  	[dreg:$0x3] =	wrdreg s18  }
0xb2: {  	[dreg:$0x4] =	wrdreg s4  }
0xb3: {  	[dreg:$0x5] =	wrdreg s24  }
0xb4: {  	[dreg:$0x6] =	wrdreg $0x9  }
0xb5: {  	_ =	task.clear_ibuf [dreg:s9], $0x7FFFF;
	_ =	strace $0x90000046  }
0xb6: {  	s29 =	simm.s32 $0x9;
	_ =	strace $0x80000048  }
0xb7: {  	_ =	swait.ge [sflag:s29], $0x1  }
0xb8: {  	[sflag:s29] =	ssyncadd.s32 $0xFFFFFFFF  }
0xb9: {  	_ =	strace $0x90000048  }
0xba: {  	_ =	sfence  }
0xbb: {  	s30 =	sld [smem:$0x0];
	_ =	sdelay $0x2  }
0xbc: {  	s31 =	sshll.u32 s1, $0xD;
	s1 =	sshrl.u32 s1, $0x2  }
0xbd: {  	s3 =	sand.u32 $0x4000, s31;
	s1 =	sadd.s32 s1, s30  }
0xbe: {  	s0 =	sor.u32 s3, s0;
	s1 =	sshll.u32 s1, $0x11  }
0xbf: {  	s0 =	sor.u32 s1, s0  }
0xc0: {  	s0 =	sadd.s32 $0x8F2B, s0  }
0xc1: {  	[sflag:s0] =	ssyncadd.remote.s32 $0x1  }
0xc2: {  	_ =	sfence.sel $0xFFFF  }
0xc3: {  	[dreg:$0x0] =	wrdreg $0xFFFFFFFF;
	(pc) =	sbr.abs _section_cstart, $3  }
0xc4: {  	[dreg:$0x1] =	wrdreg $0xFFFFFFFF  }
0xc5: {  	_ =	task.clear_ibuf [dreg:s9], $0x2FFFF;
	_ =	strace $0x9FFFFFFF  }
0xc6: {  	(tm) =	ssettm $0x7FFFFFFF  }
0xc7: {  	_ =	shalt  }
tec
execute0_lowered:
.L_overlay_start_1:
0x0: {  	(tag) =	ssettag $0x1  }
0x1: {  	s1 =	rddreg [dreg:$0x0]  }
0x2: {  	s0 =	rddreg [dreg:$0x1]  }
0x3: {  	s2 =	rddreg [dreg:$0x3];
	s4 =	simm.s32 $0x0;
	s3 =	srdreg.scid  }
0x4: {  	s8 =	stileid.u32;
	s9 =	simm.s32 $0x4;
	s10 =	simm.s32 $0x200  }
0x5: {  	s11 =	simm.s32 $0xA00;
	s13 =	simm.s32 $0x1A00;
	s14 =	simm.s32 $0x2200  }
0x6: {  	s17 =	simm.s32 $0x3A00;
	s19 =	simm.s32 $0x4200;
	s28 =	simm.s32 $0xC400  }
0x7: {  	s29 =	simm.s32 $0x8200;
	s30 =	simm.s32 $0x1;
	s31 =	simm.s32 $0x2  }
0x8: {  	[smem:$0x7FF] =	sst s4;
	s3 =	sand.u32 $0x1, s3;
	s5 =	sshll.u32 s8, $0x4  }
0x9: {  	_ =	strace $0x80000047;
	s6 =	ssub.s32 $0x2, s3;
	s3 =	sshll.u32 s3, $0x4  }
0xa: {  	s5 =	sand.u32 $0x70, s5;
	s7 =	sshrl.u32 s6, $0x1;
	s3 =	sor.u32 s8, s3  }
0xb: {  	s2 =	sadd.s32 s5, s2;
	s8 =	simm.s32 $0xC600;
	s20 =	ssub.s32 s6, s7  }
0xc: {  	v6 =	vlaneseq.u32;
	vm0 =	vmmov $0xffff;
	s21 =	sshll.u32 s3, $0x1;
	s22 =	sshll.u32 s3, $0xC;
	s6 =	sadd.s32 $0x100, s1  }
0xd: {  	v14 =	vimm.s32 $0x0;
	vm1 =	vmmov $0xf;
	v63 =	vimm.f32 $1.000000000e+00;
	s3 =	sshll.u32 s3, $0x4;
	s7 =	simm.s32 $0xBA00;
	s0 =	sadd.s32 s0, s21  }
0xe: {  	vm2 =	vcmask $0x3B00;
	vm3 =	vcmask $0x720;
	vm4 =	vcmask $0xB20;
	s23 =	sor.u32 $0x200, s22;
	s24 =	sor.u32 $0x400, s22;
	s12 =	sor.u32 $0x600, s22  }
0xf: {  	vm5 =	vcmask $0xF20;
	vm6 =	vcmask $0x1320;
	s15 =	sor.u32 $0x800, s22;
	s3 =	sand.u32 $0x180, s3;
	s16 =	sor.u32 $0xA00, s22;
	v0 =	vmov s22  }
0x10: {  	vm7 =	vcmask $0x1720;
	vm8 =	vcmask $0x1B20;
	s18 =	sor.u32 $0xC00, s22;
	s25 =	sor.u32 $0xE00, s22;
	s26 =	smax.u32 s20, $0x1;
	[tilespmem:$0x1FF90] =	vst v0;
	v56 =	vmov s23  }
0x11: {  	vm9 =	vmmov $0x1;
	v9 =	vor.u32 $0x10, v6;
	s20 =	simm.s32 $0x4A00;
	s21 =	simm.s32 $0x5200;
	[dreg:$0x5] =	wrdreg s0;
	v57 =	vmov s24;
	[tilespmem:$0x1FFA0] =	vst v56  }
0x12: {  	v10 =	vadd.s32 $0x11, v6;
	v11 =	vand.u32 $0x7, v6;
	s22 =	simm.s32 $0x5A00;
	s2 =	sadd.s32 s3, s2;
	[dreg:$0x7] =	wrdreg s26;
	v58 =	vmov s12;
	[tilespmem:$0x1FFB0] =	vst v57  }
0x13: {  	v62 =	vshrl.u32 v6, $0x3;
	s12 =	simm.s32 $0x1200;
	v59 =	vmov s15;
	v60 =	vmov s16;
	s15 =	simm.s32 $0x2A00;
	s16 =	simm.s32 $0x3200;
	[tilespmem:$0x1FFC0] =	vst v58  }
0x14: {  	v13 =	vor.u32 $0x8, v6;
	v15 =	vmul.u32 $0x8, v6;
	v61 =	vmov s18;
	s18 =	simm.s32 $0xC200;
	s23 =	simm.s32 $0x6200;
	s24 =	simm.s32 $0x6A00;
	[tilespmem:$0x1FFD0] =	vst v59  }
0x15: {  	v16 =	vor.u32 $0xFFFFFFF0, v6;
	v17 =	vadd.s32 $0x1, v6;
	v8 =	vmov s25;
	s25 =	simm.s32 $0x7200;
	s26 =	simm.s32 $0x7A00;
	s2 =	sadd.s32 $0x400, s2;
	[tilespmem:$0x1FFE0] =	vst v60  }
0x16: {  	v18 =	vsel vm2, $0x0, v63;
	vm2 =	vcmask $0x320;
	v12 =	vmul.u32 $0x8, v62;
	s0 =	simm.s32 $0x3;
	s3 =	simm.s32 $0x0;
	[tilespmem:$0x1FFF0] =	vst v61;
	[dreg:$0x6] =	wrdreg s2  }
.LBB2_1:
0x17: {  	s2 =	rddreg [dreg:$0x5]  }
0x18: {  	[tilespmem:s4], [sflag:$0x4] =	stream.linear.gather [hbm4b:s2+s4], $0x10, $0x38;
	[tilespmem:$0xCD00] =	vst v63  }
0x19: {  	_ =	swait.ge [sflag:s9], $0x10  }
0x1a: {  	[sflag:s9] =	ssyncset.done $0x0  }
0x1b: {  	[sflag:s9] =	ssyncadd.s32 $0xFFFFFFF0  }
0x1c: {  	v19 =	vld [tilespmem:$0x0];
	_ =	sdelay $0x4  }
0x1d: {  	v3 =	vld [tilespmem:$0x1FF90];
	v0 =	vadd.s32 $0xFFFFFFF0, v19  }
0x1e: {  	v1 =	vbroadcast v0, $0x1;
	_ =	sdelay $0x1  }
0x1f: {  	v2 =	vadd.s32 v6, v1  }
0x20: {  	v20 =	vand.u32 $0x1FF, v2  }
0x21: {  	v20 =	vor.u32 v3, v20  }
0x22: {  	v21 =	vshll.u32 v20, $0x2  }
0x23: {  	v2 =	vand.u32 $0x7, v2;
	v21 =	vand.u32 $0x7FFFC7E0, v21  }
0x24: {  	v2 =	vor.u32 v2, v21  }
0x25: {  	v21 =	vperm.xlane v2, v11;
	_ =	sdelay $0x1  }
0x26: {  	v22 =	vadd.s32 v9, v1;
	v21 =	vadd.s32 v12, v21  }
0x27: {  	v1 =	vadd.s32 v10, v1;
	v22 =	vand.u32 $0x1FF, v22  }
0x28: {  	v1 =	vand.u32 $0x1FF, v1;
	[tilespmem:$0x80] =	vst v20;
	v20 =	vor.u32 v3, v22;
	v2 =	vperm.xlane v2, v13  }
0x29: {  	v1 =	vor.u32 v3, v1;
	[tilespmem:$0x90] =	vst v20  }
0x2a: {  	[tilespmem:$0x91] =	vst v1;
	v1 =	vadd.s32 v12, v2  }
0x2b: {  	[tilespmem:s10], [sflag:$0x1] =	stream.indirect_vreg.gather [hbm4b:s1+s4], $0x80, v21, vm0, $0xb8;
	[tilespmem:$0xCD00] =	vst v63  }
0x2c: {  	_ = 	snop  }
0x2d: {  	[tilespmem:s11], [sflag:$0x1] =	stream.indirect_vreg.gather [hbm4b:s6+s4], $0x80, v21, vm0, $0xb8;
	[tilespmem:$0xCD00] =	vst v63  }
0x2e: {  	_ = 	snop  }
0x2f: {  	[tilespmem:s12], [sflag:$0x1] =	stream.indirect_vreg.gather [hbm4b:s1+s4], $0x80, v1, vm0, $0xb8;
	[tilespmem:$0xCD00] =	vst v63  }
0x30: {  	_ = 	snop  }
0x31: {  	[tilespmem:s13], [sflag:$0x1] =	stream.indirect_vreg.gather [hbm4b:s6+s4], $0x80, v1, vm0, $0xb8;
	[tilespmem:$0xCD00] =	vst v63  }
0x32: {  	v1 =	vld [tilespmem:$0x90];
	_ =	sdelay $0x4  }
0x33: {  	v2 =	vshll.u32 v1, $0x2  }
0x34: {  	v1 =	vand.u32 $0x7, v1;
	v2 =	vand.u32 $0xFFFFFFE0, v2  }
0x35: {  	v1 =	vor.u32 v1, v2  }
0x36: {  	v2 =	vperm.xlane v1, v11;
	_ =	sdelay $0x1  }
0x37: {  	v2 =	vadd.s32 v12, v2;
	_ =	sdelay $0x1  }
0x38: {  	v1 =	vperm.xlane v1, v13;
	_ =	sdelay $0x1  }
0x39: {  	v1 =	vadd.s32 v12, v1  }
0x3a: {  	[tilespmem:s14], [sflag:$0x1] =	stream.indirect_vreg.gather [hbm4b:s1+s4], $0x80, v2, vm0, $0xb8;
	[tilespmem:$0xCD00] =	vst v63  }
0x3b: {  	_ = 	snop  }
0x3c: {  	[tilespmem:s15], [sflag:$0x1] =	stream.indirect_vreg.gather [hbm4b:s6+s4], $0x80, v2, vm0, $0xb8;
	[tilespmem:$0xCD00] =	vst v63  }
0x3d: {  	_ = 	snop  }
0x3e: {  	[tilespmem:s16], [sflag:$0x1] =	stream.indirect_vreg.gather [hbm4b:s1+s4], $0x80, v1, vm0, $0xb8;
	[tilespmem:$0xCD00] =	vst v63  }
0x3f: {  	_ = 	snop  }
0x40: {  	[tilespmem:s17], [sflag:$0x1] =	stream.indirect_vreg.gather [hbm4b:s6+s4], $0x80, v1, vm0, $0xb8;
	[tilespmem:$0xCD00] =	vst v63  }
0x41: {  	v1 =	vld.msk [tilespmem:$0xA0], $0x1;
	_ =	sdelay $0x2  }
0x42: {  	v3 =	vld [tilespmem:$0x1FFA0]  }
0x43: {  	v2 =	vbroadcast v0, $0x3  }
0x44: {  	v20 =	vshll.u32 v1, $0x2  }
0x45: {  	v21 =	vadd.s32 v6, v2;
	v1 =	vand.u32 $0x7, v1;
	v20 =	vand.u32 $0xFFFFFFE0, v20  }
0x46: {  	v1 =	vor.u32 v1, v20;
	v20 =	vand.u32 $0x1FF, v21  }
0x47: {  	v1 =	vperm.xlane v1, v14;
	v20 =	vor.u32 v3, v20  }
0x48: {  	v22 =	vshll.u32 v20, $0x2  }
0x49: {  	v21 =	vand.u32 $0x7, v21;
	v1 =	vadd.s32 v15, v1;
	v22 =	vand.u32 $0xFFFFCFE0, v22  }
0x4a: {  	v21 =	vor.u32 v21, v22  }
0x4b: {  	v22 =	vperm.xlane v21, v11;
	_ =	sdelay $0x1  }
0x4c: {  	v23 =	vadd.s32 v9, v2;
	v22 =	vadd.s32 v12, v22  }
0x4d: {  	v2 =	vadd.s32 v10, v2;
	[tilespmem:s18], [sflag:$0x1] =	stream.indirect_vreg.gather [hbm4b:s1+s4], $0x80, v1, vm1, $0xb8;
	v1 =	vand.u32 $0x1FF, v23;
	[tilespmem:$0xCD00] =	vst v63  }
0x4e: {  	v2 =	vand.u32 $0x1FF, v2;
	[tilespmem:$0x100] =	vst v20;
	v1 =	vor.u32 v3, v1;
	v20 =	vperm.xlane v21, v13  }
0x4f: {  	[tilespmem:$0x110] =	vst v1;
	v1 =	vor.u32 v3, v2  }
0x50: {  	[tilespmem:$0x111] =	vst v1;
	v1 =	vadd.s32 v12, v20  }
0x51: {  	[tilespmem:s19], [sflag:$0x2] =	stream.indirect_vreg.gather [hbm4b:s1+s4], $0x80, v22, vm0, $0xb8;
	[tilespmem:$0xCD00] =	vst v63  }
0x52: {  	_ = 	snop  }
0x53: {  	[tilespmem:s20], [sflag:$0x2] =	stream.indirect_vreg.gather [hbm4b:s6+s4], $0x80, v22, vm0, $0xb8;
	[tilespmem:$0xCD00] =	vst v63  }
0x54: {  	_ = 	snop  }
0x55: {  	[tilespmem:s21], [sflag:$0x2] =	stream.indirect_vreg.gather [hbm4b:s1+s4], $0x80, v1, vm0, $0xb8;
	[tilespmem:$0xCD00] =	vst v63  }
0x56: {  	_ = 	snop  }
0x57: {  	[tilespmem:s22], [sflag:$0x2] =	stream.indirect_vreg.gather [hbm4b:s6+s4], $0x80, v1, vm0, $0xb8;
	[tilespmem:$0xCD00] =	vst v63  }
0x58: {  	v1 =	vld [tilespmem:$0x110];
	_ =	sdelay $0x4  }
0x59: {  	v2 =	vshll.u32 v1, $0x2  }
0x5a: {  	v1 =	vand.u32 $0x7, v1;
	v2 =	vand.u32 $0xFFFFFFE0, v2  }
0x5b: {  	v1 =	vor.u32 v1, v2  }
0x5c: {  	v2 =	vperm.xlane v1, v11;
	_ =	sdelay $0x1  }
0x5d: {  	v2 =	vadd.s32 v12, v2;
	_ =	sdelay $0x1  }
0x5e: {  	v1 =	vperm.xlane v1, v13;
	_ =	sdelay $0x1  }
0x5f: {  	v1 =	vadd.s32 v12, v1  }
0x60: {  	[tilespmem:s23], [sflag:$0x2] =	stream.indirect_vreg.gather [hbm4b:s1+s4], $0x80, v2, vm0, $0xb8;
	[tilespmem:$0xCD00] =	vst v63  }
0x61: {  	_ = 	snop  }
0x62: {  	[tilespmem:s24], [sflag:$0x2] =	stream.indirect_vreg.gather [hbm4b:s6+s4], $0x80, v2, vm0, $0xb8;
	[tilespmem:$0xCD00] =	vst v63  }
0x63: {  	_ = 	snop  }
0x64: {  	[tilespmem:s25], [sflag:$0x2] =	stream.indirect_vreg.gather [hbm4b:s1+s4], $0x80, v1, vm0, $0xb8;
	[tilespmem:$0xCD00] =	vst v63  }
0x65: {  	_ = 	snop  }
0x66: {  	[tilespmem:s26], [sflag:$0x2] =	stream.indirect_vreg.gather [hbm4b:s6+s4], $0x80, v1, vm0, $0xb8;
	[tilespmem:$0xCD00] =	vst v63  }
0x67: {  	v1 =	vld.msk [tilespmem:$0x120], $0x1;
	_ =	sdelay $0x4  }
0x68: {  	v2 =	vshll.u32 v1, $0x2  }
0x69: {  	v1 =	vand.u32 $0x7, v1;
	v2 =	vand.u32 $0xFFFFFFE0, v2  }
0x6a: {  	v1 =	vor.u32 v1, v2  }
0x6b: {  	v1 =	vperm.xlane v1, v14;
	_ =	sdelay $0x1  }
0x6c: {  	v1 =	vadd.s32 v15, v1;
	_ =	sdelay $0x4  }
0x6d: {  	[tilespmem:s28], [sflag:$0x2] =	stream.indirect_vreg.gather [hbm4b:s1+s4], $0x80, v1, vm1, $0xb8;
	[tilespmem:$0xCD00] =	vst v63  }
0x6e: {  	s2 =	simm.s32 $0xC800;
	s5 =	rddreg [dreg:$0x2]  }
0x6f: {  	[tilespmem:s2], [sflag:$0x4] =	stream.linear.gather [hbm4b:s5+s4], $0x480, $0x38;
	[tilespmem:$0xCD00] =	vst v63  }
0x70: {  	_ =	swait.ge [sflag:s9], $0x480  }
0x71: {  	(v2sf) =	vpush v0, $0x5;
	_ =	sdelay $0xc  }
0x72: {  	v3 =	vld [tilespmem:$0x1FFB0];
	_ =	sdelay $0x1  }
0x73: {  	s5 =	spop (v2sf)  }
0x74: {  	v0 =	vadd.s32 s5, v6  }
0x75: {  	v1 =	vand.u32 $0x1FF, v0  }
0x76: {  	v1 =	vor.u32 v3, v1  }
0x77: {  	v2 =	vshll.u32 v1, $0x2  }
0x78: {  	v0 =	vand.u32 $0x7, v0;
	v2 =	vand.u32 $0xFFFFD7E0, v2  }
0x79: {  	v0 =	vor.u32 v0, v2  }
0x7a: {  	v2 =	vperm.xlane v0, v11;
	_ =	sdelay $0x1  }
0x7b: {  	[sflag:s9] =	ssyncset.done $0x0;
	v20 =	vadd.s32 s5, v9;
	v2 =	vadd.s32 v12, v2  }
0x7c: {  	[sflag:s9] =	ssyncadd.s32 $0xFFFFFB80;
	v21 =	vadd.s32 s5, v10;
	v20 =	vand.u32 $0x1FF, v20  }
0x7d: {  	[tilespmem:$0x180] =	vst v1;
	v1 =	vor.u32 v3, v20;
	v20 =	vand.u32 $0x1FF, v21;
	v0 =	vperm.xlane v0, v13  }
0x7e: {  	[tilespmem:$0x190] =	vst v1;
	v1 =	vor.u32 v3, v20  }
0x7f: {  	[tilespmem:$0x191] =	vst v1;
	v0 =	vadd.s32 v12, v0  }
0x80: {  	[tilespmem:s29], [sflag:$0x3] =	stream.indirect_vreg.gather [hbm4b:s1+s4], $0x80, v2, vm0, $0xb8;
	[tilespmem:$0xCD00] =	vst v63  }
0x81: {  	s5 =	simm.s32 $0x8A00  }
0x82: {  	[tilespmem:s5], [sflag:$0x3] =	stream.indirect_vreg.gather [hbm4b:s6+s4], $0x80, v2, vm0, $0xb8;
	[tilespmem:$0xCD00] =	vst v63  }
0x83: {  	s5 =	simm.s32 $0x9200  }
0x84: {  	[tilespmem:s5], [sflag:$0x3] =	stream.indirect_vreg.gather [hbm4b:s1+s4], $0x80, v0, vm0, $0xb8;
	[tilespmem:$0xCD00] =	vst v63  }
0x85: {  	s5 =	simm.s32 $0x9A00  }
0x86: {  	[tilespmem:s5], [sflag:$0x3] =	stream.indirect_vreg.gather [hbm4b:s6+s4], $0x80, v0, vm0, $0xb8;
	[tilespmem:$0xCD00] =	vst v63  }
0x87: {  	v0 =	vld [tilespmem:$0x190];
	_ =	sdelay $0x4  }
0x88: {  	v1 =	vshll.u32 v0, $0x2  }
0x89: {  	v0 =	vand.u32 $0x7, v0;
	v1 =	vand.u32 $0xFFFFFFE0, v1  }
0x8a: {  	v0 =	vor.u32 v0, v1  }
0x8b: {  	v1 =	vperm.xlane v0, v11;
	_ =	sdelay $0x1  }
0x8c: {  	v1 =	vadd.s32 v12, v1;
	_ =	sdelay $0x1  }
0x8d: {  	v0 =	vperm.xlane v0, v13;
	_ =	sdelay $0x1  }
0x8e: {  	s5 =	simm.s32 $0xA200;
	v0 =	vadd.s32 v12, v0  }
0x8f: {  	[tilespmem:s5], [sflag:$0x3] =	stream.indirect_vreg.gather [hbm4b:s1+s4], $0x80, v1, vm0, $0xb8;
	[tilespmem:$0xCD00] =	vst v63  }
0x90: {  	s5 =	simm.s32 $0xAA00  }
0x91: {  	[tilespmem:s5], [sflag:$0x3] =	stream.indirect_vreg.gather [hbm4b:s6+s4], $0x80, v1, vm0, $0xb8;
	[tilespmem:$0xCD00] =	vst v63  }
0x92: {  	s5 =	simm.s32 $0xB200  }
0x93: {  	[tilespmem:s5], [sflag:$0x3] =	stream.indirect_vreg.gather [hbm4b:s1+s4], $0x80, v0, vm0, $0xb8;
	[tilespmem:$0xCD00] =	vst v63  }
0x94: {  	_ = 	snop  }
0x95: {  	[tilespmem:s7], [sflag:$0x3] =	stream.indirect_vreg.gather [hbm4b:s6+s4], $0x80, v0, vm0, $0xb8;
	[tilespmem:$0xCD00] =	vst v63  }
0x96: {  	v0 =	vld.msk [tilespmem:$0x1A0], $0x1;
	_ =	sdelay $0x4  }
0x97: {  	v1 =	vshll.u32 v0, $0x2  }
0x98: {  	v0 =	vand.u32 $0x7, v0;
	v1 =	vand.u32 $0xFFFFFFE0, v1  }
0x99: {  	v0 =	vor.u32 v0, v1  }
0x9a: {  	v1 =	vor.u32 s4, v6;
	v0 =	vperm.xlane v0, v14  }
0x9b: {  	v2 =	vmul.u32 $0x7C2, v1  }
0x9c: {  	v20 =	vadd.s32 $0x1F0, v19;
	s5 =	simm.s32 $0x10;
	v0 =	vadd.s32 v15, v0  }
0x9d: {  	v23 =	vbroadcast v20, $0x0;
	v22 =	vor.u32 s5, v6;
	v21 =	vshrl.u32 v2, $0x10  }
0x9e: {  	v24 =	vmul.u32 $0x7C2, v22;
	v21 =	vmul.u32 $0x1DF, v21  }
0x9f: {  	v1 =	vadd.s32 v1, v23;
	v25 =	vshrl.u32 v2, $0x7;
	v2 =	vshrl.u32 v2, $0x9  }
0xa0: {  	v2 =	vand.u32 $0x380, v2;
	v1 =	vadd.s32 v21, v1;
	v21 =	vand.u32 $0xFFF000, v25  }
0xa1: {  	v2 =	vor.u32 v21, v2;
	[tilespmem:s8], [sflag:$0x3] =	stream.indirect_vreg.gather [hbm4b:s1+s4], $0x80, v0, vm1, $0xb8;
	v0 =	vand.u32 $0x7F, v1;
	v1 =	vshll.u32 v1, $0x3;
	[tilespmem:$0xCD00] =	vst v63  }
0xa2: {  	_ =	swait.ge [sflag:s30], $0x4000;
	v1 =	vand.u32 $0xC00, v1;
	v0 =	vor.u32 v0, v2  }
0xa3: {  	v2 =	vshrl.u32 v24, $0x10;
	[sflag:s30] =	ssyncset.done $0x0;
	v0 =	vor.u32 v1, v0  }
0xa4: {  	s5 =	simm.s32 $0x20;
	v25 =	vshrl.u32 v24, $0x7;
	v24 =	vshrl.u32 v24, $0x9;
	v2 =	vmul.u32 $0x1DF, v2;
	[sflag:s30] =	ssyncadd.s32 $0xFFFFC000  }
0xa5: {  	v21 =	vadd.s32 v22, v23;
	v1 =	vor.u32 s5, v6;
	v24 =	vand.u32 $0x380, v24;
	_ =	swait.ge [sflag:s30], $0x200  }
0xa6: {  	v22 =	vmul.u32 $0x7C2, v1;
	v2 =	vadd.s32 v2, v21;
	v21 =	vand.u32 $0xFFF000, v25;
	[sflag:s30] =	ssyncset.done $0x0  }
0xa7: {  	v25 =	vand.u32 $0x7F, v2;
	v2 =	vshll.u32 v2, $0x3;
	v21 =	vor.u32 v21, v24;
	[sflag:s30] =	ssyncadd.s32 $0xFFFFFE00  }
0xa8: {  	v2 =	vand.u32 $0xC00, v2;
	v24 =	vor.u32 v25, v21;
	v26 =	vld.idx.msk [tilespmem:v0+s10+$0x0], $0xffff  }
0xa9: {  	s5 =	simm.s32 $0x30;
	v1 =	vadd.s32 v1, v23;
	v0 =	vshrl.u32 v22, $0x10;
	v2 =	vor.u32 v2, v24;
	v27 =	vld [tilespmem:s2+$0x0]  }
0xaa: {  	v28 =	vshrl.u32 v22, $0x7;
	v24 =	vor.u32 s5, v6;
	v0 =	vmul.u32 $0x1DF, v0  }
0xab: {  	v21 =	vimm.f32 $0.0e+00;
	v22 =	vshrl.u32 v22, $0x9;
	v25 =	vmul.u32 $0x7C2, v24  }
0xac: {  	v22 =	vand.u32 $0x380, v22;
	v0 =	vadd.s32 v0, v1;
	v1 =	vand.u32 $0xFFF000, v28  }
0xad: {  	v28 =	vand.u32 $0x7F, v0;
	v0 =	vshll.u32 v0, $0x3;
	v1 =	vor.u32 v1, v22  }
0xae: {  	s5 =	simm.s32 $0x40;
	s2 =	simm.s32 $0xC810;
	v0 =	vand.u32 $0xC00, v0;
	v1 =	vor.u32 v28, v1;
	v22 =	vld.idx.msk [tilespmem:v2+s10+$0x0], $0xffff;
	v27 =	vmul.f32 v26, v27  }
.LBB2_2:
0xaf: {  	v2 =	vor.u32 s5, v6;
	v26 =	vshrl.u32 v25, $0x10;
	v28 =	vor.u32 v0, v1;
	v29 =	vld [tilespmem:s2+$0x0];
	p0 =	sne.s32 s5, $0x410  }
.Ltmp0:
0xb0: {  	v1 =	vadd.s32 v24, v23;
	v0 =	vmul.u32 $0x1DF, v26;
	v21 =	vadd.f32 v27, v21;
	v24 =	vmovc v2;
	(pc) =	sbr.rel @p0 .LBB2_2-.Ltmp0, $4  }
0xb1: {  	v2 =	vshrl.u32 v25, $0x7;
	v26 =	vshrl.u32 v25, $0x9;
	v25 =	vmul.u32 $0x7C2, v24  }
0xb2: {  	s5 =	sadd.s32 $0x10, s5;
	v0 =	vadd.s32 v0, v1;
	v1 =	vand.u32 $0xFFF000, v2;
	v2 =	vand.u32 $0x380, v26  }
0xb3: {  	v26 =	vand.u32 $0x7F, v0;
	v0 =	vshll.u32 v0, $0x3;
	v1 =	vor.u32 v1, v2  }
0xb4: {  	s2 =	sadd.s32 $0x10, s2;
	v0 =	vand.u32 $0xC00, v0;
	v1 =	vor.u32 v26, v1;
	v27 =	vmul.f32 v22, v29;
	v22 =	vld.idx.msk [tilespmem:v28+s10+$0x0], $0xffff  }
0xb5: {  	v2 =	vshrl.u32 v25, $0x10  }
0xb6: {  	(v2sf) =	vpush v19, $0x7;
	v0 =	vor.u32 v0, v1;
	v1 =	vmul.u32 $0x1DF, v2  }
0xb7: {  	v2 =	vadd.s32 v24, v23;
	v23 =	vshrl.u32 v25, $0x7;
	v24 =	vshrl.u32 v25, $0x9  }
0xb8: {  	v1 =	vadd.s32 v1, v2;
	v2 =	vand.u32 $0xFFF000, v23;
	v23 =	vand.u32 $0x380, v24  }
0xb9: {  	v2 =	vor.u32 v2, v23;
	v23 =	vbroadcast v19, $0x0  }
0xba: {  	v24 =	vand.u32 $0x7F, v1  }
0xbb: {  	v2 =	vor.u32 v24, v2;
	v24 =	vadd.s32 v16, v23  }
0xbc: {  	v24 =	vand.u32 $0x1FF, v24;
	_ =	sdelay $0x3  }
0xbd: {  	v28 =	vadd.s32 v6, v23  }
0xbe: {  	v28 =	vand.u32 $0x1FF, v28;
	v4 =	vld.idx.msk [tilespmem:v24+s18+$0x0], $0xffff;
	_ =	sdelay $0x3  }
0xbf: {  	v3 =	vld [tilespmem:$0x1FFC0];
	v23 =	vadd.s32 v17, v23  }
0xc0: {  	v1 =	vshll.u32 v1, $0x3;
	v23 =	vand.u32 $0x1FF, v23;
	s5 =	spop (v2sf);
	[tilespmem:$0x1FF20] =	vst v4;
	v4 =	vld.idx.msk [tilespmem:v28+s18+$0x0], $0xffff  }
0xc1: {  	v1 =	vand.u32 $0xC00, v1;
	s5 =	sadd.s32 $0xFFFFFFF0, s5  }
0xc2: {  	v1 =	vor.u32 v1, v2;
	v2 =	vadd.s32 s5, v6  }
0xc3: {  	v25 =	vand.u32 $0x1FF, v2  }
0xc4: {  	v25 =	vor.u32 v3, v25  }
0xc5: {  	v29 =	vshll.u32 v25, $0x2;
	[tilespmem:$0x1FF30] =	vst v4;
	v4 =	vld.idx.msk [tilespmem:v23+s18+$0x0], $0xffff  }
0xc6: {  	v2 =	vand.u32 $0x7, v2;
	v29 =	vand.u32 $0xFFFFDFE0, v29  }
0xc7: {  	v26 =	vld [tilespmem:s2+$0x0];
	s2 =	sadd.s32 $0x10, s2;
	v2 =	vor.u32 v2, v29  }
0xc8: {  	v30 =	vld [tilespmem:s2+$0x0];
	s2 =	sadd.s32 $0x10, s2;
	v31 =	vperm.xlane v2, v11  }
0xc9: {  	v60 =	vld [tilespmem:s2+$0x0]  }
0xca: {  	v24 =	vadd.s32 s5, v9;
	v61 =	vadd.s32 v12, v31;
	[tilespmem:$0x1FF40] =	vst v4;
	v4 =	vld [tilespmem:$0xCC20]  }
0xcb: {  	v0 =	vld.idx.msk [tilespmem:v0+s10+$0x0], $0xffff;
	v23 =	vand.u32 $0x1FF, v24;
	v24 =	vadd.s32 s5, v10  }
0xcc: {  	v1 =	vld.idx.msk [tilespmem:v1+s10+$0x0], $0xffff;
	[tilespmem:$0x80] =	vst v25;
	v23 =	vor.u32 v3, v23;
	v24 =	vand.u32 $0x1FF, v24;
	v2 =	vperm.xlane v2, v13  }
0xcd: {  	[tilespmem:$0x90] =	vst v23;
	v23 =	vor.u32 v3, v24  }
0xce: {  	s2 =	simm.s32 $0x0;
	v3 =	vld [tilespmem:$0xCC31];
	[tilespmem:$0x91] =	vst v23;
	v2 =	vadd.s32 v12, v2  }
0xcf: {  	[tilespmem:$0x1FF50] =	vst v4;
	v4 =	vld [tilespmem:$0xCC30];
	[tilespmem:s10], [sflag:$0x1] =	stream.indirect_vreg.gather [hbm4b:s1+s2], $0x80, v61, vm0, $0xb8  }
0xd0: {  	_ = 	snop  }
0xd1: {  	[tilespmem:s11], [sflag:$0x1] =	stream.indirect_vreg.gather [hbm4b:s6+s2], $0x80, v61, vm0, $0xb8;
	[tilespmem:$0xCD00] =	vst v63  }
0xd2: {  	_ = 	snop  }
0xd3: {  	[tilespmem:s12], [sflag:$0x1] =	stream.indirect_vreg.gather [hbm4b:s1+s2], $0x80, v2, vm0, $0xb8;
	[tilespmem:$0xCD00] =	vst v63  }
0xd4: {  	_ = 	snop  }
0xd5: {  	[tilespmem:s13], [sflag:$0x1] =	stream.indirect_vreg.gather [hbm4b:s6+s2], $0x80, v2, vm0, $0xb8;
	[tilespmem:$0xCD00] =	vst v63  }
0xd6: {  	v2 =	vld [tilespmem:$0x90];
	_ =	sdelay $0x4  }
0xd7: {  	v23 =	vshll.u32 v2, $0x2  }
0xd8: {  	v2 =	vand.u32 $0x7, v2;
	v23 =	vand.u32 $0xFFFFFFE0, v23  }
0xd9: {  	v2 =	vor.u32 v2, v23  }
0xda: {  	v23 =	vperm.xlane v2, v11;
	_ =	sdelay $0x1  }
0xdb: {  	v23 =	vadd.s32 v12, v23;
	_ =	sdelay $0x1  }
0xdc: {  	v2 =	vperm.xlane v2, v13;
	_ =	sdelay $0x1  }
0xdd: {  	v2 =	vadd.s32 v12, v2  }
0xde: {  	[tilespmem:s14], [sflag:$0x1] =	stream.indirect_vreg.gather [hbm4b:s1+s2], $0x80, v23, vm0, $0xb8;
	[tilespmem:$0xCD00] =	vst v63  }
0xdf: {  	_ = 	snop  }
0xe0: {  	[tilespmem:s15], [sflag:$0x1] =	stream.indirect_vreg.gather [hbm4b:s6+s2], $0x80, v23, vm0, $0xb8;
	[tilespmem:$0xCD00] =	vst v63  }
0xe1: {  	_ = 	snop  }
0xe2: {  	[tilespmem:s16], [sflag:$0x1] =	stream.indirect_vreg.gather [hbm4b:s1+s2], $0x80, v2, vm0, $0xb8;
	[tilespmem:$0xCD00] =	vst v63  }
0xe3: {  	_ = 	snop  }
0xe4: {  	[tilespmem:s17], [sflag:$0x1] =	stream.indirect_vreg.gather [hbm4b:s6+s2], $0x80, v2, vm0, $0xb8;
	[tilespmem:$0xCD00] =	vst v63  }
0xe5: {  	v2 =	vld.msk [tilespmem:$0xA0], $0x1;
	_ =	sdelay $0x4  }
0xe6: {  	v21 =	vadd.f32 v27, v21;
	v22 =	vmul.f32 v22, v26;
	v23 =	vshll.u32 v2, $0x2  }
0xe7: {  	v2 =	vand.u32 $0x7, v2;
	v23 =	vand.u32 $0xFFFFFFE0, v23  }
0xe8: {  	v21 =	vadd.f32 v22, v21;
	v2 =	vor.u32 v2, v23  }
0xe9: {  	v0 =	vmul.f32 v0, v30;
	v24 =	vor.u32 s2, v6;
	v2 =	vperm.xlane v2, v14  }
0xea: {  	v25 =	vmul.u32 $0x7C2, v24  }
0xeb: {  	v0 =	vadd.f32 v0, v21;
	s5 =	simm.s32 $0x10;
	v2 =	vadd.s32 v15, v2  }
0xec: {  	v26 =	vor.u32 s5, v6;
	v22 =	vshrl.u32 v25, $0x10;
	v23 =	vbroadcast v20, $0x2  }
0xed: {  	v1 =	vmul.f32 v1, v60;
	v27 =	vmul.u32 $0x7C2, v26;
	v22 =	vmul.u32 $0x1DF, v22  }
0xee: {  	v62 =	vshrl.u32 v25, $0x7;
	v25 =	vshrl.u32 v25, $0x9;
	[tilespmem:$0x1FF70] =	vst v3;
	v24 =	vadd.s32 v24, v23  }
0xef: {  	v25 =	vand.u32 $0x380, v25;
	[tilespmem:$0x1FF60] =	vst v4;
	v22 =	vadd.s32 v22, v24;
	v24 =	vand.u32 $0xFFF000, v62  }
0xf0: {  	v24 =	vor.u32 v24, v25;
	[tilespmem:s18], [sflag:$0x1] =	stream.indirect_vreg.gather [hbm4b:s1+s2], $0x80, v2, vm1, $0xb8;
	v2 =	vand.u32 $0x7F, v22;
	v22 =	vshll.u32 v22, $0x3;
	[tilespmem:$0xCD00] =	vst v63  }
0xf1: {  	_ =	swait.ge [sflag:s31], $0x4000;
	v21 =	vand.u32 $0xC00, v22;
	v2 =	vor.u32 v2, v24  }
0xf2: {  	v0 =	vadd.f32 v1, v0;
	s5 =	simm.s32 $0x20;
	v22 =	vshrl.u32 v27, $0x10;
	[sflag:s31] =	ssyncset.done $0x0;
	v2 =	vor.u32 v21, v2  }
0xf3: {  	v25 =	vor.u32 s5, v6;
	v24 =	vshrl.u32 v27, $0x7;
	v21 =	vmul.u32 $0x1DF, v22;
	[sflag:s31] =	ssyncadd.s32 $0xFFFFC000  }
0xf4: {  	v27 =	vshrl.u32 v27, $0x9;
	v22 =	vadd.s32 v26, v23;
	v26 =	vmul.u32 $0x7C2, v25;
	_ =	swait.ge [sflag:s31], $0x200  }
0xf5: {  	v21 =	vadd.s32 v21, v22;
	v22 =	vand.u32 $0xFFF000, v24;
	v24 =	vand.u32 $0x380, v27;
	[sflag:s31] =	ssyncset.done $0x0  }
0xf6: {  	v27 =	vand.u32 $0x7F, v21;
	v21 =	vshll.u32 v21, $0x3;
	v22 =	vor.u32 v22, v24;
	[sflag:s31] =	ssyncadd.s32 $0xFFFFFE00  }
0xf7: {  	s5 =	simm.s32 $0x30;
	s2 =	simm.s32 $0xC800;
	[tilespmem:$0x1FF80] =	vst v0;
	v0 =	vand.u32 $0xC00, v21;
	v1 =	vor.u32 v27, v22;
	v2 =	vld.idx.msk [tilespmem:v2+s19+$0x0], $0xffff  }
0xf8: {  	v24 =	vor.u32 s5, v6;
	v22 =	vshrl.u32 v26, $0x10;
	v27 =	vor.u32 v0, v1;
	v63 =	vld [tilespmem:s2+$0x0]  }
0xf9: {  	v21 =	vimm.f32 $0.0e+00;
	v0 =	vmul.u32 $0x1DF, v22;
	v1 =	vadd.s32 v25, v23  }
0xfa: {  	v25 =	vmul.u32 $0x7C2, v24;
	v22 =	vshrl.u32 v26, $0x7;
	v26 =	vshrl.u32 v26, $0x9  }
0xfb: {  	v0 =	vadd.s32 v0, v1;
	v1 =	vand.u32 $0xFFF000, v22;
	v22 =	vand.u32 $0x380, v26  }
0xfc: {  	v26 =	vand.u32 $0x7F, v0;
	v0 =	vshll.u32 v0, $0x3;
	v1 =	vor.u32 v1, v22  }
0xfd: {  	s5 =	simm.s32 $0x40;
	s2 =	simm.s32 $0xC810;
	v0 =	vand.u32 $0xC00, v0;
	v1 =	vor.u32 v26, v1;
	v22 =	vld.idx.msk [tilespmem:v27+s19+$0x0], $0xffff;
	v34 =	vmul.f32 v2, v63  }
.LBB2_4:
0xfe: {  	v2 =	vor.u32 s5, v6;
	v26 =	vshrl.u32 v25, $0x10;
	v27 =	vor.u32 v0, v1;
	v28 =	vld [tilespmem:s2+$0x0];
	p0 =	sne.s32 s5, $0x410  }
.Ltmp1:
0xff: {  	v1 =	vadd.s32 v24, v23;
	v0 =	vmul.u32 $0x1DF, v26;
	v21 =	vadd.f32 v34, v21;
	v24 =	vmovc v2;
	(pc) =	sbr.rel @p0 .LBB2_4-.Ltmp1, $4  }
0x100: {  	v2 =	vshrl.u32 v25, $0x7;
	v26 =	vshrl.u32 v25, $0x9;
	v25 =	vmul.u32 $0x7C2, v24  }
0x101: {  	s5 =	sadd.s32 $0x10, s5;
	v0 =	vadd.s32 v0, v1;
	v1 =	vand.u32 $0xFFF000, v2;
	v2 =	vand.u32 $0x380, v26  }
0x102: {  	v26 =	vand.u32 $0x7F, v0;
	v0 =	vshll.u32 v0, $0x3;
	v1 =	vor.u32 v1, v2  }
0x103: {  	s2 =	sadd.s32 $0x10, s2;
	v0 =	vand.u32 $0xC00, v0;
	v1 =	vor.u32 v26, v1;
	v34 =	vmul.f32 v22, v28;
	v22 =	vld.idx.msk [tilespmem:v27+s19+$0x0], $0xffff  }
0x104: {  	(v2sf) =	vpush v19, $0x9;
	_ =	sdelay $0xa  }
0x105: {  	v2 =	vshrl.u32 v25, $0x10  }
0x106: {  	v0 =	vor.u32 v0, v1;
	v1 =	vmul.u32 $0x1DF, v2  }
0x107: {  	v2 =	vadd.s32 v24, v23;
	v23 =	vshrl.u32 v25, $0x7;
	v24 =	vshrl.u32 v25, $0x9  }
0x108: {  	v3 =	vld [tilespmem:$0x1FFD0];
	v1 =	vadd.s32 v1, v2;
	v2 =	vand.u32 $0xFFF000, v23;
	v23 =	vand.u32 $0x380, v24  }
0x109: {  	v24 =	vand.u32 $0x7F, v1;
	v1 =	vshll.u32 v1, $0x3;
	v2 =	vor.u32 v2, v23;
	s5 =	spop (v2sf)  }
0x10a: {  	v23 =	vbroadcast v19, $0x2;
	v1 =	vand.u32 $0xC00, v1;
	v2 =	vor.u32 v24, v2;
	s5 =	sadd.s32 $0xFFFFFFF0, s5  }
0x10b: {  	v1 =	vor.u32 v1, v2;
	v2 =	vadd.s32 s5, v6  }
0x10c: {  	v24 =	vadd.s32 v16, v23;
	v25 =	vand.u32 $0x1FF, v2  }
0x10d: {  	v27 =	vadd.s32 v6, v23;
	v24 =	vand.u32 $0x1FF, v24;
	v25 =	vor.u32 v3, v25  }
0x10e: {  	v26 =	vld [tilespmem:s2+$0x0];
	s2 =	sadd.s32 $0x10, s2;
	v23 =	vadd.s32 v17, v23;
	v27 =	vand.u32 $0x1FF, v27;
	v28 =	vshll.u32 v25, $0x2  }
0x10f: {  	v35 =	vld [tilespmem:s2+$0x0];
	s2 =	sadd.s32 $0x10, s2;
	v23 =	vand.u32 $0x1FF, v23;
	v2 =	vand.u32 $0x7, v2;
	v28 =	vand.u32 $0xFFFFE7E0, v28  }
0x110: {  	v36 =	vld [tilespmem:s2+$0x0];
	v2 =	vor.u32 v2, v28  }
0x111: {  	v0 =	vld.idx.msk [tilespmem:v0+s19+$0x0], $0xffff;
	v28 =	vperm.xlane v2, v11  }
0x112: {  	v30 =	vld.idx.msk [tilespmem:v24+s28+$0x0], $0xffff  }
0x113: {  	v29 =	vld.idx.msk [tilespmem:v27+s28+$0x0], $0xffff;
	v24 =	vadd.s32 s5, v9;
	v27 =	vadd.s32 v12, v28  }
0x114: {  	v28 =	vld.idx.msk [tilespmem:v23+s28+$0x0], $0xffff;
	v23 =	vand.u32 $0x1FF, v24;
	v24 =	vadd.s32 s5, v10  }
0x115: {  	v1 =	vld.idx.msk [tilespmem:v1+s19+$0x0], $0xffff;
	v2 =	vperm.xlane v2, v13;
	[tilespmem:$0x100] =	vst v25;
	v23 =	vor.u32 v3, v23;
	v24 =	vand.u32 $0x1FF, v24  }
0x116: {  	v32 =	vld [tilespmem:$0xCC20];
	[tilespmem:$0x110] =	vst v23;
	v23 =	vor.u32 v3, v24  }
0x117: {  	v33 =	vld [tilespmem:$0xCC30];
	s2 =	simm.s32 $0x0;
	v2 =	vadd.s32 v12, v2;
	[tilespmem:$0x111] =	vst v23  }
0x118: {  	v31 =	vld [tilespmem:$0xCC31];
	[tilespmem:s19], [sflag:$0x2] =	stream.indirect_vreg.gather [hbm4b:s1+s2], $0x80, v27, vm0, $0xb8  }
0x119: {  	_ = 	snop  }
0x11a: {  	[tilespmem:s20], [sflag:$0x2] =	stream.indirect_vreg.gather [hbm4b:s6+s2], $0x80, v27, vm0, $0xb8;
	[tilespmem:$0xCD00] =	vst v63  }
0x11b: {  	_ = 	snop  }
0x11c: {  	[tilespmem:s21], [sflag:$0x2] =	stream.indirect_vreg.gather [hbm4b:s1+s2], $0x80, v2, vm0, $0xb8;
	[tilespmem:$0xCD00] =	vst v63  }
0x11d: {  	_ = 	snop  }
0x11e: {  	[tilespmem:s22], [sflag:$0x2] =	stream.indirect_vreg.gather [hbm4b:s6+s2], $0x80, v2, vm0, $0xb8;
	[tilespmem:$0xCD00] =	vst v63  }
0x11f: {  	v2 =	vld [tilespmem:$0x110];
	_ =	sdelay $0x4  }
0x120: {  	v23 =	vshll.u32 v2, $0x2  }
0x121: {  	v2 =	vand.u32 $0x7, v2;
	v23 =	vand.u32 $0xFFFFFFE0, v23  }
0x122: {  	v2 =	vor.u32 v2, v23  }
0x123: {  	v23 =	vperm.xlane v2, v11;
	_ =	sdelay $0x1  }
0x124: {  	v23 =	vadd.s32 v12, v23;
	_ =	sdelay $0x1  }
0x125: {  	v2 =	vperm.xlane v2, v13;
	_ =	sdelay $0x1  }
0x126: {  	v2 =	vadd.s32 v12, v2  }
0x127: {  	[tilespmem:s23], [sflag:$0x2] =	stream.indirect_vreg.gather [hbm4b:s1+s2], $0x80, v23, vm0, $0xb8;
	[tilespmem:$0xCD00] =	vst v63  }
0x128: {  	_ = 	snop  }
0x129: {  	[tilespmem:s24], [sflag:$0x2] =	stream.indirect_vreg.gather [hbm4b:s6+s2], $0x80, v23, vm0, $0xb8;
	[tilespmem:$0xCD00] =	vst v63  }
0x12a: {  	_ = 	snop  }
0x12b: {  	[tilespmem:s25], [sflag:$0x2] =	stream.indirect_vreg.gather [hbm4b:s1+s2], $0x80, v2, vm0, $0xb8;
	[tilespmem:$0xCD00] =	vst v63  }
0x12c: {  	_ = 	snop  }
0x12d: {  	[tilespmem:s26], [sflag:$0x2] =	stream.indirect_vreg.gather [hbm4b:s6+s2], $0x80, v2, vm0, $0xb8;
	[tilespmem:$0xCD00] =	vst v63  }
0x12e: {  	v2 =	vld.msk [tilespmem:$0x120], $0x1;
	_ =	sdelay $0x4  }
0x12f: {  	v23 =	vshll.u32 v2, $0x2  }
0x130: {  	v2 =	vand.u32 $0x7, v2;
	v23 =	vand.u32 $0xFFFFFFE0, v23  }
0x131: {  	v21 =	vadd.f32 v34, v21;
	v2 =	vor.u32 v2, v23  }
0x132: {  	v22 =	vmul.f32 v22, v26;
	v24 =	vor.u32 s2, v6;
	v2 =	vperm.xlane v2, v14  }
0x133: {  	v25 =	vmul.u32 $0x7C2, v24  }
0x134: {  	v21 =	vadd.f32 v22, v21;
	v2 =	vadd.s32 v15, v2  }
0x135: {  	v0 =	vmul.f32 v0, v35;
	v22 =	vshrl.u32 v25, $0x10;
	v23 =	vbroadcast v20, $0x4  }
0x136: {  	s5 =	simm.s32 $0x10;
	v62 =	vshrl.u32 v25, $0x7;
	v25 =	vshrl.u32 v25, $0x9;
	v22 =	vmul.u32 $0x1DF, v22  }
0x137: {  	v26 =	vor.u32 s5, v6;
	v25 =	vand.u32 $0x380, v25;
	v24 =	vadd.s32 v24, v23  }
0x138: {  	v27 =	vmul.u32 $0x7C2, v26;
	v22 =	vadd.s32 v22, v24;
	v24 =	vand.u32 $0xFFF000, v62  }
0x139: {  	v24 =	vor.u32 v24, v25;
	[tilespmem:s28], [sflag:$0x2] =	stream.indirect_vreg.gather [hbm4b:s1+s2], $0x80, v2, vm1, $0xb8;
	v2 =	vand.u32 $0x7F, v22;
	v22 =	vshll.u32 v22, $0x3;
	[tilespmem:$0xCD00] =	vst v63  }
0x13a: {  	v0 =	vadd.f32 v0, v21;
	_ =	swait.ge [sflag:s0], $0x4000;
	v21 =	vand.u32 $0xC00, v22;
	v2 =	vor.u32 v2, v24  }
0x13b: {  	v1 =	vmul.f32 v1, v36;
	s5 =	simm.s32 $0x20;
	v22 =	vshrl.u32 v27, $0x10;
	[sflag:s0] =	ssyncset.done $0x0;
	v2 =	vor.u32 v21, v2  }
0x13c: {  	v25 =	vor.u32 s5, v6;
	v24 =	vshrl.u32 v27, $0x7;
	v21 =	vmul.u32 $0x1DF, v22;
	[sflag:s0] =	ssyncadd.s32 $0xFFFFC000  }
0x13d: {  	v27 =	vshrl.u32 v27, $0x9;
	v22 =	vadd.s32 v26, v23;
	v26 =	vmul.u32 $0x7C2, v25;
	_ =	swait.ge [sflag:s0], $0x200  }
0x13e: {  	v21 =	vadd.s32 v21, v22;
	v22 =	vand.u32 $0xFFF000, v24;
	v24 =	vand.u32 $0x380, v27;
	[sflag:s0] =	ssyncset.done $0x0  }
0x13f: {  	v27 =	vand.u32 $0x7F, v21;
	v21 =	vshll.u32 v21, $0x3;
	v22 =	vor.u32 v22, v24;
	[sflag:s0] =	ssyncadd.s32 $0xFFFFFE00  }
0x140: {  	v34 =	vadd.f32 v1, v0;
	s5 =	simm.s32 $0x30;
	s2 =	simm.s32 $0xC800;
	v0 =	vand.u32 $0xC00, v21;
	v1 =	vor.u32 v27, v22;
	v2 =	vld.idx.msk [tilespmem:v2+s29+$0x0], $0xffff  }
0x141: {  	v24 =	vor.u32 s5, v6;
	v22 =	vshrl.u32 v26, $0x10;
	v27 =	vor.u32 v0, v1;
	v63 =	vld [tilespmem:s2+$0x0]  }
0x142: {  	v21 =	vimm.f32 $0.0e+00;
	v0 =	vmul.u32 $0x1DF, v22;
	v1 =	vadd.s32 v25, v23  }
0x143: {  	v25 =	vmul.u32 $0x7C2, v24;
	v22 =	vshrl.u32 v26, $0x7;
	v26 =	vshrl.u32 v26, $0x9  }
0x144: {  	v0 =	vadd.s32 v0, v1;
	v1 =	vand.u32 $0xFFF000, v22;
	v22 =	vand.u32 $0x380, v26  }
0x145: {  	v26 =	vand.u32 $0x7F, v0;
	v0 =	vshll.u32 v0, $0x3;
	v1 =	vor.u32 v1, v22  }
0x146: {  	s5 =	simm.s32 $0x40;
	s2 =	simm.s32 $0xC810;
	v0 =	vand.u32 $0xC00, v0;
	v1 =	vor.u32 v26, v1;
	v22 =	vld.idx.msk [tilespmem:v27+s29+$0x0], $0xffff;
	v41 =	vmul.f32 v2, v63  }
.LBB2_6:
0x147: {  	v2 =	vor.u32 s5, v6;
	v26 =	vshrl.u32 v25, $0x10;
	v27 =	vor.u32 v0, v1;
	v35 =	vld [tilespmem:s2+$0x0];
	p0 =	sne.s32 s5, $0x410  }
.Ltmp2:
0x148: {  	v1 =	vadd.s32 v24, v23;
	v0 =	vmul.u32 $0x1DF, v26;
	v21 =	vadd.f32 v41, v21;
	v24 =	vmovc v2;
	(pc) =	sbr.rel @p0 .LBB2_6-.Ltmp2, $4  }
0x149: {  	v2 =	vshrl.u32 v25, $0x7;
	v26 =	vshrl.u32 v25, $0x9;
	v25 =	vmul.u32 $0x7C2, v24  }
0x14a: {  	s5 =	sadd.s32 $0x10, s5;
	v0 =	vadd.s32 v0, v1;
	v1 =	vand.u32 $0xFFF000, v2;
	v2 =	vand.u32 $0x380, v26  }
0x14b: {  	v26 =	vand.u32 $0x7F, v0;
	v0 =	vshll.u32 v0, $0x3;
	v1 =	vor.u32 v1, v2  }
0x14c: {  	s2 =	sadd.s32 $0x10, s2;
	v0 =	vand.u32 $0xC00, v0;
	v1 =	vor.u32 v26, v1;
	v41 =	vmul.f32 v22, v35;
	v22 =	vld.idx.msk [tilespmem:v27+s29+$0x0], $0xffff  }
0x14d: {  	(v2sf) =	vpush v19, $0xB;
	_ =	sdelay $0xa  }
0x14e: {  	v2 =	vshrl.u32 v25, $0x10  }
0x14f: {  	v0 =	vor.u32 v0, v1;
	v1 =	vmul.u32 $0x1DF, v2  }
0x150: {  	v2 =	vadd.s32 v24, v23;
	v23 =	vshrl.u32 v25, $0x7;
	v24 =	vshrl.u32 v25, $0x9  }
0x151: {  	v3 =	vld [tilespmem:$0x1FFE0];
	v1 =	vadd.s32 v1, v2;
	v2 =	vand.u32 $0xFFF000, v23;
	v23 =	vand.u32 $0x380, v24  }
0x152: {  	v24 =	vand.u32 $0x7F, v1;
	v1 =	vshll.u32 v1, $0x3;
	v2 =	vor.u32 v2, v23;
	s5 =	spop (v2sf)  }
0x153: {  	v23 =	vbroadcast v19, $0x4;
	v1 =	vand.u32 $0xC00, v1;
	v2 =	vor.u32 v24, v2;
	s5 =	sadd.s32 $0xFFFFFFF0, s5  }
0x154: {  	v1 =	vor.u32 v1, v2;
	v2 =	vadd.s32 s5, v6  }
0x155: {  	v24 =	vadd.s32 v16, v23;
	v25 =	vand.u32 $0x1FF, v2  }
0x156: {  	v27 =	vadd.s32 v6, v23;
	v24 =	vand.u32 $0x1FF, v24;
	v25 =	vor.u32 v3, v25  }
0x157: {  	v26 =	vld [tilespmem:s2+$0x0];
	s2 =	sadd.s32 $0x10, s2;
	v23 =	vadd.s32 v17, v23;
	v27 =	vand.u32 $0x1FF, v27;
	v35 =	vshll.u32 v25, $0x2  }
0x158: {  	v42 =	vld [tilespmem:s2+$0x0];
	s2 =	sadd.s32 $0x10, s2;
	v23 =	vand.u32 $0x1FF, v23;
	v2 =	vand.u32 $0x7, v2;
	v35 =	vand.u32 $0xFFFFEFE0, v35  }
0x159: {  	v43 =	vld [tilespmem:s2+$0x0];
	v2 =	vor.u32 v2, v35  }
0x15a: {  	v0 =	vld.idx.msk [tilespmem:v0+s29+$0x0], $0xffff;
	v35 =	vperm.xlane v2, v11  }
0x15b: {  	v37 =	vld.idx.msk [tilespmem:v24+s8+$0x0], $0xffff  }
0x15c: {  	v36 =	vld.idx.msk [tilespmem:v27+s8+$0x0], $0xffff;
	v24 =	vadd.s32 s5, v9;
	v27 =	vadd.s32 v12, v35  }
0x15d: {  	v35 =	vld.idx.msk [tilespmem:v23+s8+$0x0], $0xffff;
	v23 =	vand.u32 $0x1FF, v24;
	v24 =	vadd.s32 s5, v10  }
0x15e: {  	v1 =	vld.idx.msk [tilespmem:v1+s29+$0x0], $0xffff;
	v2 =	vperm.xlane v2, v13;
	[tilespmem:$0x180] =	vst v25;
	v23 =	vor.u32 v3, v23;
	v24 =	vand.u32 $0x1FF, v24  }
0x15f: {  	v39 =	vld [tilespmem:$0xCC20];
	[tilespmem:$0x190] =	vst v23;
	v23 =	vor.u32 v3, v24  }
0x160: {  	v38 =	vld [tilespmem:$0xCC30];
	s2 =	simm.s32 $0x0;
	v2 =	vadd.s32 v12, v2;
	[tilespmem:$0x191] =	vst v23  }
0x161: {  	v40 =	vld [tilespmem:$0xCC31];
	[tilespmem:s29], [sflag:$0x3] =	stream.indirect_vreg.gather [hbm4b:s1+s2], $0x80, v27, vm0, $0xb8  }
0x162: {  	s5 =	simm.s32 $0x8A00  }
0x163: {  	[tilespmem:s5], [sflag:$0x3] =	stream.indirect_vreg.gather [hbm4b:s6+s2], $0x80, v27, vm0, $0xb8;
	[tilespmem:$0xCD00] =	vst v63  }
0x164: {  	s5 =	simm.s32 $0x9200  }
0x165: {  	[tilespmem:s5], [sflag:$0x3] =	stream.indirect_vreg.gather [hbm4b:s1+s2], $0x80, v2, vm0, $0xb8;
	[tilespmem:$0xCD00] =	vst v63  }
0x166: {  	s5 =	simm.s32 $0x9A00  }
0x167: {  	[tilespmem:s5], [sflag:$0x3] =	stream.indirect_vreg.gather [hbm4b:s6+s2], $0x80, v2, vm0, $0xb8;
	[tilespmem:$0xCD00] =	vst v63  }
0x168: {  	v2 =	vld [tilespmem:$0x190];
	_ =	sdelay $0x4  }
0x169: {  	v23 =	vshll.u32 v2, $0x2  }
0x16a: {  	v2 =	vand.u32 $0x7, v2;
	v23 =	vand.u32 $0xFFFFFFE0, v23  }
0x16b: {  	v2 =	vor.u32 v2, v23  }
0x16c: {  	v23 =	vperm.xlane v2, v11;
	_ =	sdelay $0x1  }
0x16d: {  	v23 =	vadd.s32 v12, v23;
	_ =	sdelay $0x1  }
0x16e: {  	v2 =	vperm.xlane v2, v13;
	_ =	sdelay $0x1  }
0x16f: {  	s5 =	simm.s32 $0xA200;
	v2 =	vadd.s32 v12, v2  }
0x170: {  	[tilespmem:s5], [sflag:$0x3] =	stream.indirect_vreg.gather [hbm4b:s1+s2], $0x80, v23, vm0, $0xb8;
	[tilespmem:$0xCD00] =	vst v63  }
0x171: {  	s5 =	simm.s32 $0xAA00  }
0x172: {  	[tilespmem:s5], [sflag:$0x3] =	stream.indirect_vreg.gather [hbm4b:s6+s2], $0x80, v23, vm0, $0xb8;
	[tilespmem:$0xCD00] =	vst v63  }
0x173: {  	s5 =	simm.s32 $0xB200  }
0x174: {  	[tilespmem:s5], [sflag:$0x3] =	stream.indirect_vreg.gather [hbm4b:s1+s2], $0x80, v2, vm0, $0xb8;
	[tilespmem:$0xCD00] =	vst v63  }
0x175: {  	_ = 	snop  }
0x176: {  	[tilespmem:s7], [sflag:$0x3] =	stream.indirect_vreg.gather [hbm4b:s6+s2], $0x80, v2, vm0, $0xb8;
	[tilespmem:$0xCD00] =	vst v63  }
0x177: {  	v2 =	vld.msk [tilespmem:$0x1A0], $0x1;
	_ =	sdelay $0x4  }
0x178: {  	v23 =	vshll.u32 v2, $0x2  }
0x179: {  	v2 =	vand.u32 $0x7, v2;
	v23 =	vand.u32 $0xFFFFFFE0, v23  }
0x17a: {  	v21 =	vadd.f32 v41, v21;
	v2 =	vor.u32 v2, v23  }
0x17b: {  	v22 =	vmul.f32 v22, v26;
	v24 =	vor.u32 s2, v6;
	v2 =	vperm.xlane v2, v14  }
0x17c: {  	v25 =	vmul.u32 $0x7C2, v24  }
0x17d: {  	v21 =	vadd.f32 v22, v21;
	v2 =	vadd.s32 v15, v2  }
0x17e: {  	v0 =	vmul.f32 v0, v42;
	v22 =	vshrl.u32 v25, $0x10;
	v23 =	vbroadcast v20, $0x6  }
0x17f: {  	v62 =	vshrl.u32 v25, $0x7;
	v25 =	vshrl.u32 v25, $0x9;
	v22 =	vmul.u32 $0x1DF, v22;
	s5 =	simm.s32 $0x10  }
0x180: {  	v25 =	vand.u32 $0x380, v25;
	v26 =	vor.u32 s5, v6;
	v24 =	vadd.s32 v24, v23  }
0x181: {  	v27 =	vmul.u32 $0x7C2, v26;
	v22 =	vadd.s32 v22, v24;
	v24 =	vand.u32 $0xFFF000, v62  }
0x182: {  	v24 =	vor.u32 v24, v25;
	[tilespmem:s8], [sflag:$0x3] =	stream.indirect_vreg.gather [hbm4b:s1+s2], $0x80, v2, vm1, $0xb8;
	v2 =	vand.u32 $0x7F, v22;
	v22 =	vshll.u32 v22, $0x3;
	[tilespmem:$0xCD00] =	vst v63  }
0x183: {  	v0 =	vadd.f32 v0, v21;
	_ =	swait.ge [sflag:s30], $0x4000;
	v21 =	vand.u32 $0xC00, v22;
	v2 =	vor.u32 v2, v24  }
0x184: {  	v1 =	vmul.f32 v1, v43;
	s5 =	simm.s32 $0x20;
	v22 =	vshrl.u32 v27, $0x10;
	[sflag:s30] =	ssyncset.done $0x0;
	v2 =	vor.u32 v21, v2  }
0x185: {  	v25 =	vor.u32 s5, v6;
	v24 =	vshrl.u32 v27, $0x7;
	v21 =	vmul.u32 $0x1DF, v22;
	[sflag:s30] =	ssyncadd.s32 $0xFFFFC000  }
0x186: {  	v27 =	vshrl.u32 v27, $0x9;
	v22 =	vadd.s32 v26, v23;
	v26 =	vmul.u32 $0x7C2, v25;
	_ =	swait.ge [sflag:s30], $0x200  }
0x187: {  	v21 =	vadd.s32 v21, v22;
	v22 =	vand.u32 $0xFFF000, v24;
	v24 =	vand.u32 $0x380, v27;
	[sflag:s30] =	ssyncset.done $0x0  }
0x188: {  	v27 =	vand.u32 $0x7F, v21;
	v21 =	vshll.u32 v21, $0x3;
	v22 =	vor.u32 v22, v24;
	[sflag:s30] =	ssyncadd.s32 $0xFFFFFE00  }
0x189: {  	v41 =	vadd.f32 v1, v0;
	s5 =	simm.s32 $0x30;
	s2 =	simm.s32 $0xC800;
	v0 =	vand.u32 $0xC00, v21;
	v1 =	vor.u32 v27, v22;
	v2 =	vld.idx.msk [tilespmem:v2+s10+$0x0], $0xffff  }
0x18a: {  	v24 =	vor.u32 s5, v6;
	v22 =	vshrl.u32 v26, $0x10;
	v27 =	vor.u32 v0, v1;
	v63 =	vld [tilespmem:s2+$0x0]  }
0x18b: {  	v21 =	vimm.f32 $0.0e+00;
	v0 =	vmul.u32 $0x1DF, v22;
	v1 =	vadd.s32 v25, v23  }
0x18c: {  	v25 =	vmul.u32 $0x7C2, v24;
	v22 =	vshrl.u32 v26, $0x7;
	v26 =	vshrl.u32 v26, $0x9  }
0x18d: {  	v0 =	vadd.s32 v0, v1;
	v1 =	vand.u32 $0xFFF000, v22;
	v22 =	vand.u32 $0x380, v26  }
0x18e: {  	v26 =	vand.u32 $0x7F, v0;
	v0 =	vshll.u32 v0, $0x3;
	v1 =	vor.u32 v1, v22  }
0x18f: {  	s5 =	simm.s32 $0x40;
	s2 =	simm.s32 $0xC810;
	v0 =	vand.u32 $0xC00, v0;
	v1 =	vor.u32 v26, v1;
	v22 =	vld.idx.msk [tilespmem:v27+s10+$0x0], $0xffff;
	v48 =	vmul.f32 v2, v63  }
.LBB2_8:
0x190: {  	v2 =	vor.u32 s5, v6;
	v26 =	vshrl.u32 v25, $0x10;
	v27 =	vor.u32 v0, v1;
	v42 =	vld [tilespmem:s2+$0x0];
	p0 =	sne.s32 s5, $0x410  }
.Ltmp3:
0x191: {  	v1 =	vadd.s32 v24, v23;
	v0 =	vmul.u32 $0x1DF, v26;
	v21 =	vadd.f32 v48, v21;
	v24 =	vmovc v2;
	(pc) =	sbr.rel @p0 .LBB2_8-.Ltmp3, $4  }
0x192: {  	v2 =	vshrl.u32 v25, $0x7;
	v26 =	vshrl.u32 v25, $0x9;
	v25 =	vmul.u32 $0x7C2, v24  }
0x193: {  	s5 =	sadd.s32 $0x10, s5;
	v0 =	vadd.s32 v0, v1;
	v1 =	vand.u32 $0xFFF000, v2;
	v2 =	vand.u32 $0x380, v26  }
0x194: {  	v26 =	vand.u32 $0x7F, v0;
	v0 =	vshll.u32 v0, $0x3;
	v1 =	vor.u32 v1, v2  }
0x195: {  	s2 =	sadd.s32 $0x10, s2;
	v0 =	vand.u32 $0xC00, v0;
	v1 =	vor.u32 v26, v1;
	v48 =	vmul.f32 v22, v42;
	v22 =	vld.idx.msk [tilespmem:v27+s10+$0x0], $0xffff  }
0x196: {  	(v2sf) =	vpush v19, $0xD;
	_ =	sdelay $0xa  }
0x197: {  	v2 =	vshrl.u32 v25, $0x10  }
0x198: {  	v0 =	vor.u32 v0, v1;
	v1 =	vmul.u32 $0x1DF, v2  }
0x199: {  	v2 =	vadd.s32 v24, v23;
	v23 =	vshrl.u32 v25, $0x7;
	v24 =	vshrl.u32 v25, $0x9  }
0x19a: {  	v3 =	vld [tilespmem:$0x1FFF0];
	v1 =	vadd.s32 v1, v2;
	v2 =	vand.u32 $0xFFF000, v23;
	v23 =	vand.u32 $0x380, v24  }
0x19b: {  	v24 =	vand.u32 $0x7F, v1;
	v1 =	vshll.u32 v1, $0x3;
	v2 =	vor.u32 v2, v23;
	s5 =	spop (v2sf)  }
0x19c: {  	v23 =	vbroadcast v19, $0x6;
	v1 =	vand.u32 $0xC00, v1;
	v2 =	vor.u32 v24, v2;
	s5 =	sadd.s32 $0xFFFFFFF0, s5  }
0x19d: {  	v1 =	vor.u32 v1, v2;
	v2 =	vadd.s32 s5, v6  }
0x19e: {  	v24 =	vadd.s32 v16, v23;
	v25 =	vand.u32 $0x1FF, v2  }
0x19f: {  	v27 =	vadd.s32 v6, v23;
	v24 =	vand.u32 $0x1FF, v24;
	v25 =	vor.u32 v3, v25  }
0x1a0: {  	v26 =	vld [tilespmem:s2+$0x0];
	s2 =	sadd.s32 $0x10, s2;
	v23 =	vadd.s32 v17, v23;
	v27 =	vand.u32 $0x1FF, v27;
	v42 =	vshll.u32 v25, $0x2  }
0x1a1: {  	v49 =	vld [tilespmem:s2+$0x0];
	s2 =	sadd.s32 $0x10, s2;
	v23 =	vand.u32 $0x1FF, v23;
	v2 =	vand.u32 $0x7, v2;
	v42 =	vand.u32 $0xFFFFF7E0, v42  }
0x1a2: {  	v50 =	vld [tilespmem:s2+$0x0];
	v2 =	vor.u32 v2, v42  }
0x1a3: {  	v0 =	vld.idx.msk [tilespmem:v0+s10+$0x0], $0xffff;
	v42 =	vperm.xlane v2, v11  }
0x1a4: {  	v44 =	vld.idx.msk [tilespmem:v24+s18+$0x0], $0xffff  }
0x1a5: {  	v43 =	vld.idx.msk [tilespmem:v27+s18+$0x0], $0xffff;
	v24 =	vadd.s32 s5, v9;
	v27 =	vadd.s32 v12, v42  }
0x1a6: {  	v42 =	vld.idx.msk [tilespmem:v23+s18+$0x0], $0xffff;
	v23 =	vand.u32 $0x1FF, v24;
	v24 =	vadd.s32 s5, v10  }
0x1a7: {  	v1 =	vld.idx.msk [tilespmem:v1+s10+$0x0], $0xffff;
	v2 =	vperm.xlane v2, v13;
	[tilespmem:$0x80] =	vst v25;
	v23 =	vor.u32 v3, v23;
	v24 =	vand.u32 $0x1FF, v24  }
0x1a8: {  	v47 =	vld [tilespmem:$0xCC20];
	[tilespmem:$0x90] =	vst v23;
	v23 =	vor.u32 v3, v24  }
0x1a9: {  	v45 =	vld [tilespmem:$0xCC30];
	s2 =	simm.s32 $0x0;
	v2 =	vadd.s32 v12, v2;
	[tilespmem:$0x91] =	vst v23  }
0x1aa: {  	v46 =	vld [tilespmem:$0xCC31];
	[tilespmem:s10], [sflag:$0x1] =	stream.indirect_vreg.gather [hbm4b:s1+s2], $0x80, v27, vm0, $0xb8  }
0x1ab: {  	_ = 	snop  }
0x1ac: {  	[tilespmem:s11], [sflag:$0x1] =	stream.indirect_vreg.gather [hbm4b:s6+s2], $0x80, v27, vm0, $0xb8;
	[tilespmem:$0xCD00] =	vst v63  }
0x1ad: {  	_ = 	snop  }
0x1ae: {  	[tilespmem:s12], [sflag:$0x1] =	stream.indirect_vreg.gather [hbm4b:s1+s2], $0x80, v2, vm0, $0xb8;
	[tilespmem:$0xCD00] =	vst v63  }
0x1af: {  	_ = 	snop  }
0x1b0: {  	[tilespmem:s13], [sflag:$0x1] =	stream.indirect_vreg.gather [hbm4b:s6+s2], $0x80, v2, vm0, $0xb8;
	[tilespmem:$0xCD00] =	vst v63  }
0x1b1: {  	v2 =	vld [tilespmem:$0x90];
	_ =	sdelay $0x4  }
0x1b2: {  	v23 =	vshll.u32 v2, $0x2  }
0x1b3: {  	v2 =	vand.u32 $0x7, v2;
	v23 =	vand.u32 $0xFFFFFFE0, v23  }
0x1b4: {  	v2 =	vor.u32 v2, v23  }
0x1b5: {  	v23 =	vperm.xlane v2, v11;
	_ =	sdelay $0x1  }
0x1b6: {  	v23 =	vadd.s32 v12, v23;
	_ =	sdelay $0x1  }
0x1b7: {  	v2 =	vperm.xlane v2, v13;
	_ =	sdelay $0x1  }
0x1b8: {  	v2 =	vadd.s32 v12, v2  }
0x1b9: {  	[tilespmem:s14], [sflag:$0x1] =	stream.indirect_vreg.gather [hbm4b:s1+s2], $0x80, v23, vm0, $0xb8;
	[tilespmem:$0xCD00] =	vst v63  }
0x1ba: {  	_ = 	snop  }
0x1bb: {  	[tilespmem:s15], [sflag:$0x1] =	stream.indirect_vreg.gather [hbm4b:s6+s2], $0x80, v23, vm0, $0xb8;
	[tilespmem:$0xCD00] =	vst v63  }
0x1bc: {  	_ = 	snop  }
0x1bd: {  	[tilespmem:s16], [sflag:$0x1] =	stream.indirect_vreg.gather [hbm4b:s1+s2], $0x80, v2, vm0, $0xb8;
	[tilespmem:$0xCD00] =	vst v63  }
0x1be: {  	_ = 	snop  }
0x1bf: {  	[tilespmem:s17], [sflag:$0x1] =	stream.indirect_vreg.gather [hbm4b:s6+s2], $0x80, v2, vm0, $0xb8;
	[tilespmem:$0xCD00] =	vst v63  }
0x1c0: {  	v2 =	vld.msk [tilespmem:$0xA0], $0x1;
	_ =	sdelay $0x4  }
0x1c1: {  	v23 =	vshll.u32 v2, $0x2  }
0x1c2: {  	v2 =	vand.u32 $0x7, v2;
	v23 =	vand.u32 $0xFFFFFFE0, v23  }
0x1c3: {  	v21 =	vadd.f32 v48, v21;
	v2 =	vor.u32 v2, v23  }
0x1c4: {  	v22 =	vmul.f32 v22, v26;
	v24 =	vor.u32 s2, v6;
	v2 =	vperm.xlane v2, v14  }
0x1c5: {  	v25 =	vmul.u32 $0x7C2, v24  }
0x1c6: {  	v21 =	vadd.f32 v22, v21;
	v2 =	vadd.s32 v15, v2  }
0x1c7: {  	v0 =	vmul.f32 v0, v49;
	v22 =	vshrl.u32 v25, $0x10;
	v23 =	vbroadcast v20, $0x8  }
0x1c8: {  	s5 =	simm.s32 $0x10;
	v62 =	vshrl.u32 v25, $0x7;
	v25 =	vshrl.u32 v25, $0x9;
	v22 =	vmul.u32 $0x1DF, v22  }
0x1c9: {  	v26 =	vor.u32 s5, v6;
	v25 =	vand.u32 $0x380, v25;
	v24 =	vadd.s32 v24, v23  }
0x1ca: {  	v27 =	vmul.u32 $0x7C2, v26;
	v22 =	vadd.s32 v22, v24;
	v24 =	vand.u32 $0xFFF000, v62  }
0x1cb: {  	v24 =	vor.u32 v24, v25;
	[tilespmem:s18], [sflag:$0x1] =	stream.indirect_vreg.gather [hbm4b:s1+s2], $0x80, v2, vm1, $0xb8;
	v2 =	vand.u32 $0x7F, v22;
	v22 =	vshll.u32 v22, $0x3;
	[tilespmem:$0xCD00] =	vst v63  }
0x1cc: {  	v0 =	vadd.f32 v0, v21;
	_ =	swait.ge [sflag:s31], $0x4000;
	v21 =	vand.u32 $0xC00, v22;
	v2 =	vor.u32 v2, v24  }
0x1cd: {  	v1 =	vmul.f32 v1, v50;
	s5 =	simm.s32 $0x20;
	v22 =	vshrl.u32 v27, $0x10;
	[sflag:s31] =	ssyncset.done $0x0;
	v2 =	vor.u32 v21, v2  }
0x1ce: {  	v25 =	vor.u32 s5, v6;
	v24 =	vshrl.u32 v27, $0x7;
	v21 =	vmul.u32 $0x1DF, v22;
	[sflag:s31] =	ssyncadd.s32 $0xFFFFC000  }
0x1cf: {  	v27 =	vshrl.u32 v27, $0x9;
	v22 =	vadd.s32 v26, v23;
	v26 =	vmul.u32 $0x7C2, v25;
	_ =	swait.ge [sflag:s31], $0x200  }
0x1d0: {  	v21 =	vadd.s32 v21, v22;
	v22 =	vand.u32 $0xFFF000, v24;
	v24 =	vand.u32 $0x380, v27;
	[sflag:s31] =	ssyncset.done $0x0  }
0x1d1: {  	v27 =	vand.u32 $0x7F, v21;
	v21 =	vshll.u32 v21, $0x3;
	v22 =	vor.u32 v22, v24;
	[sflag:s31] =	ssyncadd.s32 $0xFFFFFE00  }
0x1d2: {  	v48 =	vadd.f32 v1, v0;
	s5 =	simm.s32 $0x30;
	s2 =	simm.s32 $0xC800;
	v0 =	vand.u32 $0xC00, v21;
	v1 =	vor.u32 v27, v22;
	v2 =	vld.idx.msk [tilespmem:v2+s19+$0x0], $0xffff  }
0x1d3: {  	v24 =	vor.u32 s5, v6;
	v22 =	vshrl.u32 v26, $0x10;
	v27 =	vor.u32 v0, v1;
	v63 =	vld [tilespmem:s2+$0x0]  }
0x1d4: {  	v21 =	vimm.f32 $0.0e+00;
	v0 =	vmul.u32 $0x1DF, v22;
	v1 =	vadd.s32 v25, v23  }
0x1d5: {  	v25 =	vmul.u32 $0x7C2, v24;
	v22 =	vshrl.u32 v26, $0x7;
	v26 =	vshrl.u32 v26, $0x9  }
0x1d6: {  	v0 =	vadd.s32 v0, v1;
	v1 =	vand.u32 $0xFFF000, v22;
	v22 =	vand.u32 $0x380, v26  }
0x1d7: {  	v26 =	vand.u32 $0x7F, v0;
	v0 =	vshll.u32 v0, $0x3;
	v1 =	vor.u32 v1, v22  }
0x1d8: {  	s5 =	simm.s32 $0x40;
	s2 =	simm.s32 $0xC810;
	v0 =	vand.u32 $0xC00, v0;
	v1 =	vor.u32 v26, v1;
	v22 =	vld.idx.msk [tilespmem:v27+s19+$0x0], $0xffff;
	v55 =	vmul.f32 v2, v63  }
.LBB2_10:
0x1d9: {  	v2 =	vor.u32 s5, v6;
	v26 =	vshrl.u32 v25, $0x10;
	v27 =	vor.u32 v0, v1;
	v49 =	vld [tilespmem:s2+$0x0];
	p0 =	sne.s32 s5, $0x410  }
.Ltmp4:
0x1da: {  	v1 =	vadd.s32 v24, v23;
	v0 =	vmul.u32 $0x1DF, v26;
	v21 =	vadd.f32 v55, v21;
	v24 =	vmovc v2;
	(pc) =	sbr.rel @p0 .LBB2_10-.Ltmp4, $4  }
0x1db: {  	v2 =	vshrl.u32 v25, $0x7;
	v26 =	vshrl.u32 v25, $0x9;
	v25 =	vmul.u32 $0x7C2, v24  }
0x1dc: {  	s5 =	sadd.s32 $0x10, s5;
	v0 =	vadd.s32 v0, v1;
	v1 =	vand.u32 $0xFFF000, v2;
	v2 =	vand.u32 $0x380, v26  }
0x1dd: {  	v26 =	vand.u32 $0x7F, v0;
	v0 =	vshll.u32 v0, $0x3;
	v1 =	vor.u32 v1, v2  }
0x1de: {  	s2 =	sadd.s32 $0x10, s2;
	v0 =	vand.u32 $0xC00, v0;
	v1 =	vor.u32 v26, v1;
	v55 =	vmul.f32 v22, v49;
	v22 =	vld.idx.msk [tilespmem:v27+s19+$0x0], $0xffff  }
0x1df: {  	(v2sf) =	vpush v19, $0xF;
	_ =	sdelay $0xa  }
0x1e0: {  	v2 =	vshrl.u32 v25, $0x10  }
0x1e1: {  	v0 =	vor.u32 v0, v1;
	v1 =	vmul.u32 $0x1DF, v2  }
0x1e2: {  	v2 =	vadd.s32 v24, v23;
	v23 =	vshrl.u32 v25, $0x7;
	v24 =	vshrl.u32 v25, $0x9  }
0x1e3: {  	v1 =	vadd.s32 v1, v2;
	v2 =	vand.u32 $0xFFF000, v23;
	v23 =	vand.u32 $0x380, v24  }
0x1e4: {  	v24 =	vand.u32 $0x7F, v1;
	v1 =	vshll.u32 v1, $0x3;
	v2 =	vor.u32 v2, v23;
	s5 =	spop (v2sf)  }
0x1e5: {  	v23 =	vbroadcast v19, $0x8;
	v1 =	vand.u32 $0xC00, v1;
	v2 =	vor.u32 v24, v2;
	s5 =	sadd.s32 $0xFFFFFFF0, s5  }
0x1e6: {  	v1 =	vor.u32 v1, v2;
	v2 =	vadd.s32 s5, v6  }
0x1e7: {  	v24 =	vadd.s32 v16, v23;
	v25 =	vand.u32 $0x1FF, v2  }
0x1e8: {  	v27 =	vadd.s32 v6, v23;
	v24 =	vand.u32 $0x1FF, v24;
	v25 =	vor.u32 v8, v25  }
0x1e9: {  	v26 =	vld [tilespmem:s2+$0x0];
	s2 =	sadd.s32 $0x10, s2;
	v23 =	vadd.s32 v17, v23;
	v27 =	vand.u32 $0x1FF, v27;
	v49 =	vshll.u32 v25, $0x2  }
0x1ea: {  	v56 =	vld [tilespmem:s2+$0x0];
	s2 =	sadd.s32 $0x10, s2;
	v23 =	vand.u32 $0x1FF, v23;
	v2 =	vand.u32 $0x7, v2;
	v49 =	vand.u32 $0xFFFFFFE0, v49  }
0x1eb: {  	v57 =	vld [tilespmem:s2+$0x0];
	v2 =	vor.u32 v2, v49  }
0x1ec: {  	v0 =	vld.idx.msk [tilespmem:v0+s19+$0x0], $0xffff;
	v50 =	vperm.xlane v2, v11  }
0x1ed: {  	v51 =	vld.idx.msk [tilespmem:v24+s28+$0x0], $0xffff  }
0x1ee: {  	v24 =	vadd.s32 s5, v9;
	v49 =	vld.idx.msk [tilespmem:v27+s28+$0x0], $0xffff;
	v27 =	vadd.s32 v12, v50  }
0x1ef: {  	v50 =	vld.idx.msk [tilespmem:v23+s28+$0x0], $0xffff;
	v23 =	vand.u32 $0x1FF, v24;
	v24 =	vadd.s32 s5, v10  }
0x1f0: {  	v1 =	vld.idx.msk [tilespmem:v1+s19+$0x0], $0xffff;
	v2 =	vperm.xlane v2, v13;
	[tilespmem:$0x100] =	vst v25;
	v23 =	vor.u32 v8, v23;
	v24 =	vand.u32 $0x1FF, v24  }
0x1f1: {  	v53 =	vld [tilespmem:$0xCC20];
	[tilespmem:$0x110] =	vst v23;
	v23 =	vor.u32 v8, v24  }
0x1f2: {  	v52 =	vld [tilespmem:$0xCC30];
	s2 =	simm.s32 $0x0;
	v2 =	vadd.s32 v12, v2;
	[tilespmem:$0x111] =	vst v23  }
0x1f3: {  	v54 =	vld [tilespmem:$0xCC31];
	[tilespmem:s19], [sflag:$0x2] =	stream.indirect_vreg.gather [hbm4b:s1+s2], $0x80, v27, vm0, $0xb8  }
0x1f4: {  	_ = 	snop  }
0x1f5: {  	[tilespmem:s20], [sflag:$0x2] =	stream.indirect_vreg.gather [hbm4b:s6+s2], $0x80, v27, vm0, $0xb8;
	[tilespmem:$0xCD00] =	vst v63  }
0x1f6: {  	_ = 	snop  }
0x1f7: {  	[tilespmem:s21], [sflag:$0x2] =	stream.indirect_vreg.gather [hbm4b:s1+s2], $0x80, v2, vm0, $0xb8;
	[tilespmem:$0xCD00] =	vst v63  }
0x1f8: {  	_ = 	snop  }
0x1f9: {  	[tilespmem:s22], [sflag:$0x2] =	stream.indirect_vreg.gather [hbm4b:s6+s2], $0x80, v2, vm0, $0xb8;
	[tilespmem:$0xCD00] =	vst v63  }
0x1fa: {  	v2 =	vld [tilespmem:$0x110];
	_ =	sdelay $0x4  }
0x1fb: {  	v23 =	vshll.u32 v2, $0x2  }
0x1fc: {  	v2 =	vand.u32 $0x7, v2;
	v23 =	vand.u32 $0xFFFFFFE0, v23  }
0x1fd: {  	v2 =	vor.u32 v2, v23  }
0x1fe: {  	v23 =	vperm.xlane v2, v11;
	_ =	sdelay $0x1  }
0x1ff: {  	v23 =	vadd.s32 v12, v23;
	_ =	sdelay $0x1  }
0x200: {  	v2 =	vperm.xlane v2, v13;
	_ =	sdelay $0x1  }
0x201: {  	v2 =	vadd.s32 v12, v2  }
0x202: {  	[tilespmem:s23], [sflag:$0x2] =	stream.indirect_vreg.gather [hbm4b:s1+s2], $0x80, v23, vm0, $0xb8;
	[tilespmem:$0xCD00] =	vst v63  }
0x203: {  	_ = 	snop  }
0x204: {  	[tilespmem:s24], [sflag:$0x2] =	stream.indirect_vreg.gather [hbm4b:s6+s2], $0x80, v23, vm0, $0xb8;
	[tilespmem:$0xCD00] =	vst v63  }
0x205: {  	_ = 	snop  }
0x206: {  	[tilespmem:s25], [sflag:$0x2] =	stream.indirect_vreg.gather [hbm4b:s1+s2], $0x80, v2, vm0, $0xb8;
	[tilespmem:$0xCD00] =	vst v63  }
0x207: {  	_ = 	snop  }
0x208: {  	[tilespmem:s26], [sflag:$0x2] =	stream.indirect_vreg.gather [hbm4b:s6+s2], $0x80, v2, vm0, $0xb8;
	[tilespmem:$0xCD00] =	vst v63  }
0x209: {  	v2 =	vld.msk [tilespmem:$0x120], $0x1;
	_ =	sdelay $0x4  }
0x20a: {  	v23 =	vshll.u32 v2, $0x2  }
0x20b: {  	v2 =	vand.u32 $0x7, v2;
	v23 =	vand.u32 $0xFFFFFFE0, v23  }
0x20c: {  	v2 =	vor.u32 v2, v23  }
0x20d: {  	v23 =	vor.u32 s2, v6;
	v2 =	vperm.xlane v2, v14  }
0x20e: {  	v22 =	vmul.f32 v22, v26;
	s5 =	simm.s32 $0x10;
	v24 =	vadd.f32 v55, v21;
	v25 =	vmul.u32 $0x7C2, v23  }
0x20f: {  	v26 =	vor.u32 s5, v6;
	v2 =	vadd.s32 v15, v2  }
0x210: {  	v21 =	vbroadcast v20, $0xA;
	v22 =	vadd.f32 v22, v24;
	v24 =	vshrl.u32 v25, $0x10  }
0x211: {  	v0 =	vmul.f32 v0, v56;
	v27 =	vmul.u32 $0x7C2, v26;
	v24 =	vmul.u32 $0x1DF, v24  }
0x212: {  	v23 =	vadd.s32 v23, v21;
	v62 =	vshrl.u32 v25, $0x7;
	v25 =	vshrl.u32 v25, $0x9  }
0x213: {  	v25 =	vand.u32 $0x380, v25;
	v23 =	vadd.s32 v24, v23;
	v24 =	vand.u32 $0xFFF000, v62  }
0x214: {  	v24 =	vor.u32 v24, v25;
	[tilespmem:s28], [sflag:$0x2] =	stream.indirect_vreg.gather [hbm4b:s1+s2], $0x80, v2, vm1, $0xb8;
	v2 =	vand.u32 $0x7F, v23;
	v23 =	vshll.u32 v23, $0x3;
	[tilespmem:$0xCD00] =	vst v63  }
0x215: {  	v0 =	vadd.f32 v0, v22;
	_ =	swait.ge [sflag:s0], $0x4000;
	v22 =	vand.u32 $0xC00, v23;
	v2 =	vor.u32 v2, v24  }
0x216: {  	v1 =	vmul.f32 v1, v57;
	s5 =	simm.s32 $0x20;
	v23 =	vshrl.u32 v27, $0x10;
	[sflag:s0] =	ssyncset.done $0x0;
	v2 =	vor.u32 v22, v2  }
0x217: {  	v25 =	vor.u32 s5, v6;
	v24 =	vshrl.u32 v27, $0x7;
	v22 =	vmul.u32 $0x1DF, v23;
	[sflag:s0] =	ssyncadd.s32 $0xFFFFC000  }
0x218: {  	v27 =	vshrl.u32 v27, $0x9;
	v23 =	vadd.s32 v26, v21;
	v26 =	vmul.u32 $0x7C2, v25;
	_ =	swait.ge [sflag:s0], $0x200  }
0x219: {  	v22 =	vadd.s32 v22, v23;
	v23 =	vand.u32 $0xFFF000, v24;
	v24 =	vand.u32 $0x380, v27;
	[sflag:s0] =	ssyncset.done $0x0  }
0x21a: {  	v27 =	vand.u32 $0x7F, v22;
	v22 =	vshll.u32 v22, $0x3;
	v23 =	vor.u32 v23, v24;
	[sflag:s0] =	ssyncadd.s32 $0xFFFFFE00  }
0x21b: {  	v55 =	vadd.f32 v1, v0;
	s5 =	simm.s32 $0x30;
	s2 =	simm.s32 $0xC800;
	v0 =	vand.u32 $0xC00, v22;
	v1 =	vor.u32 v27, v23;
	v2 =	vld.idx.msk [tilespmem:v2+s29+$0x0], $0xffff  }
0x21c: {  	v24 =	vor.u32 s5, v6;
	v23 =	vshrl.u32 v26, $0x10;
	v27 =	vor.u32 v0, v1;
	v63 =	vld [tilespmem:s2+$0x0]  }
0x21d: {  	v22 =	vimm.f32 $0.0e+00;
	v0 =	vmul.u32 $0x1DF, v23;
	v1 =	vadd.s32 v25, v21  }
0x21e: {  	v25 =	vmul.u32 $0x7C2, v24;
	v23 =	vshrl.u32 v26, $0x7;
	v26 =	vshrl.u32 v26, $0x9  }
0x21f: {  	v0 =	vadd.s32 v0, v1;
	v1 =	vand.u32 $0xFFF000, v23;
	v23 =	vand.u32 $0x380, v26  }
0x220: {  	v26 =	vand.u32 $0x7F, v0;
	v0 =	vshll.u32 v0, $0x3;
	v1 =	vor.u32 v1, v23  }
0x221: {  	s5 =	simm.s32 $0x40;
	s2 =	simm.s32 $0xC810;
	v0 =	vand.u32 $0xC00, v0;
	v1 =	vor.u32 v26, v1;
	v23 =	vld.idx.msk [tilespmem:v27+s29+$0x0], $0xffff;
	v26 =	vmul.f32 v2, v63  }
.LBB2_12:
0x222: {  	v2 =	vor.u32 s5, v6;
	v27 =	vshrl.u32 v25, $0x10;
	v56 =	vor.u32 v0, v1;
	v57 =	vld [tilespmem:s2+$0x0];
	p0 =	sne.s32 s5, $0x410  }
.Ltmp5:
0x223: {  	v1 =	vadd.s32 v24, v21;
	v0 =	vmul.u32 $0x1DF, v27;
	v22 =	vadd.f32 v26, v22;
	v24 =	vmovc v2;
	(pc) =	sbr.rel @p0 .LBB2_12-.Ltmp5, $4  }
0x224: {  	v2 =	vshrl.u32 v25, $0x7;
	v26 =	vshrl.u32 v25, $0x9;
	v25 =	vmul.u32 $0x7C2, v24  }
0x225: {  	s5 =	sadd.s32 $0x10, s5;
	v0 =	vadd.s32 v0, v1;
	v1 =	vand.u32 $0xFFF000, v2;
	v2 =	vand.u32 $0x380, v26  }
0x226: {  	v26 =	vand.u32 $0x7F, v0;
	v0 =	vshll.u32 v0, $0x3;
	v1 =	vor.u32 v1, v2  }
0x227: {  	s2 =	sadd.s32 $0x10, s2;
	v0 =	vand.u32 $0xC00, v0;
	v1 =	vor.u32 v26, v1;
	v26 =	vmul.f32 v23, v57;
	v23 =	vld.idx.msk [tilespmem:v56+s29+$0x0], $0xffff  }
0x228: {  	v2 =	vshrl.u32 v25, $0x10  }
0x229: {  	v0 =	vor.u32 v0, v1;
	v1 =	vmul.u32 $0x1DF, v2  }
0x22a: {  	v2 =	vadd.s32 v24, v21;
	v21 =	vshrl.u32 v25, $0x7;
	v24 =	vshrl.u32 v25, $0x9  }
0x22b: {  	v1 =	vadd.s32 v1, v2;
	v2 =	vand.u32 $0xFFF000, v21;
	v21 =	vand.u32 $0x380, v24  }
0x22c: {  	v24 =	vand.u32 $0x7F, v1;
	v1 =	vshll.u32 v1, $0x3;
	v2 =	vor.u32 v2, v21  }
0x22d: {  	v21 =	vld [tilespmem:s2+$0x0];
	v1 =	vand.u32 $0xC00, v1;
	v2 =	vor.u32 v24, v2  }
0x22e: {  	s2 =	sadd.s32 $0x10, s2;
	v0 =	vld.idx.msk [tilespmem:v0+s29+$0x0], $0xffff;
	v1 =	vor.u32 v1, v2;
	v2 =	vbroadcast v19, $0xA  }
0x22f: {  	v25 =	vld [tilespmem:s2+$0x0]  }
0x230: {  	s5 =	simm.s32 $0x0;
	v22 =	vadd.f32 v26, v22;
	v24 =	vadd.s32 v16, v2;
	v27 =	vadd.s32 v6, v2  }
0x231: {  	v24 =	vand.u32 $0x1FF, v24;
	v26 =	vand.u32 $0x1FF, v27;
	v27 =	vor.u32 s5, v6  }
0x232: {  	v56 =	vld [tilespmem:$0xCC20];
	s2 =	sadd.s32 $0x10, s2;
	v2 =	vadd.s32 v17, v2;
	v23 =	vmul.f32 v23, v21;
	v58 =	vmul.u32 $0x7C2, v27  }
0x233: {  	v62 =	vld [tilespmem:s2+$0x0];
	v2 =	vand.u32 $0x1FF, v2;
	v21 =	vbroadcast v20, $0xC  }
0x234: {  	v0 =	vmul.f32 v0, v25;
	v1 =	vld.idx.msk [tilespmem:v1+s29+$0x0], $0xffff;
	v22 =	vadd.f32 v23, v22;
	v23 =	vshrl.u32 v58, $0x10  }
0x235: {  	v57 =	vld [tilespmem:$0xCC30];
	s5 =	simm.s32 $0x10;
	v25 =	vadd.s32 v27, v21;
	v27 =	vshrl.u32 v58, $0x7;
	v23 =	vmul.u32 $0x1DF, v23  }
0x236: {  	v58 =	vshrl.u32 v58, $0x9;
	v0 =	vadd.f32 v0, v22;
	v59 =	vld.idx.msk [tilespmem:v24+s8+$0x0], $0xffff;
	v24 =	vor.u32 s5, v6  }
0x237: {  	v60 =	vld.idx.msk [tilespmem:v26+s8+$0x0], $0xffff;
	v26 =	vmul.u32 $0x7C2, v24;
	v23 =	vadd.s32 v23, v25;
	v25 =	vand.u32 $0xFFF000, v27  }
0x238: {  	v27 =	vand.u32 $0x380, v58;
	v58 =	vld.idx.msk [tilespmem:v2+s8+$0x0], $0xffff;
	v2 =	vand.u32 $0x7F, v23;
	v23 =	vshll.u32 v23, $0x3  }
0x239: {  	v61 =	vld [tilespmem:$0xCC31];
	s5 =	simm.s32 $0x20;
	_ =	swait.ge [sflag:s30], $0x4000;
	v25 =	vor.u32 v25, v27;
	v1 =	vmul.f32 v1, v62;
	v22 =	vand.u32 $0xC00, v23  }
0x23a: {  	[sflag:s30] =	ssyncset.done $0x0;
	v2 =	vor.u32 v2, v25;
	v23 =	vshrl.u32 v26, $0x10;
	v25 =	vor.u32 s5, v6  }
0x23b: {  	[sflag:s30] =	ssyncadd.s32 $0xFFFFC000;
	v2 =	vor.u32 v22, v2;
	v22 =	vmul.u32 $0x1DF, v23;
	v23 =	vadd.s32 v24, v21  }
0x23c: {  	_ =	swait.ge [sflag:s30], $0x200;
	v27 =	vmul.u32 $0x7C2, v25;
	v24 =	vshrl.u32 v26, $0x7;
	v26 =	vshrl.u32 v26, $0x9  }
0x23d: {  	[sflag:s30] =	ssyncset.done $0x0;
	v22 =	vadd.s32 v22, v23;
	v23 =	vand.u32 $0xFFF000, v24;
	v24 =	vand.u32 $0x380, v26  }
0x23e: {  	s2 =	simm.s32 $0xC800;
	[sflag:s30] =	ssyncadd.s32 $0xFFFFFE00;
	v26 =	vand.u32 $0x7F, v22;
	v22 =	vshll.u32 v22, $0x3;
	v23 =	vor.u32 v23, v24  }
0x23f: {  	s5 =	simm.s32 $0x30;
	v62 =	vadd.f32 v1, v0;
	v63 =	vld [tilespmem:s2+$0x0];
	v0 =	vand.u32 $0xC00, v22;
	v1 =	vor.u32 v26, v23  }
0x240: {  	v24 =	vor.u32 s5, v6;
	v23 =	vshrl.u32 v27, $0x10;
	v2 =	vld.idx.msk [tilespmem:v2+s10+$0x0], $0xffff;
	v0 =	vor.u32 v0, v1  }
0x241: {  	v22 =	vimm.f32 $0.0e+00;
	v26 =	vshrl.u32 v27, $0x7;
	v1 =	vmul.u32 $0x1DF, v23  }
0x242: {  	v27 =	vshrl.u32 v27, $0x9;
	v23 =	vadd.s32 v25, v21;
	v25 =	vmul.u32 $0x7C2, v24  }
0x243: {  	v1 =	vadd.s32 v1, v23;
	v23 =	vand.u32 $0xFFF000, v26;
	v26 =	vand.u32 $0x380, v27  }
0x244: {  	v27 =	vand.u32 $0x7F, v1;
	v1 =	vshll.u32 v1, $0x3;
	v23 =	vor.u32 v23, v26  }
0x245: {  	s5 =	simm.s32 $0x40;
	s2 =	simm.s32 $0xC810;
	v26 =	vand.u32 $0xC00, v1;
	v1 =	vor.u32 v27, v23;
	v23 =	vld.idx.msk [tilespmem:v0+s10+$0x0], $0xffff;
	v0 =	vmul.f32 v2, v63  }
.LBB2_14:
0x246: {  	v2 =	vor.u32 s5, v6;
	v27 =	vshrl.u32 v25, $0x10;
	v63 =	vor.u32 v26, v1;
	v3 =	vld [tilespmem:s2+$0x0];
	p0 =	sne.s32 s5, $0x410  }
.Ltmp6:
0x247: {  	v26 =	vadd.s32 v24, v21;
	v1 =	vmul.u32 $0x1DF, v27;
	v22 =	vadd.f32 v0, v22;
	v24 =	vmovc v2;
	(pc) =	sbr.rel @p0 .LBB2_14-.Ltmp6, $4  }
0x248: {  	v0 =	vshrl.u32 v25, $0x7;
	v2 =	vshrl.u32 v25, $0x9;
	v25 =	vmul.u32 $0x7C2, v24  }
0x249: {  	s5 =	sadd.s32 $0x10, s5;
	v0 =	vand.u32 $0xFFF000, v0;
	v2 =	vand.u32 $0x380, v2;
	v1 =	vadd.s32 v1, v26  }
0x24a: {  	v0 =	vor.u32 v0, v2;
	v27 =	vand.u32 $0x7F, v1;
	v1 =	vshll.u32 v1, $0x3  }
0x24b: {  	s2 =	sadd.s32 $0x10, s2;
	v26 =	vand.u32 $0xC00, v1;
	v1 =	vor.u32 v27, v0;
	v0 =	vmul.f32 v23, v3;
	v23 =	vld.idx.msk [tilespmem:v63+s10+$0x0], $0xffff  }
0x24c: {  	v2 =	vshrl.u32 v25, $0x10  }
0x24d: {  	v2 =	vmul.u32 $0x1DF, v2  }
0x24e: {  	v1 =	vor.u32 v26, v1;
	v3 =	vld [tilespmem:s2+$0x0];
	v21 =	vadd.s32 v24, v21  }
0x24f: {  	v24 =	vshrl.u32 v25, $0x7;
	v25 =	vshrl.u32 v25, $0x9;
	v2 =	vadd.s32 v2, v21  }
0x250: {  	v21 =	vand.u32 $0xFFF000, v24;
	v24 =	vand.u32 $0x380, v25;
	v25 =	vand.u32 $0x7F, v2  }
0x251: {  	v2 =	vshll.u32 v2, $0x3;
	v21 =	vor.u32 v21, v24;
	v24 =	vbroadcast v19, $0xC  }
0x252: {  	v0 =	vadd.f32 v0, v22;
	v2 =	vand.u32 $0xC00, v2;
	v21 =	vor.u32 v25, v21  }
0x253: {  	s2 =	sadd.s32 $0x10, s2;
	s5 =	simm.s32 $0x0;
	v1 =	vld.idx.msk [tilespmem:v1+s10+$0x0], $0xffff;
	v3 =	vmul.f32 v23, v3;
	v2 =	vor.u32 v2, v21;
	v22 =	vadd.s32 v16, v24  }
0x254: {  	v25 =	vor.u32 s5, v6;
	v21 =	vld [tilespmem:s2+$0x0];
	v23 =	vadd.s32 v6, v24;
	v22 =	vand.u32 $0x1FF, v22  }
0x255: {  	v26 =	vand.u32 $0x1FF, v23;
	v23 =	vadd.s32 v17, v24;
	v24 =	vmul.u32 $0x7C2, v25  }
0x256: {  	s5 =	simm.s32 $0x10;
	s2 =	sadd.s32 $0x10, s2;
	v27 =	vand.u32 $0x1FF, v23;
	v23 =	vbroadcast v20, $0xE  }
0x257: {  	v5 =	vor.u32 s5, v6;
	v0 =	vadd.f32 v3, v0;
	v4 =	vld [tilespmem:s2+$0x0];
	v3 =	vshrl.u32 v24, $0x10  }
0x258: {  	v3 =	vmul.u32 $0x1DF, v3;
	v20 =	vadd.s32 v25, v23;
	v25 =	vshrl.u32 v24, $0x7;
	v2 =	vld.idx.msk [tilespmem:v2+s10+$0x0], $0xffff  }
0x259: {  	v24 =	vshrl.u32 v24, $0x9;
	v1 =	vmul.f32 v1, v21;
	v25 =	vand.u32 $0xFFF000, v25  }
0x25a: {  	v24 =	vand.u32 $0x380, v24;
	v21 =	vld.idx.msk [tilespmem:v22+s18+$0x0], $0xffff;
	v22 =	vmul.u32 $0x7C2, v5;
	v3 =	vadd.s32 v3, v20  }
0x25b: {  	v63 =	vld.idx.msk [tilespmem:v26+s18+$0x0], $0xffff;
	v24 =	vor.u32 v25, v24;
	v26 =	vand.u32 $0x7F, v3;
	v3 =	vshll.u32 v3, $0x3  }
0x25c: {  	v20 =	vld.idx.msk [tilespmem:v27+s18+$0x0], $0xffff;
	v0 =	vadd.f32 v1, v0;
	_ =	swait.ge [sflag:s31], $0x4000;
	v1 =	vand.u32 $0xC00, v3;
	v3 =	vor.u32 v26, v24  }
0x25d: {  	s5 =	simm.s32 $0x20;
	[sflag:s31] =	ssyncset.done $0x0;
	v1 =	vor.u32 v1, v3;
	v2 =	vmul.f32 v2, v4;
	v4 =	vshrl.u32 v22, $0x10  }
0x25e: {  	v5 =	vadd.s32 v5, v23;
	[sflag:s31] =	ssyncadd.s32 $0xFFFFC000;
	v3 =	vor.u32 s5, v6;
	v4 =	vmul.u32 $0x1DF, v4  }
0x25f: {  	v24 =	vshrl.u32 v22, $0x7;
	_ =	swait.ge [sflag:s31], $0x200;
	v25 =	vmul.u32 $0x7C2, v3;
	v22 =	vshrl.u32 v22, $0x9  }
0x260: {  	[sflag:s31] =	ssyncset.done $0x0;
	v22 =	vand.u32 $0x380, v22;
	v4 =	vadd.s32 v4, v5;
	v5 =	vand.u32 $0xFFF000, v24  }
0x261: {  	[sflag:s31] =	ssyncadd.s32 $0xFFFFFE00;
	v24 =	vand.u32 $0x7F, v4;
	v4 =	vshll.u32 v4, $0x3;
	v5 =	vor.u32 v5, v22  }
0x262: {  	s2 =	simm.s32 $0xC800;
	s5 =	simm.s32 $0x30;
	v22 =	vadd.f32 v2, v0;
	v0 =	vand.u32 $0xC00, v4;
	v2 =	vor.u32 v24, v5;
	v4 =	vld.idx.msk [tilespmem:v1+s19+$0x0], $0xffff  }
0x263: {  	v26 =	vor.u32 s5, v6;
	v1 =	vshrl.u32 v25, $0x10;
	v5 =	vld [tilespmem:s2+$0x0];
	v0 =	vor.u32 v0, v2  }
0x264: {  	v27 =	vmul.u32 $0x7C2, v26;
	v24 =	vimm.f32 $0.0e+00;
	v1 =	vmul.u32 $0x1DF, v1  }
0x265: {  	v2 =	vadd.s32 v3, v23;
	v3 =	vshrl.u32 v25, $0x7;
	v25 =	vshrl.u32 v25, $0x9  }
0x266: {  	v1 =	vadd.s32 v1, v2;
	v2 =	vand.u32 $0xFFF000, v3;
	v3 =	vand.u32 $0x380, v25  }
0x267: {  	v25 =	vand.u32 $0x7F, v1;
	v1 =	vshll.u32 v1, $0x3;
	v2 =	vor.u32 v2, v3  }
0x268: {  	s5 =	simm.s32 $0x40;
	s2 =	simm.s32 $0xC810;
	v1 =	vand.u32 $0xC00, v1;
	v2 =	vor.u32 v25, v2;
	v25 =	vld.idx.msk [tilespmem:v0+s19+$0x0], $0xffff;
	v0 =	vmul.f32 v4, v5  }
.LBB2_16:
0x269: {  	v3 =	vor.u32 s5, v6;
	v4 =	vshrl.u32 v27, $0x10;
	v5 =	vor.u32 v1, v2;
	v7 =	vld [tilespmem:s2+$0x0];
	p0 =	sne.s32 s5, $0x410  }
.Ltmp7:
0x26a: {  	v2 =	vadd.s32 v26, v23;
	v1 =	vmul.u32 $0x1DF, v4;
	v24 =	vadd.f32 v0, v24;
	v26 =	vmovc v3;
	(pc) =	sbr.rel @p0 .LBB2_16-.Ltmp7, $4  }
0x26b: {  	v0 =	vshrl.u32 v27, $0x7;
	v3 =	vshrl.u32 v27, $0x9;
	v27 =	vmul.u32 $0x7C2, v26  }
0x26c: {  	s5 =	sadd.s32 $0x10, s5;
	v0 =	vand.u32 $0xFFF000, v0;
	v1 =	vadd.s32 v1, v2;
	v2 =	vand.u32 $0x380, v3  }
0x26d: {  	v3 =	vand.u32 $0x7F, v1;
	v1 =	vshll.u32 v1, $0x3;
	v0 =	vor.u32 v0, v2  }
0x26e: {  	s2 =	sadd.s32 $0x10, s2;
	v1 =	vand.u32 $0xC00, v1;
	v2 =	vor.u32 v3, v0;
	v0 =	vmul.f32 v25, v7;
	v25 =	vld.idx.msk [tilespmem:v5+s19+$0x0], $0xffff  }
0x26f: {  	v3 =	vshrl.u32 v27, $0x10;
	v1 =	vor.u32 v1, v2  }
0x270: {  	v26 =	vadd.s32 v26, v23;
	v4 =	vshrl.u32 v27, $0x7;
	v5 =	vshrl.u32 v27, $0x9;
	v23 =	vld [tilespmem:s2+$0x0]  }
0x271: {  	s5 =	sadd.s32 $0x10, s2;
	v7 =	vld [tilespmem:$0x1FF20];
	v2 =	vmul.u32 $0x1DF, v3;
	v27 =	vand.u32 $0xFFF000, v4;
	v4 =	vand.u32 $0x380, v5  }
0x272: {  	v3 =	vor.u32 v27, v4;
	v4 =	vld [tilespmem:s5+$0x0]  }
0x273: {  	v2 =	vadd.s32 v2, v26;
	v26 =	vld [tilespmem:$0x1FF50]  }
0x274: {  	v1 =	vld.idx.msk [tilespmem:v1+s19+$0x0], $0xffff  }
0x275: {  	v27 =	vld [tilespmem:$0x1FF80]  }
0x276: {  	v5 =	vand.u32 $0x7F, v2;
	v2 =	vshll.u32 v2, $0x3  }
0x277: {  	v0 =	vadd.f32 v0, v24;
	v2 =	vand.u32 $0xC00, v2;
	v3 =	vor.u32 v5, v3  }
0x278: {  	v2 =	vor.u32 v2, v3;
	v3 =	vmul.f32 v25, v23;
	v7 =	vmul.f32 v7, v26  }
0x279: {  	v1 =	vmul.f32 v1, v4;
	v4 =	vld [tilespmem:$0x1FF30]  }
0x27a: {  	v0 =	vadd.f32 v3, v0;
	v3 =	vadd.f32 v7, v27;
	v7 =	vld [tilespmem:$0x1FF60];
	_ =	sdelay $0x4  }
0x27b: {  	v4 =	vmul.f32 v4, v7;
	v7 =	vld [tilespmem:$0x1FF70];
	_ =	sdelay $0x1  }
0x27c: {  	v3 =	vadd.f32 v4, v3;
	v4 =	vld [tilespmem:$0x1FF40]  }
0x27d: {  	s2 =	sadd.s32 $0x10, s5  }
0x27e: {  	v21 =	vmul.f32 v21, v56;
	v5 =	vld [tilespmem:s2+$0x0]  }
0x27f: {  	v2 =	vld.idx.msk [tilespmem:v2+s19+$0x0], $0xffff;
	v7 =	vmul.f32 v18, v7  }
0x280: {  	v30 =	vmul.f32 v30, v32;
	v21 =	vadd.f32 v21, v22  }
0x281: {  	v0 =	vadd.f32 v1, v0;
	v4 =	vmul.f32 v7, v4;
	v7 =	vbroadcast v19, $0xE  }
0x282: {  	v1 =	vadd.f32 v30, v34;
	v34 =	vmul.f32 v36, v38;
	v38 =	vmul.f32 v43, v45  }
0x283: {  	v43 =	vmul.f32 v59, v56;
	v32 =	vadd.f32 v4, v3;
	v4 =	vadd.s32 v16, v7  }
0x284: {  	v2 =	vmul.f32 v2, v5;
	v5 =	vmul.f32 v29, v33;
	v4 =	vand.u32 $0x1FF, v4  }
0x285: {  	v45 =	vmul.f32 v60, v57;
	v23 =	vadd.f32 v43, v62;
	v36 =	vadd.s32 v6, v7  }
0x286: {  	v1 =	vadd.f32 v5, v1;
	v5 =	vmul.f32 v18, v31;
	v24 =	vand.u32 $0x1FF, v36  }
0x287: {  	v33 =	vmul.f32 v37, v39;
	v37 =	vmul.f32 v18, v40;
	v7 =	vadd.s32 v17, v7  }
0x288: {  	v39 =	vmul.f32 v18, v46;
	v5 =	vmul.f32 v5, v28;
	v7 =	vand.u32 $0x1FF, v7  }
0x289: {  	v46 =	vmul.f32 v18, v61;
	v0 =	vadd.f32 v2, v0;
	v40 =	vmul.f32 v37, v35;
	v4 =	vld.idx.msk [tilespmem:v4+s28+$0x0], $0xffff  }
0x28a: {  	v19 =	vmul.f32 v44, v47;
	v1 =	vadd.f32 v5, v1;
	v5 =	vmul.f32 v51, v53  }
0x28b: {  	v44 =	vmul.f32 v49, v52;
	v47 =	vadd.f32 v45, v23;
	v3 =	vadd.f32 v33, v41;
	v24 =	vld.idx.msk [tilespmem:v24+s28+$0x0], $0xffff  }
0x28c: {  	v49 =	vmul.f32 v46, v58;
	v19 =	vadd.f32 v19, v48;
	v41 =	vmul.f32 v39, v42  }
0x28d: {  	v42 =	vmul.f32 v18, v54;
	v5 =	vadd.f32 v5, v55;
	v3 =	vadd.f32 v34, v3;
	v7 =	vld.idx.msk [tilespmem:v7+s28+$0x0], $0xffff  }
0x28e: {  	v48 =	vmul.f32 v63, v57;
	v19 =	vadd.f32 v38, v19;
	v4 =	vmul.f32 v4, v56  }
0x28f: {  	v26 =	vmul.f32 v42, v50;
	v5 =	vadd.f32 v44, v5;
	(xrf2) =	vadd.scan.msk.f32 $0xffff, v32;
	v3 =	vadd.f32 v40, v3  }
0x290: {  	(xrf2) =	vadd.scan.msk.f32 $0xffff, v1;
	v19 =	vadd.f32 v41, v19;
	v0 =	vadd.f32 v4, v0;
	v4 =	vmul.f32 v24, v57  }
0x291: {  	v20 =	vmul.f32 v20, v46;
	v50 =	vadd.f32 v26, v5;
	v5 =	vadd.f32 v48, v21;
	(xrf2) =	vadd.scan.msk.f32 $0xffff, v3  }
0x292: {  	v1 =	vadd.f32 v49, v47;
	(xrf2) =	vadd.scan.msk.f32 $0xffff, v19;
	v51 =	vmul.f32 v7, v46;
	v0 =	vadd.f32 v4, v0  }
0x293: {  	v52 =	vadd.f32 v20, v5;
	(xrf2) =	vadd.scan.msk.f32 $0xffff, v50  }
0x294: {  	(xrf2) =	vadd.scan.msk.f32 $0xffff, v1;
	v0 =	vadd.f32 v51, v0  }
0x295: {  	(xrf2) =	vadd.scan.msk.f32 $0xffff, v52  }
0x296: {  	(xrf2) =	vadd.scan.msk.f32 $0xffff, v0;
	_ =	sdelay $0x2  }
0x297: {  	v53, _, _ =	vpop (xrf2)  }
0x298: {  	v54, _, _ =	vpop (xrf2);
	v0 =	vbroadcast v53, $0xF  }
0x299: {  	v1 =	vbroadcast v54, $0xF;
	v55, _, _ =	vpop (xrf2)  }
0x29a: {  	v56, _, _ =	vpop (xrf2);
	v2 =	vbroadcast v55, $0xF;
	v0 =	vnsel vm9, $0x0, v0  }
0x29b: {  	v4, _, _ =	vpop (xrf2);
	v57 =	vbroadcast v56, $0xF;
	v0 =	vsel vm2, v0, v1  }
0x29c: {  	v58, _, _ =	vpop (xrf2);
	v59 =	vbroadcast v4, $0xF;
	v0 =	vsel vm3, v0, v2  }
0x29d: {  	v4, _, _ =	vpop (xrf2);
	v60 =	vbroadcast v58, $0xF;
	v0 =	vsel vm4, v0, v57  }
0x29e: {  	v61 =	vbroadcast v4, $0xF;
	v0 =	vsel vm5, v0, v59;
	v62, _, _ =	vpop (xrf2)  }
0x29f: {  	v0 =	vsel vm6, v0, v60;
	v63 =	vbroadcast v62, $0xF  }
0x2a0: {  	v0 =	vsel vm7, v0, v61  }
0x2a1: {  	v0 =	vsel vm8, v0, v63  }
0x2a2: {  	s5 =	simm.s32 $0xCC80;
	s2 =	rddreg [dreg:$0x6];
	[tilespmem:$0xCC80] =	vst v0  }
0x2a3: {  	[hbm4b:s2+s4] =	stream.linear.scatter [tilespmem:s5], [sflag:$0x4], $0x80, $0x38;
	[tilespmem:$0xCD00] =	vst v63  }
0x2a4: {  	_ =	swait.ge [sflag:s9], $0x80  }
0x2a5: {  	s3 =	sadd.s32 $0x1, s3;
	s5 =	rddreg [dreg:$0x7]  }
0x2a6: {  	p0 =	sne.s32 s3, s5  }
.Ltmp8:
0x2a7: {  	_ = 	snop;
	(pc) =	sbr.rel @p0 .LBB2_1-.Ltmp8, $3  }
0x2a8: {  	_ =	sdelay $0x1  }
0x2a9: {  	[sflag:s9] =	ssyncset.done $0x0  }
0x2aa: {  	[sflag:s9] =	ssyncadd.s32 $0xFFFFFF80  }
0x2ab: {  	_ =	sfence.sel $0x180000  }
0x2ac: {  	[bflag:$0x0] =	sbarrier.arrive $0xFFFF  }
0x2ad: {  	_ =	strace $0x90000047  }
0x2ae: {  	s0 =	stileid.u32;
	[bflag:$0x2] =	sbarrier.arrive $0xFFFF  }
0x2af: {  	p0 =	sne.s32 s0, $0x0;
	s0 =	rddreg [dreg:$0x4]  }
0x2b0: {  	s0 =	sadd.s32 @!p0 $0x100000, s0  }
0x2b1: {  	[sflag:s0] =	ssyncadd.tile.s32 @!p0 $0x1;
	_ =	shalt  }
.Lfunc_end2:
_tile_overlayer_lowered:
.L_overlay_start_2:
0x2b2: {  	(tag) =	ssettag $0x2  }
0x2b3: {  	s0 =	rddreg [dreg:$0x0];
	s2 =	stileid.u32  }
0x2b4: {  	s1 =	rddreg [dreg:$0x1];
	p0 =	sne.s32 s2, $0x0  }
0x2b5: {  	s3 =	rddreg [dreg:$0x2];
	[bflag:$0x3] =	sbarrier.arrive $0xFFFF;
	s2 =	simm.s32 @!p0 $0x1C04  }
0x2b6: {  	[timem:s3], [sflag:s2] =	dma.local @!p0 [hbm:s0], s1  }
0x2b7: {  	s0 =	simm.s32 @!p0 $0x4  }
0x2b8: {  	_ =	swait.ge @!p0 [sflag:s0], s1  }
0x2b9: {  	s1 =	ssub.s32 @!p0 $0x0, s1;
	[sflag:s0] =	ssyncset.done @!p0 $0x0  }
0x2ba: {  	[sflag:s0] =	ssyncadd.s32 @!p0 s1  }
0x2bb: {  	[bflag:$0x3] =	sbarrier.arrive $0xFFFF  }
0x2bc: {  	_ =	shalt  }

</sc_bundles>
